<compile_context>
chip_gen: v7x
topology: tpu7x:2x2x1
jax: 0.10.2.dev20260603
libtpu: 0.0.44.dev20260713+nightly
codegen_flags: <defaults>
</compile_context>

<pallas_src>
import functools

import jax
import jax.numpy as jnp
from jax import lax
from jax.experimental import pallas as pl
from jax.experimental.pallas import tpu as pltpu
from jax.experimental.pallas import tpu_sc as plsc

BATCH = 16384
TEXT_DIM = 768
HIDDEN = 100
OUT_DIM = 10
HIST = 200
PAD = 16

NC = 2
NS = 16
NW = NC * NS
RW = BATCH // NW
C = 16
CHUNKS = RW // C
TOKS = C * HIST
NGATH = TOKS // 128
NACC = 8


def _issue(ci, wid, wt_hbm, at_hbm, tok_hbm, ann_hbm, tok_s, aidx_s,
           rows_s, arow_s, sem):
    base = wid * RW + ci * C
    pltpu.sync_copy(tok_hbm.at[pl.ds(base * HIST, TOKS)], tok_s)
    pltpu.sync_copy(ann_hbm.at[pl.ds(base, C)], aidx_s)
    for j in range(NGATH):
        pltpu.async_copy(wt_hbm.at[tok_s.at[pl.ds(j * 128, 128)]],
                         rows_s.at[pl.ds(j * 128, 128)], sem)
    pltpu.async_copy(at_hbm.at[aidx_s], arow_s, sem)


def _drain(wt_hbm, at_hbm, rows_s, arow_s, sem):
    pltpu.make_async_copy(wt_hbm.at[pl.ds(0, TOKS)], rows_s, sem).wait()
    pltpu.make_async_copy(at_hbm.at[pl.ds(0, C)], arow_s, sem).wait()


def _compute(ci, wid, rows_s, arow_s, out_v, out_hbm):
    base = wid * RW + ci * C

    def elem_body(e, carry):
        rbase = e * HIST

        def it_body(i, accs):
            r0 = rbase + i * NACC
            return tuple(accs[k] + rows_s[r0 + k, pl.ds(0, PAD)]
                         for k in range(NACC))

        accs = (arow_s[e, pl.ds(0, PAD)],) + tuple(
            jnp.zeros((PAD,), jnp.float32) for _ in range(NACC - 1))
        accs = lax.fori_loop(0, HIST // NACC, it_body, accs)
        a0 = accs[0] + accs[1]
        a1 = accs[2] + accs[3]
        a2 = accs[4] + accs[5]
        a3 = accs[6] + accs[7]
        out_v[pl.ds(e * PAD, PAD)] = (a0 + a1) + (a2 + a3)
        return carry

    lax.fori_loop(0, C, elem_body, 0)
    pltpu.sync_copy(out_v, out_hbm.at[pl.ds(base * PAD, C * PAD)])


def _bias_body(wt_hbm, at_hbm, tok_hbm, ann_hbm, out_hbm,
               tok0, aidx0, rows0, arow0, tok1, aidx1, rows1, arow1,
               out_v, sem0, sem1):
    wid = lax.axis_index("s") * NC + lax.axis_index("c")
    bufs = [(tok0, aidx0, rows0, arow0, sem0),
            (tok1, aidx1, rows1, arow1, sem1)]

    for b in range(2):
        tok_s, aidx_s, rows_s, arow_s, sem = bufs[b]
        _issue(b, wid, wt_hbm, at_hbm, tok_hbm, ann_hbm,
               tok_s, aidx_s, rows_s, arow_s, sem)

    def body(g, carry):
        for b in range(2):
            ci = 2 * g + b
            tok_s, aidx_s, rows_s, arow_s, sem = bufs[b]
            _drain(wt_hbm, at_hbm, rows_s, arow_s, sem)
            _compute(ci, wid, rows_s, arow_s, out_v, out_hbm)
            _issue(ci + 2, wid, wt_hbm, at_hbm, tok_hbm, ann_hbm,
                   tok_s, aidx_s, rows_s, arow_s, sem)
        return carry

    lax.fori_loop(0, CHUNKS // 2 - 1, body, 0)

    for b in range(2):
        ci = CHUNKS - 2 + b
        tok_s, aidx_s, rows_s, arow_s, sem = bufs[b]
        _drain(wt_hbm, at_hbm, rows_s, arow_s, sem)
        _compute(ci, wid, rows_s, arow_s, out_v, out_hbm)


_bias_sc = functools.partial(
    pl.kernel,
    mesh=plsc.VectorSubcoreMesh(core_axis_name="c", subcore_axis_name="s"),
    compiler_params=pltpu.CompilerParams(use_tc_tiling_on_sc=False),
    out_type=jax.ShapeDtypeStruct((BATCH * PAD,), jnp.float32),
    scratch_types=[
        pltpu.VMEM((TOKS,), jnp.int32),
        pltpu.VMEM((C,), jnp.int32),
        pltpu.VMEM((TOKS, PAD), jnp.float32),
        pltpu.VMEM((C, PAD), jnp.float32),
        pltpu.VMEM((TOKS,), jnp.int32),
        pltpu.VMEM((C,), jnp.int32),
        pltpu.VMEM((TOKS, PAD), jnp.float32),
        pltpu.VMEM((C, PAD), jnp.float32),
        pltpu.VMEM((C * PAD,), jnp.float32),
        pltpu.SemaphoreType.DMA,
        pltpu.SemaphoreType.DMA,
    ],
)(_bias_body)


BM = 512


def _mlp_body(x_ref, w1_ref, b1_ref, w2_ref, o_ref):
    h = jnp.dot(x_ref[...], w1_ref[...],
                preferred_element_type=jnp.float32) + b1_ref[...]
    hp = jnp.maximum(h, 0.0) + jnp.log1p(jnp.exp(-jnp.abs(h)))
    o_ref[...] = jnp.dot(hp, w2_ref[...],
                         preferred_element_type=jnp.float32)


def _mlp_tc(x, w1, b1, w2):
    return pl.pallas_call(
        _mlp_body,
        grid=(BATCH // BM,),
        in_specs=[
            pl.BlockSpec((BM, TEXT_DIM), lambda i: (i, 0)),
            pl.BlockSpec((TEXT_DIM, HIDDEN), lambda i: (0, 0)),
            pl.BlockSpec((1, HIDDEN), lambda i: (0, 0)),
            pl.BlockSpec((HIDDEN, OUT_DIM), lambda i: (0, 0)),
        ],
        out_specs=pl.BlockSpec((BM, OUT_DIM), lambda i: (i, 0)),
        out_shape=jax.ShapeDtypeStruct((BATCH, OUT_DIM), jnp.float32),
    )(x, w1, b1, w2)


def _combine_body(m_ref, p_ref, b2_ref, o_ref):
    o_ref[...] = m_ref[...] + b2_ref[...] + p_ref[...][:, :OUT_DIM]


def _combine_tc(mlp, p16, b2):
    return pl.pallas_call(
        _combine_body,
        grid=(BATCH // BM,),
        in_specs=[
            pl.BlockSpec((BM, OUT_DIM), lambda i: (i, 0)),
            pl.BlockSpec((BM, PAD), lambda i: (i, 0)),
            pl.BlockSpec((1, OUT_DIM), lambda i: (0, 0)),
        ],
        out_specs=pl.BlockSpec((BM, OUT_DIM), lambda i: (i, 0)),
        out_shape=jax.ShapeDtypeStruct((BATCH, OUT_DIM), jnp.float32),
    )(mlp, p16, b2)


def kernel(embeddings, annotator_ids, tokens_sorted, W1, b1, W2, b2,
           annotator_table, word_table):
    mlp = _mlp_tc(embeddings, W1, b1.reshape(1, HIDDEN), W2)
    tok_flat = tokens_sorted.astype(jnp.int32).reshape(BATCH * HIST)
    ann_idx = (annotator_ids + 1).astype(jnp.int32)
    wt16 = jnp.pad(word_table, ((0, 0), (0, PAD - OUT_DIM)))
    at16 = jnp.pad(annotator_table, ((0, 0), (0, PAD - OUT_DIM)))
    p16 = _bias_sc(wt16, at16, tok_flat, ann_idx)
    return _combine_tc(mlp, p16.reshape(BATCH, PAD), b2.reshape(1, OUT_DIM))

# --- scband reference (transcript-rebuilt; emitter-appended) ---
"""Pipeline reference for scband-annotator-bias-net-89489938579648 (READ-ONLY COPY).

The authoritative reference and input builder live on the scoring server;
editing this copy changes nothing except your own understanding.
"""

import jax, jax.numpy as jnp
import numpy as np

BATCH = 16384
TEXT_DIM = 768
HIDDEN = 100
OUT_DIM = 10
WORD_NUM = 1000000
ANN_NUM = 100000
HIST = 200

def setup_inputs(seed: int = 0) -> dict:
    key = jax.random.key(seed)
    ks = jax.random.split(key, 10)
    embeddings = jax.random.normal(ks[0], (BATCH, TEXT_DIM), dtype=jnp.float32)
    annotator_ids = jax.random.randint(ks[1], (BATCH,), 0, 99999, dtype=jnp.int64 if jax.config.jax_enable_x64 else jnp.int32)
    tokens_sorted = jax.random.randint(ks[2], (BATCH, HIST), 0, WORD_NUM, dtype=jnp.int64 if jax.config.jax_enable_x64 else jnp.int32)
    # learned parameters
    W1 = jax.random.normal(ks[3], (TEXT_DIM, HIDDEN), dtype=jnp.float32) * (1.0 / np.sqrt(TEXT_DIM))
    b1 = jnp.zeros((HIDDEN,), dtype=jnp.float32)
    W2 = jax.random.normal(ks[4], (HIDDEN, OUT_DIM), dtype=jnp.float32) * (1.0 / np.sqrt(HIDDEN))
    b2 = jnp.zeros((OUT_DIM,), dtype=jnp.float32)
    annotator_table = jax.random.uniform(ks[5], (ANN_NUM, OUT_DIM), dtype=jnp.float32, minval=-0.001, maxval=0.001)
    annotator_table = annotator_table.at[0].set(0.0)  # padding_idx=0
    word_table = jax.random.uniform(ks[6], (WORD_NUM, OUT_DIM), dtype=jnp.float32, minval=-0.001, maxval=0.001)
    word_table = word_table.at[0].set(0.0)  # padding_idx=0
    return {"embeddings": embeddings, "annotator_ids": annotator_ids, "tokens_sorted": tokens_sorted,
            "W1": W1, "b1": b1, "W2": W2, "b2": b2,
            "annotator_table": annotator_table, "word_table": word_table}

def reference(embeddings, annotator_ids, tokens_sorted, W1, b1, W2, b2, annotator_table, word_table):
    x = embeddings.reshape(-1, TEXT_DIM)
    x = x @ W1 + b1
    x = jax.nn.softplus(x)
    annotator_bias = jnp.take(annotator_table, annotator_ids + 1, axis=0)
    word_biases = jnp.take(word_table, tokens_sorted, axis=0)  # [B, HIST, OUT]
    mask = (tokens_sorted != 0)
    word_biases = (word_biases * mask[:, :, None].astype(word_biases.dtype)).sum(axis=1)
    out = x @ W2 + b2 + annotator_bias + word_biases
    return out

if __name__ == "__main__":
    import jax
    _d = setup_inputs()
    print(jax.jit(kernel)(*tuple(_d.values())))

</pallas_src>

<mosaic_0001>
#map = affine_map<(d0, d1) -> (0, 0)>
#map1 = affine_map<(d0, d1) -> (0)>
module attributes {stable_mosaic.version = 14 : i64} {
  func.func @_bias_body(%arg0: i32, %arg1: i32, %arg2: memref<1000000x16xf32, #tpu.memory_space<hbm>>, %arg3: memref<100000x16xf32, #tpu.memory_space<hbm>>, %arg4: memref<3276800xi32, #tpu.memory_space<hbm>>, %arg5: memref<16384xi32, #tpu.memory_space<hbm>>, %arg6: memref<262144xf32, #tpu.memory_space<hbm>>, %arg7: memref<3200xi32, #tpu.memory_space<vmem>>, %arg8: memref<16xi32, #tpu.memory_space<vmem>>, %arg9: memref<3200x16xf32, #tpu.memory_space<vmem>>, %arg10: memref<16x16xf32, #tpu.memory_space<vmem>>, %arg11: memref<3200xi32, #tpu.memory_space<vmem>>, %arg12: memref<16xi32, #tpu.memory_space<vmem>>, %arg13: memref<3200x16xf32, #tpu.memory_space<vmem>>, %arg14: memref<16x16xf32, #tpu.memory_space<vmem>>, %arg15: memref<256xf32, #tpu.memory_space<vmem>>, %arg16: memref<!tpu.dma_semaphore, #tpu.memory_space<semaphore_mem>>, %arg17: memref<!tpu.dma_semaphore, #tpu.memory_space<semaphore_mem>>) attributes {dimension_semantics = [#tpu.dimension_semantics<core_parallel>, #tpu.dimension_semantics<subcore_parallel>], iteration_bounds = array<i64: 2, 16>, scalar_prefetch = 0 : i64, scratch_operands = 11 : i64, tpu.core_type = #tpu.core_type<sc_vector_subcore>, window_params = [{transform_indices = #map}, {transform_indices = #map}, {transform_indices = #map1}, {transform_indices = #map1}, {transform_indices = #map1}]} {
    %mul3A = arith.constant 2 : i32
    %mul3A_0 = arith.muli %arg1, %mul3A : i32
    %add3A = arith.addi %mul3A_0, %arg0 : i32
    %mul3A_1 = arith.constant 512 : i32
    %mul3A_2 = arith.muli %add3A, %mul3A_1 : i32
    %add3A_3 = arith.constant 0 : i32
    %add3A_4 = arith.addi %mul3A_2, %add3A_3 : i32
    %mul3A_5 = arith.constant 200 : i32
    %mul3A_6 = arith.muli %add3A_4, %mul3A_5 : i32
    "tpu.region"() ({
      %run_scoped3A = tpu.sem_alloc : memref<!tpu.dma_semaphore, #tpu.memory_space<semaphore_mem>>
      %dma_start3A_470 = tpu.memref_slice %arg4[%mul3A_6] : memref<3276800xi32, #tpu.memory_space<hbm>> -> memref<3200xi32, #tpu.memory_space<hbm>>
      %dma_start3A_471 = tpu.memref_slice %arg4[%mul3A_6] : memref<3276800xi32, #tpu.memory_space<hbm>> -> memref<3200xi32, #tpu.memory_space<hbm>>
      tpu.enqueue_dma source(%dma_start3A_471 : memref<3200xi32, #tpu.memory_space<hbm>>) target(%arg7 : memref<3200xi32, #tpu.memory_space<vmem>>) target_semaphore(%run_scoped3A : memref<!tpu.dma_semaphore, #tpu.memory_space<semaphore_mem>>)
      %dma_wait3A_472 = tpu.memref_slice %arg4[%mul3A_6] : memref<3276800xi32, #tpu.memory_space<hbm>> -> memref<3200xi32, #tpu.memory_space<hbm>>
      %dma_wait3A_473 = tpu.memref_slice %arg4[%mul3A_6] : memref<3276800xi32, #tpu.memory_space<hbm>> -> memref<3200xi32, #tpu.memory_space<hbm>>
      tpu.wait_dma2 semaphore(%run_scoped3A : memref<!tpu.dma_semaphore, #tpu.memory_space<semaphore_mem>>) src(%dma_wait3A_473 : memref<3200xi32, #tpu.memory_space<hbm>>) dst(%arg7 : memref<3200xi32, #tpu.memory_space<vmem>>)
      tpu.yield
    }) : () -> ()
    "tpu.region"() ({
      %run_scoped3A = tpu.sem_alloc : memref<!tpu.dma_semaphore, #tpu.memory_space<semaphore_mem>>
      %dma_start3A_470 = tpu.memref_slice %arg5[%add3A_4] : memref<16384xi32, #tpu.memory_space<hbm>> -> memref<16xi32, #tpu.memory_space<hbm>>
      %dma_start3A_471 = tpu.memref_slice %arg5[%add3A_4] : memref<16384xi32, #tpu.memory_space<hbm>> -> memref<16xi32, #tpu.memory_space<hbm>>
      tpu.enqueue_dma source(%dma_start3A_471 : memref<16xi32, #tpu.memory_space<hbm>>) target(%arg8 : memref<16xi32, #tpu.memory_space<vmem>>) target_semaphore(%run_scoped3A : memref<!tpu.dma_semaphore, #tpu.memory_space<semaphore_mem>>)
      %dma_wait3A_472 = tpu.memref_slice %arg5[%add3A_4] : memref<16384xi32, #tpu.memory_space<hbm>> -> memref<16xi32, #tpu.memory_space<hbm>>
      %dma_wait3A_473 = tpu.memref_slice %arg5[%add3A_4] : memref<16384xi32, #tpu.memory_space<hbm>> -> memref<16xi32, #tpu.memory_space<hbm>>
      tpu.wait_dma2 semaphore(%run_scoped3A : memref<!tpu.dma_semaphore, #tpu.memory_space<semaphore_mem>>) src(%dma_wait3A_473 : memref<16xi32, #tpu.memory_space<hbm>>) dst(%arg8 : memref<16xi32, #tpu.memory_space<vmem>>)
      tpu.yield
    }) : () -> ()
    %dma_start3A = arith.constant 0 : i32
    %dma_start3A_7 = arith.constant 0 : i32
    %dma_start3A_8 = tpu.memref_slice %arg9[%dma_start3A, %dma_start3A_7] : memref<3200x16xf32, #tpu.memory_space<vmem>> -> memref<128x16xf32, #tpu.memory_space<vmem>>
    %dma_start3A_9 = arith.constant 0 : i32
    %dma_start3A_10 = tpu.memref_slice %arg7[%dma_start3A_9] : memref<3200xi32, #tpu.memory_space<vmem>> -> memref<128xi32, #tpu.memory_space<vmem>>
    %dma_start3A_11 = arith.constant 0 : i32
    %dma_start3A_12 = arith.constant 0 : i32
    %dma_start3A_13 = tpu.memref_slice %arg2[%dma_start3A_11, %dma_start3A_12] : memref<1000000x16xf32, #tpu.memory_space<hbm>> -> memref<1000000x16xf32, #tpu.memory_space<hbm>>
    tpu.enqueue_indirect_dma source(%dma_start3A_13 : memref<1000000x16xf32, #tpu.memory_space<hbm>>) target(%dma_start3A_8 : memref<128x16xf32, #tpu.memory_space<vmem>>) offsets(%dma_start3A_10 : memref<128xi32, #tpu.memory_space<vmem>>) semaphore(%arg16 : memref<!tpu.dma_semaphore, #tpu.memory_space<semaphore_mem>>)
    %dma_start3A_14 = arith.constant 128 : i32
    %dma_start3A_15 = arith.constant 0 : i32
    %dma_start3A_16 = tpu.memref_slice %arg9[%dma_start3A_14, %dma_start3A_15] : memref<3200x16xf32, #tpu.memory_space<vmem>> -> memref<128x16xf32, #tpu.memory_space<vmem>>
    %dma_start3A_17 = arith.constant 128 : i32
    %dma_start3A_18 = tpu.memref_slice %arg7[%dma_start3A_17] : memref<3200xi32, #tpu.memory_space<vmem>> -> memref<128xi32, #tpu.memory_space<vmem>>
    %dma_start3A_19 = arith.constant 0 : i32
    %dma_start3A_20 = arith.constant 0 : i32
    %dma_start3A_21 = tpu.memref_slice %arg2[%dma_start3A_19, %dma_start3A_20] : memref<1000000x16xf32, #tpu.memory_space<hbm>> -> memref<1000000x16xf32, #tpu.memory_space<hbm>>
    tpu.enqueue_indirect_dma source(%dma_start3A_21 : memref<1000000x16xf32, #tpu.memory_space<hbm>>) target(%dma_start3A_16 : memref<128x16xf32, #tpu.memory_space<vmem>>) offsets(%dma_start3A_18 : memref<128xi32, #tpu.memory_space<vmem>>) semaphore(%arg16 : memref<!tpu.dma_semaphore, #tpu.memory_space<semaphore_mem>>)
    %dma_start3A_22 = arith.constant 256 : i32
    %dma_start3A_23 = arith.constant 0 : i32
    %dma_start3A_24 = tpu.memref_slice %arg9[%dma_start3A_22, %dma_start3A_23] : memref<3200x16xf32, #tpu.memory_space<vmem>> -> memref<128x16xf32, #tpu.memory_space<vmem>>
    %dma_start3A_25 = arith.constant 256 : i32
    %dma_start3A_26 = tpu.memref_slice %arg7[%dma_start3A_25] : memref<3200xi32, #tpu.memory_space<vmem>> -> memref<128xi32, #tpu.memory_space<vmem>>
    %dma_start3A_27 = arith.constant 0 : i32
    %dma_start3A_28 = arith.constant 0 : i32
    %dma_start3A_29 = tpu.memref_slice %arg2[%dma_start3A_27, %dma_start3A_28] : memref<1000000x16xf32, #tpu.memory_space<hbm>> -> memref<1000000x16xf32, #tpu.memory_space<hbm>>
    tpu.enqueue_indirect_dma source(%dma_start3A_29 : memref<1000000x16xf32, #tpu.memory_space<hbm>>) target(%dma_start3A_24 : memref<128x16xf32, #tpu.memory_space<vmem>>) offsets(%dma_start3A_26 : memref<128xi32, #tpu.memory_space<vmem>>) semaphore(%arg16 : memref<!tpu.dma_semaphore, #tpu.memory_space<semaphore_mem>>)
    %dma_start3A_30 = arith.constant 384 : i32
    %dma_start3A_31 = arith.constant 0 : i32
    %dma_start3A_32 = tpu.memref_slice %arg9[%dma_start3A_30, %dma_start3A_31] : memref<3200x16xf32, #tpu.memory_space<vmem>> -> memref<128x16xf32, #tpu.memory_space<vmem>>
    %dma_start3A_33 = arith.constant 384 : i32
    %dma_start3A_34 = tpu.memref_slice %arg7[%dma_start3A_33] : memref<3200xi32, #tpu.memory_space<vmem>> -> memref<128xi32, #tpu.memory_space<vmem>>
    %dma_start3A_35 = arith.constant 0 : i32
    %dma_start3A_36 = arith.constant 0 : i32
    %dma_start3A_37 = tpu.memref_slice %arg2[%dma_start3A_35, %dma_start3A_36] : memref<1000000x16xf32, #tpu.memory_space<hbm>> -> memref<1000000x16xf32, #tpu.memory_space<hbm>>
    tpu.enqueue_indirect_dma source(%dma_start3A_37 : memref<1000000x16xf32, #tpu.memory_space<hbm>>) target(%dma_start3A_32 : memref<128x16xf32, #tpu.memory_space<vmem>>) offsets(%dma_start3A_34 : memref<128xi32, #tpu.memory_space<vmem>>) semaphore(%arg16 : memref<!tpu.dma_semaphore, #tpu.memory_space<semaphore_mem>>)
    %dma_start3A_38 = arith.constant 512 : i32
    %dma_start3A_39 = arith.constant 0 : i32
    %dma_start3A_40 = tpu.memref_slice %arg9[%dma_start3A_38, %dma_start3A_39] : memref<3200x16xf32, #tpu.memory_space<vmem>> -> memref<128x16xf32, #tpu.memory_space<vmem>>
    %dma_start3A_41 = arith.constant 512 : i32
    %dma_start3A_42 = tpu.memref_slice %arg7[%dma_start3A_41] : memref<3200xi32, #tpu.memory_space<vmem>> -> memref<128xi32, #tpu.memory_space<vmem>>
    %dma_start3A_43 = arith.constant 0 : i32
    %dma_start3A_44 = arith.constant 0 : i32
    %dma_start3A_45 = tpu.memref_slice %arg2[%dma_start3A_43, %dma_start3A_44] : memref<1000000x16xf32, #tpu.memory_space<hbm>> -> memref<1000000x16xf32, #tpu.memory_space<hbm>>
    tpu.enqueue_indirect_dma source(%dma_start3A_45 : memref<1000000x16xf32, #tpu.memory_space<hbm>>) target(%dma_start3A_40 : memref<128x16xf32, #tpu.memory_space<vmem>>) offsets(%dma_start3A_42 : memref<128xi32, #tpu.memory_space<vmem>>) semaphore(%arg16 : memref<!tpu.dma_semaphore, #tpu.memory_space<semaphore_mem>>)
    %dma_start3A_46 = arith.constant 640 : i32
    %dma_start3A_47 = arith.constant 0 : i32
    %dma_start3A_48 = tpu.memref_slice %arg9[%dma_start3A_46, %dma_start3A_47] : memref<3200x16xf32, #tpu.memory_space<vmem>> -> memref<128x16xf32, #tpu.memory_space<vmem>>
    %dma_start3A_49 = arith.constant 640 : i32
    %dma_start3A_50 = tpu.memref_slice %arg7[%dma_start3A_49] : memref<3200xi32, #tpu.memory_space<vmem>> -> memref<128xi32, #tpu.memory_space<vmem>>
    %dma_start3A_51 = arith.constant 0 : i32
    %dma_start3A_52 = arith.constant 0 : i32
    %dma_start3A_53 = tpu.memref_slice %arg2[%dma_start3A_51, %dma_start3A_52] : memref<1000000x16xf32, #tpu.memory_space<hbm>> -> memref<1000000x16xf32, #tpu.memory_space<hbm>>
    tpu.enqueue_indirect_dma source(%dma_start3A_53 : memref<1000000x16xf32, #tpu.memory_space<hbm>>) target(%dma_start3A_48 : memref<128x16xf32, #tpu.memory_space<vmem>>) offsets(%dma_start3A_50 : memref<128xi32, #tpu.memory_space<vmem>>) semaphore(%arg16 : memref<!tpu.dma_semaphore, #tpu.memory_space<semaphore_mem>>)
    %dma_start3A_54 = arith.constant 768 : i32
    %dma_start3A_55 = arith.constant 0 : i32
    %dma_start3A_56 = tpu.memref_slice %arg9[%dma_start3A_54, %dma_start3A_55] : memref<3200x16xf32, #tpu.memory_space<vmem>> -> memref<128x16xf32, #tpu.memory_space<vmem>>
    %dma_start3A_57 = arith.constant 768 : i32
    %dma_start3A_58 = tpu.memref_slice %arg7[%dma_start3A_57] : memref<3200xi32, #tpu.memory_space<vmem>> -> memref<128xi32, #tpu.memory_space<vmem>>
    %dma_start3A_59 = arith.constant 0 : i32
    %dma_start3A_60 = arith.constant 0 : i32
    %dma_start3A_61 = tpu.memref_slice %arg2[%dma_start3A_59, %dma_start3A_60] : memref<1000000x16xf32, #tpu.memory_space<hbm>> -> memref<1000000x16xf32, #tpu.memory_space<hbm>>
    tpu.enqueue_indirect_dma source(%dma_start3A_61 : memref<1000000x16xf32, #tpu.memory_space<hbm>>) target(%dma_start3A_56 : memref<128x16xf32, #tpu.memory_space<vmem>>) offsets(%dma_start3A_58 : memref<128xi32, #tpu.memory_space<vmem>>) semaphore(%arg16 : memref<!tpu.dma_semaphore, #tpu.memory_space<semaphore_mem>>)
    %dma_start3A_62 = arith.constant 896 : i32
    %dma_start3A_63 = arith.constant 0 : i32
    %dma_start3A_64 = tpu.memref_slice %arg9[%dma_start3A_62, %dma_start3A_63] : memref<3200x16xf32, #tpu.memory_space<vmem>> -> memref<128x16xf32, #tpu.memory_space<vmem>>
    %dma_start3A_65 = arith.constant 896 : i32
    %dma_start3A_66 = tpu.memref_slice %arg7[%dma_start3A_65] : memref<3200xi32, #tpu.memory_space<vmem>> -> memref<128xi32, #tpu.memory_space<vmem>>
    %dma_start3A_67 = arith.constant 0 : i32
    %dma_start3A_68 = arith.constant 0 : i32
    %dma_start3A_69 = tpu.memref_slice %arg2[%dma_start3A_67, %dma_start3A_68] : memref<1000000x16xf32, #tpu.memory_space<hbm>> -> memref<1000000x16xf32, #tpu.memory_space<hbm>>
    tpu.enqueue_indirect_dma source(%dma_start3A_69 : memref<1000000x16xf32, #tpu.memory_space<hbm>>) target(%dma_start3A_64 : memref<128x16xf32, #tpu.memory_space<vmem>>) offsets(%dma_start3A_66 : memref<128xi32, #tpu.memory_space<vmem>>) semaphore(%arg16 : memref<!tpu.dma_semaphore, #tpu.memory_space<semaphore_mem>>)
    %dma_start3A_70 = arith.constant 1024 : i32
    %dma_start3A_71 = arith.constant 0 : i32
    %dma_start3A_72 = tpu.memref_slice %arg9[%dma_start3A_70, %dma_start3A_71] : memref<3200x16xf32, #tpu.memory_space<vmem>> -> memref<128x16xf32, #tpu.memory_space<vmem>>
    %dma_start3A_73 = arith.constant 1024 : i32
    %dma_start3A_74 = tpu.memref_slice %arg7[%dma_start3A_73] : memref<3200xi32, #tpu.memory_space<vmem>> -> memref<128xi32, #tpu.memory_space<vmem>>
    %dma_start3A_75 = arith.constant 0 : i32
    %dma_start3A_76 = arith.constant 0 : i32
    %dma_start3A_77 = tpu.memref_slice %arg2[%dma_start3A_75, %dma_start3A_76] : memref<1000000x16xf32, #tpu.memory_space<hbm>> -> memref<1000000x16xf32, #tpu.memory_space<hbm>>
    tpu.enqueue_indirect_dma source(%dma_start3A_77 : memref<1000000x16xf32, #tpu.memory_space<hbm>>) target(%dma_start3A_72 : memref<128x16xf32, #tpu.memory_space<vmem>>) offsets(%dma_start3A_74 : memref<128xi32, #tpu.memory_space<vmem>>) semaphore(%arg16 : memref<!tpu.dma_semaphore, #tpu.memory_space<semaphore_mem>>)
    %dma_start3A_78 = arith.constant 1152 : i32
    %dma_start3A_79 = arith.constant 0 : i32
    %dma_start3A_80 = tpu.memref_slice %arg9[%dma_start3A_78, %dma_start3A_79] : memref<3200x16xf32, #tpu.memory_space<vmem>> -> memref<128x16xf32, #tpu.memory_space<vmem>>
    %dma_start3A_81 = arith.constant 1152 : i32
    %dma_start3A_82 = tpu.memref_slice %arg7[%dma_start3A_81] : memref<3200xi32, #tpu.memory_space<vmem>> -> memref<128xi32, #tpu.memory_space<vmem>>
    %dma_start3A_83 = arith.constant 0 : i32
    %dma_start3A_84 = arith.constant 0 : i32
    %dma_start3A_85 = tpu.memref_slice %arg2[%dma_start3A_83, %dma_start3A_84] : memref<1000000x16xf32, #tpu.memory_space<hbm>> -> memref<1000000x16xf32, #tpu.memory_space<hbm>>
    tpu.enqueue_indirect_dma source(%dma_start3A_85 : memref<1000000x16xf32, #tpu.memory_space<hbm>>) target(%dma_start3A_80 : memref<128x16xf32, #tpu.memory_space<vmem>>) offsets(%dma_start3A_82 : memref<128xi32, #tpu.memory_space<vmem>>) semaphore(%arg16 : memref<!tpu.dma_semaphore, #tpu.memory_space<semaphore_mem>>)
    %dma_start3A_86 = arith.constant 1280 : i32
    %dma_start3A_87 = arith.constant 0 : i32
    %dma_start3A_88 = tpu.memref_slice %arg9[%dma_start3A_86, %dma_start3A_87] : memref<3200x16xf32, #tpu.memory_space<vmem>> -> memref<128x16xf32, #tpu.memory_space<vmem>>
    %dma_start3A_89 = arith.constant 1280 : i32
    %dma_start3A_90 = tpu.memref_slice %arg7[%dma_start3A_89] : memref<3200xi32, #tpu.memory_space<vmem>> -> memref<128xi32, #tpu.memory_space<vmem>>
    %dma_start3A_91 = arith.constant 0 : i32
    %dma_start3A_92 = arith.constant 0 : i32
    %dma_start3A_93 = tpu.memref_slice %arg2[%dma_start3A_91, %dma_start3A_92] : memref<1000000x16xf32, #tpu.memory_space<hbm>> -> memref<1000000x16xf32, #tpu.memory_space<hbm>>
    tpu.enqueue_indirect_dma source(%dma_start3A_93 : memref<1000000x16xf32, #tpu.memory_space<hbm>>) target(%dma_start3A_88 : memref<128x16xf32, #tpu.memory_space<vmem>>) offsets(%dma_start3A_90 : memref<128xi32, #tpu.memory_space<vmem>>) semaphore(%arg16 : memref<!tpu.dma_semaphore, #tpu.memory_space<semaphore_mem>>)
    %dma_start3A_94 = arith.constant 1408 : i32
    %dma_start3A_95 = arith.constant 0 : i32
    %dma_start3A_96 = tpu.memref_slice %arg9[%dma_start3A_94, %dma_start3A_95] : memref<3200x16xf32, #tpu.memory_space<vmem>> -> memref<128x16xf32, #tpu.memory_space<vmem>>
    %dma_start3A_97 = arith.constant 1408 : i32
    %dma_start3A_98 = tpu.memref_slice %arg7[%dma_start3A_97] : memref<3200xi32, #tpu.memory_space<vmem>> -> memref<128xi32, #tpu.memory_space<vmem>>
    %dma_start3A_99 = arith.constant 0 : i32
    %dma_start3A_100 = arith.constant 0 : i32
    %dma_start3A_101 = tpu.memref_slice %arg2[%dma_start3A_99, %dma_start3A_100] : memref<1000000x16xf32, #tpu.memory_space<hbm>> -> memref<1000000x16xf32, #tpu.memory_space<hbm>>
    tpu.enqueue_indirect_dma source(%dma_start3A_101 : memref<1000000x16xf32, #tpu.memory_space<hbm>>) target(%dma_start3A_96 : memref<128x16xf32, #tpu.memory_space<vmem>>) offsets(%dma_start3A_98 : memref<128xi32, #tpu.memory_space<vmem>>) semaphore(%arg16 : memref<!tpu.dma_semaphore, #tpu.memory_space<semaphore_mem>>)
    %dma_start3A_102 = arith.constant 1536 : i32
    %dma_start3A_103 = arith.constant 0 : i32
    %dma_start3A_104 = tpu.memref_slice %arg9[%dma_start3A_102, %dma_start3A_103] : memref<3200x16xf32, #tpu.memory_space<vmem>> -> memref<128x16xf32, #tpu.memory_space<vmem>>
    %dma_start3A_105 = arith.constant 1536 : i32
    %dma_start3A_106 = tpu.memref_slice %arg7[%dma_start3A_105] : memref<3200xi32, #tpu.memory_space<vmem>> -> memref<128xi32, #tpu.memory_space<vmem>>
    %dma_start3A_107 = arith.constant 0 : i32
    %dma_start3A_108 = arith.constant 0 : i32
    %dma_start3A_109 = tpu.memref_slice %arg2[%dma_start3A_107, %dma_start3A_108] : memref<1000000x16xf32, #tpu.memory_space<hbm>> -> memref<1000000x16xf32, #tpu.memory_space<hbm>>
    tpu.enqueue_indirect_dma source(%dma_start3A_109 : memref<1000000x16xf32, #tpu.memory_space<hbm>>) target(%dma_start3A_104 : memref<128x16xf32, #tpu.memory_space<vmem>>) offsets(%dma_start3A_106 : memref<128xi32, #tpu.memory_space<vmem>>) semaphore(%arg16 : memref<!tpu.dma_semaphore, #tpu.memory_space<semaphore_mem>>)
    %dma_start3A_110 = arith.constant 1664 : i32
    %dma_start3A_111 = arith.constant 0 : i32
    %dma_start3A_112 = tpu.memref_slice %arg9[%dma_start3A_110, %dma_start3A_111] : memref<3200x16xf32, #tpu.memory_space<vmem>> -> memref<128x16xf32, #tpu.memory_space<vmem>>
    %dma_start3A_113 = arith.constant 1664 : i32
    %dma_start3A_114 = tpu.memref_slice %arg7[%dma_start3A_113] : memref<3200xi32, #tpu.memory_space<vmem>> -> memref<128xi32, #tpu.memory_space<vmem>>
    %dma_start3A_115 = arith.constant 0 : i32
    %dma_start3A_116 = arith.constant 0 : i32
    %dma_start3A_117 = tpu.memref_slice %arg2[%dma_start3A_115, %dma_start3A_116] : memref<1000000x16xf32, #tpu.memory_space<hbm>> -> memref<1000000x16xf32, #tpu.memory_space<hbm>>
    tpu.enqueue_indirect_dma source(%dma_start3A_117 : memref<1000000x16xf32, #tpu.memory_space<hbm>>) target(%dma_start3A_112 : memref<128x16xf32, #tpu.memory_space<vmem>>) offsets(%dma_start3A_114 : memref<128xi32, #tpu.memory_space<vmem>>) semaphore(%arg16 : memref<!tpu.dma_semaphore, #tpu.memory_space<semaphore_mem>>)
    %dma_start3A_118 = arith.constant 1792 : i32
    %dma_start3A_119 = arith.constant 0 : i32
    %dma_start3A_120 = tpu.memref_slice %arg9[%dma_start3A_118, %dma_start3A_119] : memref<3200x16xf32, #tpu.memory_space<vmem>> -> memref<128x16xf32, #tpu.memory_space<vmem>>
    %dma_start3A_121 = arith.constant 1792 : i32
    %dma_start3A_122 = tpu.memref_slice %arg7[%dma_start3A_121] : memref<3200xi32, #tpu.memory_space<vmem>> -> memref<128xi32, #tpu.memory_space<vmem>>
    %dma_start3A_123 = arith.constant 0 : i32
    %dma_start3A_124 = arith.constant 0 : i32
    %dma_start3A_125 = tpu.memref_slice %arg2[%dma_start3A_123, %dma_start3A_124] : memref<1000000x16xf32, #tpu.memory_space<hbm>> -> memref<1000000x16xf32, #tpu.memory_space<hbm>>
    tpu.enqueue_indirect_dma source(%dma_start3A_125 : memref<1000000x16xf32, #tpu.memory_space<hbm>>) target(%dma_start3A_120 : memref<128x16xf32, #tpu.memory_space<vmem>>) offsets(%dma_start3A_122 : memref<128xi32, #tpu.memory_space<vmem>>) semaphore(%arg16 : memref<!tpu.dma_semaphore, #tpu.memory_space<semaphore_mem>>)
    %dma_start3A_126 = arith.constant 1920 : i32
    %dma_start3A_127 = arith.constant 0 : i32
    %dma_start3A_128 = tpu.memref_slice %arg9[%dma_start3A_126, %dma_start3A_127] : memref<3200x16xf32, #tpu.memory_space<vmem>> -> memref<128x16xf32, #tpu.memory_space<vmem>>
    %dma_start3A_129 = arith.constant 1920 : i32
    %dma_start3A_130 = tpu.memref_slice %arg7[%dma_start3A_129] : memref<3200xi32, #tpu.memory_space<vmem>> -> memref<128xi32, #tpu.memory_space<vmem>>
    %dma_start3A_131 = arith.constant 0 : i32
    %dma_start3A_132 = arith.constant 0 : i32
    %dma_start3A_133 = tpu.memref_slice %arg2[%dma_start3A_131, %dma_start3A_132] : memref<1000000x16xf32, #tpu.memory_space<hbm>> -> memref<1000000x16xf32, #tpu.memory_space<hbm>>
    tpu.enqueue_indirect_dma source(%dma_start3A_133 : memref<1000000x16xf32, #tpu.memory_space<hbm>>) target(%dma_start3A_128 : memref<128x16xf32, #tpu.memory_space<vmem>>) offsets(%dma_start3A_130 : memref<128xi32, #tpu.memory_space<vmem>>) semaphore(%arg16 : memref<!tpu.dma_semaphore, #tpu.memory_space<semaphore_mem>>)
    %dma_start3A_134 = arith.constant 2048 : i32
    %dma_start3A_135 = arith.constant 0 : i32
    %dma_start3A_136 = tpu.memref_slice %arg9[%dma_start3A_134, %dma_start3A_135] : memref<3200x16xf32, #tpu.memory_space<vmem>> -> memref<128x16xf32, #tpu.memory_space<vmem>>
    %dma_start3A_137 = arith.constant 2048 : i32
    %dma_start3A_138 = tpu.memref_slice %arg7[%dma_start3A_137] : memref<3200xi32, #tpu.memory_space<vmem>> -> memref<128xi32, #tpu.memory_space<vmem>>
    %dma_start3A_139 = arith.constant 0 : i32
    %dma_start3A_140 = arith.constant 0 : i32
    %dma_start3A_141 = tpu.memref_slice %arg2[%dma_start3A_139, %dma_start3A_140] : memref<1000000x16xf32, #tpu.memory_space<hbm>> -> memref<1000000x16xf32, #tpu.memory_space<hbm>>
    tpu.enqueue_indirect_dma source(%dma_start3A_141 : memref<1000000x16xf32, #tpu.memory_space<hbm>>) target(%dma_start3A_136 : memref<128x16xf32, #tpu.memory_space<vmem>>) offsets(%dma_start3A_138 : memref<128xi32, #tpu.memory_space<vmem>>) semaphore(%arg16 : memref<!tpu.dma_semaphore, #tpu.memory_space<semaphore_mem>>)
    %dma_start3A_142 = arith.constant 2176 : i32
    %dma_start3A_143 = arith.constant 0 : i32
    %dma_start3A_144 = tpu.memref_slice %arg9[%dma_start3A_142, %dma_start3A_143] : memref<3200x16xf32, #tpu.memory_space<vmem>> -> memref<128x16xf32, #tpu.memory_space<vmem>>
    %dma_start3A_145 = arith.constant 2176 : i32
    %dma_start3A_146 = tpu.memref_slice %arg7[%dma_start3A_145] : memref<3200xi32, #tpu.memory_space<vmem>> -> memref<128xi32, #tpu.memory_space<vmem>>
    %dma_start3A_147 = arith.constant 0 : i32
    %dma_start3A_148 = arith.constant 0 : i32
    %dma_start3A_149 = tpu.memref_slice %arg2[%dma_start3A_147, %dma_start3A_148] : memref<1000000x16xf32, #tpu.memory_space<hbm>> -> memref<1000000x16xf32, #tpu.memory_space<hbm>>
    tpu.enqueue_indirect_dma source(%dma_start3A_149 : memref<1000000x16xf32, #tpu.memory_space<hbm>>) target(%dma_start3A_144 : memref<128x16xf32, #tpu.memory_space<vmem>>) offsets(%dma_start3A_146 : memref<128xi32, #tpu.memory_space<vmem>>) semaphore(%arg16 : memref<!tpu.dma_semaphore, #tpu.memory_space<semaphore_mem>>)
    %dma_start3A_150 = arith.constant 2304 : i32
    %dma_start3A_151 = arith.constant 0 : i32
    %dma_start3A_152 = tpu.memref_slice %arg9[%dma_start3A_150, %dma_start3A_151] : memref<3200x16xf32, #tpu.memory_space<vmem>> -> memref<128x16xf32, #tpu.memory_space<vmem>>
    %dma_start3A_153 = arith.constant 2304 : i32
    %dma_start3A_154 = tpu.memref_slice %arg7[%dma_start3A_153] : memref<3200xi32, #tpu.memory_space<vmem>> -> memref<128xi32, #tpu.memory_space<vmem>>
    %dma_start3A_155 = arith.constant 0 : i32
    %dma_start3A_156 = arith.constant 0 : i32
    %dma_start3A_157 = tpu.memref_slice %arg2[%dma_start3A_155, %dma_start3A_156] : memref<1000000x16xf32, #tpu.memory_space<hbm>> -> memref<1000000x16xf32, #tpu.memory_space<hbm>>
    tpu.enqueue_indirect_dma source(%dma_start3A_157 : memref<1000000x16xf32, #tpu.memory_space<hbm>>) target(%dma_start3A_152 : memref<128x16xf32, #tpu.memory_space<vmem>>) offsets(%dma_start3A_154 : memref<128xi32, #tpu.memory_space<vmem>>) semaphore(%arg16 : memref<!tpu.dma_semaphore, #tpu.memory_space<semaphore_mem>>)
    %dma_start3A_158 = arith.constant 2432 : i32
    %dma_start3A_159 = arith.constant 0 : i32
    %dma_start3A_160 = tpu.memref_slice %arg9[%dma_start3A_158, %dma_start3A_159] : memref<3200x16xf32, #tpu.memory_space<vmem>> -> memref<128x16xf32, #tpu.memory_space<vmem>>
    %dma_start3A_161 = arith.constant 2432 : i32
    %dma_start3A_162 = tpu.memref_slice %arg7[%dma_start3A_161] : memref<3200xi32, #tpu.memory_space<vmem>> -> memref<128xi32, #tpu.memory_space<vmem>>
    %dma_start3A_163 = arith.constant 0 : i32
    %dma_start3A_164 = arith.constant 0 : i32
    %dma_start3A_165 = tpu.memref_slice %arg2[%dma_start3A_163, %dma_start3A_164] : memref<1000000x16xf32, #tpu.memory_space<hbm>> -> memref<1000000x16xf32, #tpu.memory_space<hbm>>
    tpu.enqueue_indirect_dma source(%dma_start3A_165 : memref<1000000x16xf32, #tpu.memory_space<hbm>>) target(%dma_start3A_160 : memref<128x16xf32, #tpu.memory_space<vmem>>) offsets(%dma_start3A_162 : memref<128xi32, #tpu.memory_space<vmem>>) semaphore(%arg16 : memref<!tpu.dma_semaphore, #tpu.memory_space<semaphore_mem>>)
    %dma_start3A_166 = arith.constant 2560 : i32
    %dma_start3A_167 = arith.constant 0 : i32
    %dma_start3A_168 = tpu.memref_slice %arg9[%dma_start3A_166, %dma_start3A_167] : memref<3200x16xf32, #tpu.memory_space<vmem>> -> memref<128x16xf32, #tpu.memory_space<vmem>>
    %dma_start3A_169 = arith.constant 2560 : i32
    %dma_start3A_170 = tpu.memref_slice %arg7[%dma_start3A_169] : memref<3200xi32, #tpu.memory_space<vmem>> -> memref<128xi32, #tpu.memory_space<vmem>>
    %dma_start3A_171 = arith.constant 0 : i32
    %dma_start3A_172 = arith.constant 0 : i32
    %dma_start3A_173 = tpu.memref_slice %arg2[%dma_start3A_171, %dma_start3A_172] : memref<1000000x16xf32, #tpu.memory_space<hbm>> -> memref<1000000x16xf32, #tpu.memory_space<hbm>>
    tpu.enqueue_indirect_dma source(%dma_start3A_173 : memref<1000000x16xf32, #tpu.memory_space<hbm>>) target(%dma_start3A_168 : memref<128x16xf32, #tpu.memory_space<vmem>>) offsets(%dma_start3A_170 : memref<128xi32, #tpu.memory_space<vmem>>) semaphore(%arg16 : memref<!tpu.dma_semaphore, #tpu.memory_space<semaphore_mem>>)
    %dma_start3A_174 = arith.constant 2688 : i32
    %dma_start3A_175 = arith.constant 0 : i32
    %dma_start3A_176 = tpu.memref_slice %arg9[%dma_start3A_174, %dma_start3A_175] : memref<3200x16xf32, #tpu.memory_space<vmem>> -> memref<128x16xf32, #tpu.memory_space<vmem>>
    %dma_start3A_177 = arith.constant 2688 : i32
    %dma_start3A_178 = tpu.memref_slice %arg7[%dma_start3A_177] : memref<3200xi32, #tpu.memory_space<vmem>> -> memref<128xi32, #tpu.memory_space<vmem>>
    %dma_start3A_179 = arith.constant 0 : i32
    %dma_start3A_180 = arith.constant 0 : i32
    %dma_start3A_181 = tpu.memref_slice %arg2[%dma_start3A_179, %dma_start3A_180] : memref<1000000x16xf32, #tpu.memory_space<hbm>> -> memref<1000000x16xf32, #tpu.memory_space<hbm>>
    tpu.enqueue_indirect_dma source(%dma_start3A_181 : memref<1000000x16xf32, #tpu.memory_space<hbm>>) target(%dma_start3A_176 : memref<128x16xf32, #tpu.memory_space<vmem>>) offsets(%dma_start3A_178 : memref<128xi32, #tpu.memory_space<vmem>>) semaphore(%arg16 : memref<!tpu.dma_semaphore, #tpu.memory_space<semaphore_mem>>)
    %dma_start3A_182 = arith.constant 2816 : i32
    %dma_start3A_183 = arith.constant 0 : i32
    %dma_start3A_184 = tpu.memref_slice %arg9[%dma_start3A_182, %dma_start3A_183] : memref<3200x16xf32, #tpu.memory_space<vmem>> -> memref<128x16xf32, #tpu.memory_space<vmem>>
    %dma_start3A_185 = arith.constant 2816 : i32
    %dma_start3A_186 = tpu.memref_slice %arg7[%dma_start3A_185] : memref<3200xi32, #tpu.memory_space<vmem>> -> memref<128xi32, #tpu.memory_space<vmem>>
    %dma_start3A_187 = arith.constant 0 : i32
    %dma_start3A_188 = arith.constant 0 : i32
    %dma_start3A_189 = tpu.memref_slice %arg2[%dma_start3A_187, %dma_start3A_188] : memref<1000000x16xf32, #tpu.memory_space<hbm>> -> memref<1000000x16xf32, #tpu.memory_space<hbm>>
    tpu.enqueue_indirect_dma source(%dma_start3A_189 : memref<1000000x16xf32, #tpu.memory_space<hbm>>) target(%dma_start3A_184 : memref<128x16xf32, #tpu.memory_space<vmem>>) offsets(%dma_start3A_186 : memref<128xi32, #tpu.memory_space<vmem>>) semaphore(%arg16 : memref<!tpu.dma_semaphore, #tpu.memory_space<semaphore_mem>>)
    %dma_start3A_190 = arith.constant 2944 : i32
    %dma_start3A_191 = arith.constant 0 : i32
    %dma_start3A_192 = tpu.memref_slice %arg9[%dma_start3A_190, %dma_start3A_191] : memref<3200x16xf32, #tpu.memory_space<vmem>> -> memref<128x16xf32, #tpu.memory_space<vmem>>
    %dma_start3A_193 = arith.constant 2944 : i32
    %dma_start3A_194 = tpu.memref_slice %arg7[%dma_start3A_193] : memref<3200xi32, #tpu.memory_space<vmem>> -> memref<128xi32, #tpu.memory_space<vmem>>
    %dma_start3A_195 = arith.constant 0 : i32
    %dma_start3A_196 = arith.constant 0 : i32
    %dma_start3A_197 = tpu.memref_slice %arg2[%dma_start3A_195, %dma_start3A_196] : memref<1000000x16xf32, #tpu.memory_space<hbm>> -> memref<1000000x16xf32, #tpu.memory_space<hbm>>
    tpu.enqueue_indirect_dma source(%dma_start3A_197 : memref<1000000x16xf32, #tpu.memory_space<hbm>>) target(%dma_start3A_192 : memref<128x16xf32, #tpu.memory_space<vmem>>) offsets(%dma_start3A_194 : memref<128xi32, #tpu.memory_space<vmem>>) semaphore(%arg16 : memref<!tpu.dma_semaphore, #tpu.memory_space<semaphore_mem>>)
    %dma_start3A_198 = arith.constant 3072 : i32
    %dma_start3A_199 = arith.constant 0 : i32
    %dma_start3A_200 = tpu.memref_slice %arg9[%dma_start3A_198, %dma_start3A_199] : memref<3200x16xf32, #tpu.memory_space<vmem>> -> memref<128x16xf32, #tpu.memory_space<vmem>>
    %dma_start3A_201 = arith.constant 3072 : i32
    %dma_start3A_202 = tpu.memref_slice %arg7[%dma_start3A_201] : memref<3200xi32, #tpu.memory_space<vmem>> -> memref<128xi32, #tpu.memory_space<vmem>>
    %dma_start3A_203 = arith.constant 0 : i32
    %dma_start3A_204 = arith.constant 0 : i32
    %dma_start3A_205 = tpu.memref_slice %arg2[%dma_start3A_203, %dma_start3A_204] : memref<1000000x16xf32, #tpu.memory_space<hbm>> -> memref<1000000x16xf32, #tpu.memory_space<hbm>>
    tpu.enqueue_indirect_dma source(%dma_start3A_205 : memref<1000000x16xf32, #tpu.memory_space<hbm>>) target(%dma_start3A_200 : memref<128x16xf32, #tpu.memory_space<vmem>>) offsets(%dma_start3A_202 : memref<128xi32, #tpu.memory_space<vmem>>) semaphore(%arg16 : memref<!tpu.dma_semaphore, #tpu.memory_space<semaphore_mem>>)
    %dma_start3A_206 = arith.constant 0 : i32
    %dma_start3A_207 = arith.constant 0 : i32
    %dma_start3A_208 = tpu.memref_slice %arg3[%dma_start3A_206, %dma_start3A_207] : memref<100000x16xf32, #tpu.memory_space<hbm>> -> memref<100000x16xf32, #tpu.memory_space<hbm>>
    tpu.enqueue_indirect_dma source(%dma_start3A_208 : memref<100000x16xf32, #tpu.memory_space<hbm>>) target(%arg10 : memref<16x16xf32, #tpu.memory_space<vmem>>) offsets(%arg8 : memref<16xi32, #tpu.memory_space<vmem>>) semaphore(%arg16 : memref<!tpu.dma_semaphore, #tpu.memory_space<semaphore_mem>>)
    %mul3A_209 = arith.constant 512 : i32
    %mul3A_210 = arith.muli %add3A, %mul3A_209 : i32
    %add3A_211 = arith.constant 16 : i32
    %add3A_212 = arith.addi %mul3A_210, %add3A_211 : i32
    %mul3A_213 = arith.constant 200 : i32
    %mul3A_214 = arith.muli %add3A_212, %mul3A_213 : i32
    "tpu.region"() ({
      %run_scoped3A = tpu.sem_alloc : memref<!tpu.dma_semaphore, #tpu.memory_space<semaphore_mem>>
      %dma_start3A_470 = tpu.memref_slice %arg4[%mul3A_214] : memref<3276800xi32, #tpu.memory_space<hbm>> -> memref<3200xi32, #tpu.memory_space<hbm>>
      %dma_start3A_471 = tpu.memref_slice %arg4[%mul3A_214] : memref<3276800xi32, #tpu.memory_space<hbm>> -> memref<3200xi32, #tpu.memory_space<hbm>>
      tpu.enqueue_dma source(%dma_start3A_471 : memref<3200xi32, #tpu.memory_space<hbm>>) target(%arg11 : memref<3200xi32, #tpu.memory_space<vmem>>) target_semaphore(%run_scoped3A : memref<!tpu.dma_semaphore, #tpu.memory_space<semaphore_mem>>)
      %dma_wait3A_472 = tpu.memref_slice %arg4[%mul3A_214] : memref<3276800xi32, #tpu.memory_space<hbm>> -> memref<3200xi32, #tpu.memory_space<hbm>>
      %dma_wait3A_473 = tpu.memref_slice %arg4[%mul3A_214] : memref<3276800xi32, #tpu.memory_space<hbm>> -> memref<3200xi32, #tpu.memory_space<hbm>>
      tpu.wait_dma2 semaphore(%run_scoped3A : memref<!tpu.dma_semaphore, #tpu.memory_space<semaphore_mem>>) src(%dma_wait3A_473 : memref<3200xi32, #tpu.memory_space<hbm>>) dst(%arg11 : memref<3200xi32, #tpu.memory_space<vmem>>)
      tpu.yield
    }) : () -> ()
    "tpu.region"() ({
      %run_scoped3A = tpu.sem_alloc : memref<!tpu.dma_semaphore, #tpu.memory_space<semaphore_mem>>
      %dma_start3A_470 = tpu.memref_slice %arg5[%add3A_212] : memref<16384xi32, #tpu.memory_space<hbm>> -> memref<16xi32, #tpu.memory_space<hbm>>
      %dma_start3A_471 = tpu.memref_slice %arg5[%add3A_212] : memref<16384xi32, #tpu.memory_space<hbm>> -> memref<16xi32, #tpu.memory_space<hbm>>
      tpu.enqueue_dma source(%dma_start3A_471 : memref<16xi32, #tpu.memory_space<hbm>>) target(%arg12 : memref<16xi32, #tpu.memory_space<vmem>>) target_semaphore(%run_scoped3A : memref<!tpu.dma_semaphore, #tpu.memory_space<semaphore_mem>>)
      %dma_wait3A_472 = tpu.memref_slice %arg5[%add3A_212] : memref<16384xi32, #tpu.memory_space<hbm>> -> memref<16xi32, #tpu.memory_space<hbm>>
      %dma_wait3A_473 = tpu.memref_slice %arg5[%add3A_212] : memref<16384xi32, #tpu.memory_space<hbm>> -> memref<16xi32, #tpu.memory_space<hbm>>
      tpu.wait_dma2 semaphore(%run_scoped3A : memref<!tpu.dma_semaphore, #tpu.memory_space<semaphore_mem>>) src(%dma_wait3A_473 : memref<16xi32, #tpu.memory_space<hbm>>) dst(%arg12 : memref<16xi32, #tpu.memory_space<vmem>>)
      tpu.yield
    }) : () -> ()
    %dma_start3A_215 = arith.constant 0 : i32
    %dma_start3A_216 = arith.constant 0 : i32
    %dma_start3A_217 = tpu.memref_slice %arg13[%dma_start3A_215, %dma_start3A_216] : memref<3200x16xf32, #tpu.memory_space<vmem>> -> memref<128x16xf32, #tpu.memory_space<vmem>>
    %dma_start3A_218 = arith.constant 0 : i32
    %dma_start3A_219 = tpu.memref_slice %arg11[%dma_start3A_218] : memref<3200xi32, #tpu.memory_space<vmem>> -> memref<128xi32, #tpu.memory_space<vmem>>
    %dma_start3A_220 = arith.constant 0 : i32
    %dma_start3A_221 = arith.constant 0 : i32
    %dma_start3A_222 = tpu.memref_slice %arg2[%dma_start3A_220, %dma_start3A_221] : memref<1000000x16xf32, #tpu.memory_space<hbm>> -> memref<1000000x16xf32, #tpu.memory_space<hbm>>
    tpu.enqueue_indirect_dma source(%dma_start3A_222 : memref<1000000x16xf32, #tpu.memory_space<hbm>>) target(%dma_start3A_217 : memref<128x16xf32, #tpu.memory_space<vmem>>) offsets(%dma_start3A_219 : memref<128xi32, #tpu.memory_space<vmem>>) semaphore(%arg17 : memref<!tpu.dma_semaphore, #tpu.memory_space<semaphore_mem>>)
    %dma_start3A_223 = arith.constant 128 : i32
    %dma_start3A_224 = arith.constant 0 : i32
    %dma_start3A_225 = tpu.memref_slice %arg13[%dma_start3A_223, %dma_start3A_224] : memref<3200x16xf32, #tpu.memory_space<vmem>> -> memref<128x16xf32, #tpu.memory_space<vmem>>
    %dma_start3A_226 = arith.constant 128 : i32
    %dma_start3A_227 = tpu.memref_slice %arg11[%dma_start3A_226] : memref<3200xi32, #tpu.memory_space<vmem>> -> memref<128xi32, #tpu.memory_space<vmem>>
    %dma_start3A_228 = arith.constant 0 : i32
    %dma_start3A_229 = arith.constant 0 : i32
    %dma_start3A_230 = tpu.memref_slice %arg2[%dma_start3A_228, %dma_start3A_229] : memref<1000000x16xf32, #tpu.memory_space<hbm>> -> memref<1000000x16xf32, #tpu.memory_space<hbm>>
    tpu.enqueue_indirect_dma source(%dma_start3A_230 : memref<1000000x16xf32, #tpu.memory_space<hbm>>) target(%dma_start3A_225 : memref<128x16xf32, #tpu.memory_space<vmem>>) offsets(%dma_start3A_227 : memref<128xi32, #tpu.memory_space<vmem>>) semaphore(%arg17 : memref<!tpu.dma_semaphore, #tpu.memory_space<semaphore_mem>>)
    %dma_start3A_231 = arith.constant 256 : i32
    %dma_start3A_232 = arith.constant 0 : i32
    %dma_start3A_233 = tpu.memref_slice %arg13[%dma_start3A_231, %dma_start3A_232] : memref<3200x16xf32, #tpu.memory_space<vmem>> -> memref<128x16xf32, #tpu.memory_space<vmem>>
    %dma_start3A_234 = arith.constant 256 : i32
    %dma_start3A_235 = tpu.memref_slice %arg11[%dma_start3A_234] : memref<3200xi32, #tpu.memory_space<vmem>> -> memref<128xi32, #tpu.memory_space<vmem>>
    %dma_start3A_236 = arith.constant 0 : i32
    %dma_start3A_237 = arith.constant 0 : i32
    %dma_start3A_238 = tpu.memref_slice %arg2[%dma_start3A_236, %dma_start3A_237] : memref<1000000x16xf32, #tpu.memory_space<hbm>> -> memref<1000000x16xf32, #tpu.memory_space<hbm>>
    tpu.enqueue_indirect_dma source(%dma_start3A_238 : memref<1000000x16xf32, #tpu.memory_space<hbm>>) target(%dma_start3A_233 : memref<128x16xf32, #tpu.memory_space<vmem>>) offsets(%dma_start3A_235 : memref<128xi32, #tpu.memory_space<vmem>>) semaphore(%arg17 : memref<!tpu.dma_semaphore, #tpu.memory_space<semaphore_mem>>)
    %dma_start3A_239 = arith.constant 384 : i32
    %dma_start3A_240 = arith.constant 0 : i32
    %dma_start3A_241 = tpu.memref_slice %arg13[%dma_start3A_239, %dma_start3A_240] : memref<3200x16xf32, #tpu.memory_space<vmem>> -> memref<128x16xf32, #tpu.memory_space<vmem>>
    %dma_start3A_242 = arith.constant 384 : i32
    %dma_start3A_243 = tpu.memref_slice %arg11[%dma_start3A_242] : memref<3200xi32, #tpu.memory_space<vmem>> -> memref<128xi32, #tpu.memory_space<vmem>>
    %dma_start3A_244 = arith.constant 0 : i32
    %dma_start3A_245 = arith.constant 0 : i32
    %dma_start3A_246 = tpu.memref_slice %arg2[%dma_start3A_244, %dma_start3A_245] : memref<1000000x16xf32, #tpu.memory_space<hbm>> -> memref<1000000x16xf32, #tpu.memory_space<hbm>>
    tpu.enqueue_indirect_dma source(%dma_start3A_246 : memref<1000000x16xf32, #tpu.memory_space<hbm>>) target(%dma_start3A_241 : memref<128x16xf32, #tpu.memory_space<vmem>>) offsets(%dma_start3A_243 : memref<128xi32, #tpu.memory_space<vmem>>) semaphore(%arg17 : memref<!tpu.dma_semaphore, #tpu.memory_space<semaphore_mem>>)
    %dma_start3A_247 = arith.constant 512 : i32
    %dma_start3A_248 = arith.constant 0 : i32
    %dma_start3A_249 = tpu.memref_slice %arg13[%dma_start3A_247, %dma_start3A_248] : memref<3200x16xf32, #tpu.memory_space<vmem>> -> memref<128x16xf32, #tpu.memory_space<vmem>>
    %dma_start3A_250 = arith.constant 512 : i32
    %dma_start3A_251 = tpu.memref_slice %arg11[%dma_start3A_250] : memref<3200xi32, #tpu.memory_space<vmem>> -> memref<128xi32, #tpu.memory_space<vmem>>
    %dma_start3A_252 = arith.constant 0 : i32
    %dma_start3A_253 = arith.constant 0 : i32
    %dma_start3A_254 = tpu.memref_slice %arg2[%dma_start3A_252, %dma_start3A_253] : memref<1000000x16xf32, #tpu.memory_space<hbm>> -> memref<1000000x16xf32, #tpu.memory_space<hbm>>
    tpu.enqueue_indirect_dma source(%dma_start3A_254 : memref<1000000x16xf32, #tpu.memory_space<hbm>>) target(%dma_start3A_249 : memref<128x16xf32, #tpu.memory_space<vmem>>) offsets(%dma_start3A_251 : memref<128xi32, #tpu.memory_space<vmem>>) semaphore(%arg17 : memref<!tpu.dma_semaphore, #tpu.memory_space<semaphore_mem>>)
    %dma_start3A_255 = arith.constant 640 : i32
    %dma_start3A_256 = arith.constant 0 : i32
    %dma_start3A_257 = tpu.memref_slice %arg13[%dma_start3A_255, %dma_start3A_256] : memref<3200x16xf32, #tpu.memory_space<vmem>> -> memref<128x16xf32, #tpu.memory_space<vmem>>
    %dma_start3A_258 = arith.constant 640 : i32
    %dma_start3A_259 = tpu.memref_slice %arg11[%dma_start3A_258] : memref<3200xi32, #tpu.memory_space<vmem>> -> memref<128xi32, #tpu.memory_space<vmem>>
    %dma_start3A_260 = arith.constant 0 : i32
    %dma_start3A_261 = arith.constant 0 : i32
    %dma_start3A_262 = tpu.memref_slice %arg2[%dma_start3A_260, %dma_start3A_261] : memref<1000000x16xf32, #tpu.memory_space<hbm>> -> memref<1000000x16xf32, #tpu.memory_space<hbm>>
    tpu.enqueue_indirect_dma source(%dma_start3A_262 : memref<1000000x16xf32, #tpu.memory_space<hbm>>) target(%dma_start3A_257 : memref<128x16xf32, #tpu.memory_space<vmem>>) offsets(%dma_start3A_259 : memref<128xi32, #tpu.memory_space<vmem>>) semaphore(%arg17 : memref<!tpu.dma_semaphore, #tpu.memory_space<semaphore_mem>>)
    %dma_start3A_263 = arith.constant 768 : i32
    %dma_start3A_264 = arith.constant 0 : i32
    %dma_start3A_265 = tpu.memref_slice %arg13[%dma_start3A_263, %dma_start3A_264] : memref<3200x16xf32, #tpu.memory_space<vmem>> -> memref<128x16xf32, #tpu.memory_space<vmem>>
    %dma_start3A_266 = arith.constant 768 : i32
    %dma_start3A_267 = tpu.memref_slice %arg11[%dma_start3A_266] : memref<3200xi32, #tpu.memory_space<vmem>> -> memref<128xi32, #tpu.memory_space<vmem>>
    %dma_start3A_268 = arith.constant 0 : i32
    %dma_start3A_269 = arith.constant 0 : i32
    %dma_start3A_270 = tpu.memref_slice %arg2[%dma_start3A_268, %dma_start3A_269] : memref<1000000x16xf32, #tpu.memory_space<hbm>> -> memref<1000000x16xf32, #tpu.memory_space<hbm>>
    tpu.enqueue_indirect_dma source(%dma_start3A_270 : memref<1000000x16xf32, #tpu.memory_space<hbm>>) target(%dma_start3A_265 : memref<128x16xf32, #tpu.memory_space<vmem>>) offsets(%dma_start3A_267 : memref<128xi32, #tpu.memory_space<vmem>>) semaphore(%arg17 : memref<!tpu.dma_semaphore, #tpu.memory_space<semaphore_mem>>)
    %dma_start3A_271 = arith.constant 896 : i32
    %dma_start3A_272 = arith.constant 0 : i32
    %dma_start3A_273 = tpu.memref_slice %arg13[%dma_start3A_271, %dma_start3A_272] : memref<3200x16xf32, #tpu.memory_space<vmem>> -> memref<128x16xf32, #tpu.memory_space<vmem>>
    %dma_start3A_274 = arith.constant 896 : i32
    %dma_start3A_275 = tpu.memref_slice %arg11[%dma_start3A_274] : memref<3200xi32, #tpu.memory_space<vmem>> -> memref<128xi32, #tpu.memory_space<vmem>>
    %dma_start3A_276 = arith.constant 0 : i32
    %dma_start3A_277 = arith.constant 0 : i32
    %dma_start3A_278 = tpu.memref_slice %arg2[%dma_start3A_276, %dma_start3A_277] : memref<1000000x16xf32, #tpu.memory_space<hbm>> -> memref<1000000x16xf32, #tpu.memory_space<hbm>>
    tpu.enqueue_indirect_dma source(%dma_start3A_278 : memref<1000000x16xf32, #tpu.memory_space<hbm>>) target(%dma_start3A_273 : memref<128x16xf32, #tpu.memory_space<vmem>>) offsets(%dma_start3A_275 : memref<128xi32, #tpu.memory_space<vmem>>) semaphore(%arg17 : memref<!tpu.dma_semaphore, #tpu.memory_space<semaphore_mem>>)
    %dma_start3A_279 = arith.constant 1024 : i32
    %dma_start3A_280 = arith.constant 0 : i32
    %dma_start3A_281 = tpu.memref_slice %arg13[%dma_start3A_279, %dma_start3A_280] : memref<3200x16xf32, #tpu.memory_space<vmem>> -> memref<128x16xf32, #tpu.memory_space<vmem>>
    %dma_start3A_282 = arith.constant 1024 : i32
    %dma_start3A_283 = tpu.memref_slice %arg11[%dma_start3A_282] : memref<3200xi32, #tpu.memory_space<vmem>> -> memref<128xi32, #tpu.memory_space<vmem>>
    %dma_start3A_284 = arith.constant 0 : i32
    %dma_start3A_285 = arith.constant 0 : i32
    %dma_start3A_286 = tpu.memref_slice %arg2[%dma_start3A_284, %dma_start3A_285] : memref<1000000x16xf32, #tpu.memory_space<hbm>> -> memref<1000000x16xf32, #tpu.memory_space<hbm>>
    tpu.enqueue_indirect_dma source(%dma_start3A_286 : memref<1000000x16xf32, #tpu.memory_space<hbm>>) target(%dma_start3A_281 : memref<128x16xf32, #tpu.memory_space<vmem>>) offsets(%dma_start3A_283 : memref<128xi32, #tpu.memory_space<vmem>>) semaphore(%arg17 : memref<!tpu.dma_semaphore, #tpu.memory_space<semaphore_mem>>)
    %dma_start3A_287 = arith.constant 1152 : i32
    %dma_start3A_288 = arith.constant 0 : i32
    %dma_start3A_289 = tpu.memref_slice %arg13[%dma_start3A_287, %dma_start3A_288] : memref<3200x16xf32, #tpu.memory_space<vmem>> -> memref<128x16xf32, #tpu.memory_space<vmem>>
    %dma_start3A_290 = arith.constant 1152 : i32
    %dma_start3A_291 = tpu.memref_slice %arg11[%dma_start3A_290] : memref<3200xi32, #tpu.memory_space<vmem>> -> memref<128xi32, #tpu.memory_space<vmem>>
    %dma_start3A_292 = arith.constant 0 : i32
    %dma_start3A_293 = arith.constant 0 : i32
    %dma_start3A_294 = tpu.memref_slice %arg2[%dma_start3A_292, %dma_start3A_293] : memref<1000000x16xf32, #tpu.memory_space<hbm>> -> memref<1000000x16xf32, #tpu.memory_space<hbm>>
    tpu.enqueue_indirect_dma source(%dma_start3A_294 : memref<1000000x16xf32, #tpu.memory_space<hbm>>) target(%dma_start3A_289 : memref<128x16xf32, #tpu.memory_space<vmem>>) offsets(%dma_start3A_291 : memref<128xi32, #tpu.memory_space<vmem>>) semaphore(%arg17 : memref<!tpu.dma_semaphore, #tpu.memory_space<semaphore_mem>>)
    %dma_start3A_295 = arith.constant 1280 : i32
    %dma_start3A_296 = arith.constant 0 : i32
    %dma_start3A_297 = tpu.memref_slice %arg13[%dma_start3A_295, %dma_start3A_296] : memref<3200x16xf32, #tpu.memory_space<vmem>> -> memref<128x16xf32, #tpu.memory_space<vmem>>
    %dma_start3A_298 = arith.constant 1280 : i32
    %dma_start3A_299 = tpu.memref_slice %arg11[%dma_start3A_298] : memref<3200xi32, #tpu.memory_space<vmem>> -> memref<128xi32, #tpu.memory_space<vmem>>
    %dma_start3A_300 = arith.constant 0 : i32
    %dma_start3A_301 = arith.constant 0 : i32
    %dma_start3A_302 = tpu.memref_slice %arg2[%dma_start3A_300, %dma_start3A_301] : memref<1000000x16xf32, #tpu.memory_space<hbm>> -> memref<1000000x16xf32, #tpu.memory_space<hbm>>
    tpu.enqueue_indirect_dma source(%dma_start3A_302 : memref<1000000x16xf32, #tpu.memory_space<hbm>>) target(%dma_start3A_297 : memref<128x16xf32, #tpu.memory_space<vmem>>) offsets(%dma_start3A_299 : memref<128xi32, #tpu.memory_space<vmem>>) semaphore(%arg17 : memref<!tpu.dma_semaphore, #tpu.memory_space<semaphore_mem>>)
    %dma_start3A_303 = arith.constant 1408 : i32
    %dma_start3A_304 = arith.constant 0 : i32
    %dma_start3A_305 = tpu.memref_slice %arg13[%dma_start3A_303, %dma_start3A_304] : memref<3200x16xf32, #tpu.memory_space<vmem>> -> memref<128x16xf32, #tpu.memory_space<vmem>>
    %dma_start3A_306 = arith.constant 1408 : i32
    %dma_start3A_307 = tpu.memref_slice %arg11[%dma_start3A_306] : memref<3200xi32, #tpu.memory_space<vmem>> -> memref<128xi32, #tpu.memory_space<vmem>>
    %dma_start3A_308 = arith.constant 0 : i32
    %dma_start3A_309 = arith.constant 0 : i32
    %dma_start3A_310 = tpu.memref_slice %arg2[%dma_start3A_308, %dma_start3A_309] : memref<1000000x16xf32, #tpu.memory_space<hbm>> -> memref<1000000x16xf32, #tpu.memory_space<hbm>>
    tpu.enqueue_indirect_dma source(%dma_start3A_310 : memref<1000000x16xf32, #tpu.memory_space<hbm>>) target(%dma_start3A_305 : memref<128x16xf32, #tpu.memory_space<vmem>>) offsets(%dma_start3A_307 : memref<128xi32, #tpu.memory_space<vmem>>) semaphore(%arg17 : memref<!tpu.dma_semaphore, #tpu.memory_space<semaphore_mem>>)
    %dma_start3A_311 = arith.constant 1536 : i32
    %dma_start3A_312 = arith.constant 0 : i32
    %dma_start3A_313 = tpu.memref_slice %arg13[%dma_start3A_311, %dma_start3A_312] : memref<3200x16xf32, #tpu.memory_space<vmem>> -> memref<128x16xf32, #tpu.memory_space<vmem>>
    %dma_start3A_314 = arith.constant 1536 : i32
    %dma_start3A_315 = tpu.memref_slice %arg11[%dma_start3A_314] : memref<3200xi32, #tpu.memory_space<vmem>> -> memref<128xi32, #tpu.memory_space<vmem>>
    %dma_start3A_316 = arith.constant 0 : i32
    %dma_start3A_317 = arith.constant 0 : i32
    %dma_start3A_318 = tpu.memref_slice %arg2[%dma_start3A_316, %dma_start3A_317] : memref<1000000x16xf32, #tpu.memory_space<hbm>> -> memref<1000000x16xf32, #tpu.memory_space<hbm>>
    tpu.enqueue_indirect_dma source(%dma_start3A_318 : memref<1000000x16xf32, #tpu.memory_space<hbm>>) target(%dma_start3A_313 : memref<128x16xf32, #tpu.memory_space<vmem>>) offsets(%dma_start3A_315 : memref<128xi32, #tpu.memory_space<vmem>>) semaphore(%arg17 : memref<!tpu.dma_semaphore, #tpu.memory_space<semaphore_mem>>)
    %dma_start3A_319 = arith.constant 1664 : i32
    %dma_start3A_320 = arith.constant 0 : i32
    %dma_start3A_321 = tpu.memref_slice %arg13[%dma_start3A_319, %dma_start3A_320] : memref<3200x16xf32, #tpu.memory_space<vmem>> -> memref<128x16xf32, #tpu.memory_space<vmem>>
    %dma_start3A_322 = arith.constant 1664 : i32
    %dma_start3A_323 = tpu.memref_slice %arg11[%dma_start3A_322] : memref<3200xi32, #tpu.memory_space<vmem>> -> memref<128xi32, #tpu.memory_space<vmem>>
    %dma_start3A_324 = arith.constant 0 : i32
    %dma_start3A_325 = arith.constant 0 : i32
    %dma_start3A_326 = tpu.memref_slice %arg2[%dma_start3A_324, %dma_start3A_325] : memref<1000000x16xf32, #tpu.memory_space<hbm>> -> memref<1000000x16xf32, #tpu.memory_space<hbm>>
    tpu.enqueue_indirect_dma source(%dma_start3A_326 : memref<1000000x16xf32, #tpu.memory_space<hbm>>) target(%dma_start3A_321 : memref<128x16xf32, #tpu.memory_space<vmem>>) offsets(%dma_start3A_323 : memref<128xi32, #tpu.memory_space<vmem>>) semaphore(%arg17 : memref<!tpu.dma_semaphore, #tpu.memory_space<semaphore_mem>>)
    %dma_start3A_327 = arith.constant 1792 : i32
    %dma_start3A_328 = arith.constant 0 : i32
    %dma_start3A_329 = tpu.memref_slice %arg13[%dma_start3A_327, %dma_start3A_328] : memref<3200x16xf32, #tpu.memory_space<vmem>> -> memref<128x16xf32, #tpu.memory_space<vmem>>
    %dma_start3A_330 = arith.constant 1792 : i32
    %dma_start3A_331 = tpu.memref_slice %arg11[%dma_start3A_330] : memref<3200xi32, #tpu.memory_space<vmem>> -> memref<128xi32, #tpu.memory_space<vmem>>
    %dma_start3A_332 = arith.constant 0 : i32
    %dma_start3A_333 = arith.constant 0 : i32
    %dma_start3A_334 = tpu.memref_slice %arg2[%dma_start3A_332, %dma_start3A_333] : memref<1000000x16xf32, #tpu.memory_space<hbm>> -> memref<1000000x16xf32, #tpu.memory_space<hbm>>
    tpu.enqueue_indirect_dma source(%dma_start3A_334 : memref<1000000x16xf32, #tpu.memory_space<hbm>>) target(%dma_start3A_329 : memref<128x16xf32, #tpu.memory_space<vmem>>) offsets(%dma_start3A_331 : memref<128xi32, #tpu.memory_space<vmem>>) semaphore(%arg17 : memref<!tpu.dma_semaphore, #tpu.memory_space<semaphore_mem>>)
    %dma_start3A_335 = arith.constant 1920 : i32
    %dma_start3A_336 = arith.constant 0 : i32
    %dma_start3A_337 = tpu.memref_slice %arg13[%dma_start3A_335, %dma_start3A_336] : memref<3200x16xf32, #tpu.memory_space<vmem>> -> memref<128x16xf32, #tpu.memory_space<vmem>>
    %dma_start3A_338 = arith.constant 1920 : i32
    %dma_start3A_339 = tpu.memref_slice %arg11[%dma_start3A_338] : memref<3200xi32, #tpu.memory_space<vmem>> -> memref<128xi32, #tpu.memory_space<vmem>>
    %dma_start3A_340 = arith.constant 0 : i32
    %dma_start3A_341 = arith.constant 0 : i32
    %dma_start3A_342 = tpu.memref_slice %arg2[%dma_start3A_340, %dma_start3A_341] : memref<1000000x16xf32, #tpu.memory_space<hbm>> -> memref<1000000x16xf32, #tpu.memory_space<hbm>>
    tpu.enqueue_indirect_dma source(%dma_start3A_342 : memref<1000000x16xf32, #tpu.memory_space<hbm>>) target(%dma_start3A_337 : memref<128x16xf32, #tpu.memory_space<vmem>>) offsets(%dma_start3A_339 : memref<128xi32, #tpu.memory_space<vmem>>) semaphore(%arg17 : memref<!tpu.dma_semaphore, #tpu.memory_space<semaphore_mem>>)
    %dma_start3A_343 = arith.constant 2048 : i32
    %dma_start3A_344 = arith.constant 0 : i32
    %dma_start3A_345 = tpu.memref_slice %arg13[%dma_start3A_343, %dma_start3A_344] : memref<3200x16xf32, #tpu.memory_space<vmem>> -> memref<128x16xf32, #tpu.memory_space<vmem>>
    %dma_start3A_346 = arith.constant 2048 : i32
    %dma_start3A_347 = tpu.memref_slice %arg11[%dma_start3A_346] : memref<3200xi32, #tpu.memory_space<vmem>> -> memref<128xi32, #tpu.memory_space<vmem>>
    %dma_start3A_348 = arith.constant 0 : i32
    %dma_start3A_349 = arith.constant 0 : i32
    %dma_start3A_350 = tpu.memref_slice %arg2[%dma_start3A_348, %dma_start3A_349] : memref<1000000x16xf32, #tpu.memory_space<hbm>> -> memref<1000000x16xf32, #tpu.memory_space<hbm>>
    tpu.enqueue_indirect_dma source(%dma_start3A_350 : memref<1000000x16xf32, #tpu.memory_space<hbm>>) target(%dma_start3A_345 : memref<128x16xf32, #tpu.memory_space<vmem>>) offsets(%dma_start3A_347 : memref<128xi32, #tpu.memory_space<vmem>>) semaphore(%arg17 : memref<!tpu.dma_semaphore, #tpu.memory_space<semaphore_mem>>)
    %dma_start3A_351 = arith.constant 2176 : i32
    %dma_start3A_352 = arith.constant 0 : i32
    %dma_start3A_353 = tpu.memref_slice %arg13[%dma_start3A_351, %dma_start3A_352] : memref<3200x16xf32, #tpu.memory_space<vmem>> -> memref<128x16xf32, #tpu.memory_space<vmem>>
    %dma_start3A_354 = arith.constant 2176 : i32
    %dma_start3A_355 = tpu.memref_slice %arg11[%dma_start3A_354] : memref<3200xi32, #tpu.memory_space<vmem>> -> memref<128xi32, #tpu.memory_space<vmem>>
    %dma_start3A_356 = arith.constant 0 : i32
    %dma_start3A_357 = arith.constant 0 : i32
    %dma_start3A_358 = tpu.memref_slice %arg2[%dma_start3A_356, %dma_start3A_357] : memref<1000000x16xf32, #tpu.memory_space<hbm>> -> memref<1000000x16xf32, #tpu.memory_space<hbm>>
    tpu.enqueue_indirect_dma source(%dma_start3A_358 : memref<1000000x16xf32, #tpu.memory_space<hbm>>) target(%dma_start3A_353 : memref<128x16xf32, #tpu.memory_space<vmem>>) offsets(%dma_start3A_355 : memref<128xi32, #tpu.memory_space<vmem>>) semaphore(%arg17 : memref<!tpu.dma_semaphore, #tpu.memory_space<semaphore_mem>>)
    %dma_start3A_359 = arith.constant 2304 : i32
    %dma_start3A_360 = arith.constant 0 : i32
    %dma_start3A_361 = tpu.memref_slice %arg13[%dma_start3A_359, %dma_start3A_360] : memref<3200x16xf32, #tpu.memory_space<vmem>> -> memref<128x16xf32, #tpu.memory_space<vmem>>
    %dma_start3A_362 = arith.constant 2304 : i32
    %dma_start3A_363 = tpu.memref_slice %arg11[%dma_start3A_362] : memref<3200xi32, #tpu.memory_space<vmem>> -> memref<128xi32, #tpu.memory_space<vmem>>
    %dma_start3A_364 = arith.constant 0 : i32
    %dma_start3A_365 = arith.constant 0 : i32
    %dma_start3A_366 = tpu.memref_slice %arg2[%dma_start3A_364, %dma_start3A_365] : memref<1000000x16xf32, #tpu.memory_space<hbm>> -> memref<1000000x16xf32, #tpu.memory_space<hbm>>
    tpu.enqueue_indirect_dma source(%dma_start3A_366 : memref<1000000x16xf32, #tpu.memory_space<hbm>>) target(%dma_start3A_361 : memref<128x16xf32, #tpu.memory_space<vmem>>) offsets(%dma_start3A_363 : memref<128xi32, #tpu.memory_space<vmem>>) semaphore(%arg17 : memref<!tpu.dma_semaphore, #tpu.memory_space<semaphore_mem>>)
    %dma_start3A_367 = arith.constant 2432 : i32
    %dma_start3A_368 = arith.constant 0 : i32
    %dma_start3A_369 = tpu.memref_slice %arg13[%dma_start3A_367, %dma_start3A_368] : memref<3200x16xf32, #tpu.memory_space<vmem>> -> memref<128x16xf32, #tpu.memory_space<vmem>>
    %dma_start3A_370 = arith.constant 2432 : i32
    %dma_start3A_371 = tpu.memref_slice %arg11[%dma_start3A_370] : memref<3200xi32, #tpu.memory_space<vmem>> -> memref<128xi32, #tpu.memory_space<vmem>>
    %dma_start3A_372 = arith.constant 0 : i32
    %dma_start3A_373 = arith.constant 0 : i32
    %dma_start3A_374 = tpu.memref_slice %arg2[%dma_start3A_372, %dma_start3A_373] : memref<1000000x16xf32, #tpu.memory_space<hbm>> -> memref<1000000x16xf32, #tpu.memory_space<hbm>>
    tpu.enqueue_indirect_dma source(%dma_start3A_374 : memref<1000000x16xf32, #tpu.memory_space<hbm>>) target(%dma_start3A_369 : memref<128x16xf32, #tpu.memory_space<vmem>>) offsets(%dma_start3A_371 : memref<128xi32, #tpu.memory_space<vmem>>) semaphore(%arg17 : memref<!tpu.dma_semaphore, #tpu.memory_space<semaphore_mem>>)
    %dma_start3A_375 = arith.constant 2560 : i32
    %dma_start3A_376 = arith.constant 0 : i32
    %dma_start3A_377 = tpu.memref_slice %arg13[%dma_start3A_375, %dma_start3A_376] : memref<3200x16xf32, #tpu.memory_space<vmem>> -> memref<128x16xf32, #tpu.memory_space<vmem>>
    %dma_start3A_378 = arith.constant 2560 : i32
    %dma_start3A_379 = tpu.memref_slice %arg11[%dma_start3A_378] : memref<3200xi32, #tpu.memory_space<vmem>> -> memref<128xi32, #tpu.memory_space<vmem>>
    %dma_start3A_380 = arith.constant 0 : i32
    %dma_start3A_381 = arith.constant 0 : i32
    %dma_start3A_382 = tpu.memref_slice %arg2[%dma_start3A_380, %dma_start3A_381] : memref<1000000x16xf32, #tpu.memory_space<hbm>> -> memref<1000000x16xf32, #tpu.memory_space<hbm>>
    tpu.enqueue_indirect_dma source(%dma_start3A_382 : memref<1000000x16xf32, #tpu.memory_space<hbm>>) target(%dma_start3A_377 : memref<128x16xf32, #tpu.memory_space<vmem>>) offsets(%dma_start3A_379 : memref<128xi32, #tpu.memory_space<vmem>>) semaphore(%arg17 : memref<!tpu.dma_semaphore, #tpu.memory_space<semaphore_mem>>)
    %dma_start3A_383 = arith.constant 2688 : i32
    %dma_start3A_384 = arith.constant 0 : i32
    %dma_start3A_385 = tpu.memref_slice %arg13[%dma_start3A_383, %dma_start3A_384] : memref<3200x16xf32, #tpu.memory_space<vmem>> -> memref<128x16xf32, #tpu.memory_space<vmem>>
    %dma_start3A_386 = arith.constant 2688 : i32
    %dma_start3A_387 = tpu.memref_slice %arg11[%dma_start3A_386] : memref<3200xi32, #tpu.memory_space<vmem>> -> memref<128xi32, #tpu.memory_space<vmem>>
    %dma_start3A_388 = arith.constant 0 : i32
    %dma_start3A_389 = arith.constant 0 : i32
    %dma_start3A_390 = tpu.memref_slice %arg2[%dma_start3A_388, %dma_start3A_389] : memref<1000000x16xf32, #tpu.memory_space<hbm>> -> memref<1000000x16xf32, #tpu.memory_space<hbm>>
    tpu.enqueue_indirect_dma source(%dma_start3A_390 : memref<1000000x16xf32, #tpu.memory_space<hbm>>) target(%dma_start3A_385 : memref<128x16xf32, #tpu.memory_space<vmem>>) offsets(%dma_start3A_387 : memref<128xi32, #tpu.memory_space<vmem>>) semaphore(%arg17 : memref<!tpu.dma_semaphore, #tpu.memory_space<semaphore_mem>>)
    %dma_start3A_391 = arith.constant 2816 : i32
    %dma_start3A_392 = arith.constant 0 : i32
    %dma_start3A_393 = tpu.memref_slice %arg13[%dma_start3A_391, %dma_start3A_392] : memref<3200x16xf32, #tpu.memory_space<vmem>> -> memref<128x16xf32, #tpu.memory_space<vmem>>
    %dma_start3A_394 = arith.constant 2816 : i32
    %dma_start3A_395 = tpu.memref_slice %arg11[%dma_start3A_394] : memref<3200xi32, #tpu.memory_space<vmem>> -> memref<128xi32, #tpu.memory_space<vmem>>
    %dma_start3A_396 = arith.constant 0 : i32
    %dma_start3A_397 = arith.constant 0 : i32
    %dma_start3A_398 = tpu.memref_slice %arg2[%dma_start3A_396, %dma_start3A_397] : memref<1000000x16xf32, #tpu.memory_space<hbm>> -> memref<1000000x16xf32, #tpu.memory_space<hbm>>
    tpu.enqueue_indirect_dma source(%dma_start3A_398 : memref<1000000x16xf32, #tpu.memory_space<hbm>>) target(%dma_start3A_393 : memref<128x16xf32, #tpu.memory_space<vmem>>) offsets(%dma_start3A_395 : memref<128xi32, #tpu.memory_space<vmem>>) semaphore(%arg17 : memref<!tpu.dma_semaphore, #tpu.memory_space<semaphore_mem>>)
    %dma_start3A_399 = arith.constant 2944 : i32
    %dma_start3A_400 = arith.constant 0 : i32
    %dma_start3A_401 = tpu.memref_slice %arg13[%dma_start3A_399, %dma_start3A_400] : memref<3200x16xf32, #tpu.memory_space<vmem>> -> memref<128x16xf32, #tpu.memory_space<vmem>>
    %dma_start3A_402 = arith.constant 2944 : i32
    %dma_start3A_403 = tpu.memref_slice %arg11[%dma_start3A_402] : memref<3200xi32, #tpu.memory_space<vmem>> -> memref<128xi32, #tpu.memory_space<vmem>>
    %dma_start3A_404 = arith.constant 0 : i32
    %dma_start3A_405 = arith.constant 0 : i32
    %dma_start3A_406 = tpu.memref_slice %arg2[%dma_start3A_404, %dma_start3A_405] : memref<1000000x16xf32, #tpu.memory_space<hbm>> -> memref<1000000x16xf32, #tpu.memory_space<hbm>>
    tpu.enqueue_indirect_dma source(%dma_start3A_406 : memref<1000000x16xf32, #tpu.memory_space<hbm>>) target(%dma_start3A_401 : memref<128x16xf32, #tpu.memory_space<vmem>>) offsets(%dma_start3A_403 : memref<128xi32, #tpu.memory_space<vmem>>) semaphore(%arg17 : memref<!tpu.dma_semaphore, #tpu.memory_space<semaphore_mem>>)
    %dma_start3A_407 = arith.constant 3072 : i32
    %dma_start3A_408 = arith.constant 0 : i32
    %dma_start3A_409 = tpu.memref_slice %arg13[%dma_start3A_407, %dma_start3A_408] : memref<3200x16xf32, #tpu.memory_space<vmem>> -> memref<128x16xf32, #tpu.memory_space<vmem>>
    %dma_start3A_410 = arith.constant 3072 : i32
    %dma_start3A_411 = tpu.memref_slice %arg11[%dma_start3A_410] : memref<3200xi32, #tpu.memory_space<vmem>> -> memref<128xi32, #tpu.memory_space<vmem>>
    %dma_start3A_412 = arith.constant 0 : i32
    %dma_start3A_413 = arith.constant 0 : i32
    %dma_start3A_414 = tpu.memref_slice %arg2[%dma_start3A_412, %dma_start3A_413] : memref<1000000x16xf32, #tpu.memory_space<hbm>> -> memref<1000000x16xf32, #tpu.memory_space<hbm>>
    tpu.enqueue_indirect_dma source(%dma_start3A_414 : memref<1000000x16xf32, #tpu.memory_space<hbm>>) target(%dma_start3A_409 : memref<128x16xf32, #tpu.memory_space<vmem>>) offsets(%dma_start3A_411 : memref<128xi32, #tpu.memory_space<vmem>>) semaphore(%arg17 : memref<!tpu.dma_semaphore, #tpu.memory_space<semaphore_mem>>)
    %dma_start3A_415 = arith.constant 0 : i32
    %dma_start3A_416 = arith.constant 0 : i32
    %dma_start3A_417 = tpu.memref_slice %arg3[%dma_start3A_415, %dma_start3A_416] : memref<100000x16xf32, #tpu.memory_space<hbm>> -> memref<100000x16xf32, #tpu.memory_space<hbm>>
    tpu.enqueue_indirect_dma source(%dma_start3A_417 : memref<100000x16xf32, #tpu.memory_space<hbm>>) target(%arg14 : memref<16x16xf32, #tpu.memory_space<vmem>>) offsets(%arg12 : memref<16xi32, #tpu.memory_space<vmem>>) semaphore(%arg17 : memref<!tpu.dma_semaphore, #tpu.memory_space<semaphore_mem>>)
    %scan3A = arith.constant 0 : i32
    %scan3A_418 = arith.constant 0 : i32
    %scan3A_419 = arith.constant 15 : i32
    %scan3A_420 = arith.addi %scan3A_418, %scan3A_419 : i32
    %scan3A_421 = arith.constant 1 : i32
    scf.for %scan3A_470 = %scan3A_418 to %scan3A_420 step %scan3A_421  : i32 {
      %mul3A_471 = arith.constant 2 : i32
      %mul3A_472 = arith.muli %mul3A_471, %scan3A_470 : i32
      %add3A_473 = arith.constant 0 : i32
      %add3A_474 = arith.addi %mul3A_472, %add3A_473 : i32
      %dma_wait3A_475 = arith.constant 0 : i32
      %dma_wait3A_476 = arith.constant 0 : i32
      %dma_wait3A_477 = tpu.memref_slice %arg2[%dma_wait3A_475, %dma_wait3A_476] : memref<1000000x16xf32, #tpu.memory_space<hbm>> -> memref<3200x16xf32, #tpu.memory_space<hbm>>
      %dma_wait3A_478 = arith.constant 0 : i32
      %dma_wait3A_479 = arith.constant 0 : i32
      %dma_wait3A_480 = tpu.memref_slice %arg2[%dma_wait3A_478, %dma_wait3A_479] : memref<1000000x16xf32, #tpu.memory_space<hbm>> -> memref<3200x16xf32, #tpu.memory_space<hbm>>
      tpu.wait_dma2 semaphore(%arg16 : memref<!tpu.dma_semaphore, #tpu.memory_space<semaphore_mem>>) src(%dma_wait3A_480 : memref<3200x16xf32, #tpu.memory_space<hbm>>) dst(%arg9 : memref<3200x16xf32, #tpu.memory_space<vmem>>)
      %dma_wait3A_481 = arith.constant 0 : i32
      %dma_wait3A_482 = arith.constant 0 : i32
      %dma_wait3A_483 = tpu.memref_slice %arg3[%dma_wait3A_481, %dma_wait3A_482] : memref<100000x16xf32, #tpu.memory_space<hbm>> -> memref<16x16xf32, #tpu.memory_space<hbm>>
      %dma_wait3A_484 = arith.constant 0 : i32
      %dma_wait3A_485 = arith.constant 0 : i32
      %dma_wait3A_486 = tpu.memref_slice %arg3[%dma_wait3A_484, %dma_wait3A_485] : memref<100000x16xf32, #tpu.memory_space<hbm>> -> memref<16x16xf32, #tpu.memory_space<hbm>>
      tpu.wait_dma2 semaphore(%arg16 : memref<!tpu.dma_semaphore, #tpu.memory_space<semaphore_mem>>) src(%dma_wait3A_486 : memref<16x16xf32, #tpu.memory_space<hbm>>) dst(%arg10 : memref<16x16xf32, #tpu.memory_space<vmem>>)
      %mul3A_487 = arith.constant 512 : i32
      %mul3A_488 = arith.muli %add3A, %mul3A_487 : i32
      %mul3A_489 = arith.constant 16 : i32
      %mul3A_490 = arith.muli %add3A_474, %mul3A_489 : i32
      %add3A_491 = arith.addi %mul3A_488, %mul3A_490 : i32
      %scan3A_492 = arith.constant 0 : i32
      %scan3A_493 = arith.constant 0 : i32
      %scan3A_494 = arith.constant 16 : i32
      %scan3A_495 = arith.addi %scan3A_493, %scan3A_494 : i32
      %scan3A_496 = arith.constant 1 : i32
      scf.for %scan3A_953 = %scan3A_493 to %scan3A_495 step %scan3A_496  : i32 {
        %mul3A_954 = arith.constant 200 : i32
        %mul3A_955 = arith.muli %scan3A_953, %mul3A_954 : i32
        %get3A = arith.index_cast %scan3A_953 : i32 to index
        %get3A_956 = arith.constant 0 : index
        %get3A_957 = tpu.vector_load %arg10[%get3A, %get3A_956] {strides = array<i32>} : memref<16x16xf32, #tpu.memory_space<vmem>>, vector<1x16xf32>,
        %get3A_958 = vector.shape_cast %get3A_957 : vector<1x16xf32> to vector<16xf32>
        %broadcast_in_dim3A = arith.constant 0.000000e+00 : f32
        %broadcast_in_dim3A_959 = vector.broadcast %broadcast_in_dim3A : f32 to vector<16xf32>
        %broadcast_in_dim3A_960 = arith.constant 0.000000e+00 : f32
        %broadcast_in_dim3A_961 = vector.broadcast %broadcast_in_dim3A_960 : f32 to vector<16xf32>
        %broadcast_in_dim3A_962 = arith.constant 0.000000e+00 : f32
        %broadcast_in_dim3A_963 = vector.broadcast %broadcast_in_dim3A_962 : f32 to vector<16xf32>
        %broadcast_in_dim3A_964 = arith.constant 0.000000e+00 : f32
        %broadcast_in_dim3A_965 = vector.broadcast %broadcast_in_dim3A_964 : f32 to vector<16xf32>
        %broadcast_in_dim3A_966 = arith.constant 0.000000e+00 : f32
        %broadcast_in_dim3A_967 = vector.broadcast %broadcast_in_dim3A_966 : f32 to vector<16xf32>
        %broadcast_in_dim3A_968 = arith.constant 0.000000e+00 : f32
        %broadcast_in_dim3A_969 = vector.broadcast %broadcast_in_dim3A_968 : f32 to vector<16xf32>
        %broadcast_in_dim3A_970 = arith.constant 0.000000e+00 : f32
        %broadcast_in_dim3A_971 = vector.broadcast %broadcast_in_dim3A_970 : f32 to vector<16xf32>
        %scan3A_972 = arith.constant 0 : i32
        %scan3A_973 = arith.constant 25 : i32
        %scan3A_974 = arith.addi %scan3A_972, %scan3A_973 : i32
        %scan3A_975 = arith.constant 1 : i32
        %scan3A_976:8 = scf.for %scan3A_990 = %scan3A_972 to %scan3A_974 step %scan3A_975 iter_args(%scan3A_991 = %get3A_958, %scan3A_992 = %broadcast_in_dim3A_959, %scan3A_993 = %broadcast_in_dim3A_961, %scan3A_994 = %broadcast_in_dim3A_963, %scan3A_995 = %broadcast_in_dim3A_965, %scan3A_996 = %broadcast_in_dim3A_967, %scan3A_997 = %broadcast_in_dim3A_969, %scan3A_998 = %broadcast_in_dim3A_971) -> (vector<16xf32>, vector<16xf32>, vector<16xf32>, vector<16xf32>, vector<16xf32>, vector<16xf32>, vector<16xf32>, vector<16xf32>)  : i32 {
          %mul3A_999 = arith.constant 8 : i32
          %mul3A_1000 = arith.muli %scan3A_990, %mul3A_999 : i32
          %add3A_1001 = arith.addi %mul3A_955, %mul3A_1000 : i32
          %add3A_1002 = arith.constant 0 : i32
          %add3A_1003 = arith.addi %add3A_1001, %add3A_1002 : i32
          %get3A_1004 = arith.index_cast %add3A_1003 : i32 to index
          %get3A_1005 = arith.constant 0 : index
          %get3A_1006 = tpu.vector_load %arg9[%get3A_1004, %get3A_1005] {strides = array<i32>} : memref<3200x16xf32, #tpu.memory_space<vmem>>, vector<1x16xf32>,
          %get3A_1007 = vector.shape_cast %get3A_1006 : vector<1x16xf32> to vector<16xf32>
          %add3A_1008 = arith.addf %scan3A_991, %get3A_1007 : vector<16xf32>
          %add3A_1009 = arith.constant 1 : i32
          %add3A_1010 = arith.addi %add3A_1001, %add3A_1009 : i32
          %get3A_1011 = arith.index_cast %add3A_1010 : i32 to index
          %get3A_1012 = arith.constant 0 : index
          %get3A_1013 = tpu.vector_load %arg9[%get3A_1011, %get3A_1012] {strides = array<i32>} : memref<3200x16xf32, #tpu.memory_space<vmem>>, vector<1x16xf32>,
          %get3A_1014 = vector.shape_cast %get3A_1013 : vector<1x16xf32> to vector<16xf32>
          %add3A_1015 = arith.addf %scan3A_992, %get3A_1014 : vector<16xf32>
          %add3A_1016 = arith.constant 2 : i32
          %add3A_1017 = arith.addi %add3A_1001, %add3A_1016 : i32
          %get3A_1018 = arith.index_cast %add3A_1017 : i32 to index
          %get3A_1019 = arith.constant 0 : index
          %get3A_1020 = tpu.vector_load %arg9[%get3A_1018, %get3A_1019] {strides = array<i32>} : memref<3200x16xf32, #tpu.memory_space<vmem>>, vector<1x16xf32>,
          %get3A_1021 = vector.shape_cast %get3A_1020 : vector<1x16xf32> to vector<16xf32>
          %add3A_1022 = arith.addf %scan3A_993, %get3A_1021 : vector<16xf32>
          %add3A_1023 = arith.constant 3 : i32
          %add3A_1024 = arith.addi %add3A_1001, %add3A_1023 : i32
          %get3A_1025 = arith.index_cast %add3A_1024 : i32 to index
          %get3A_1026 = arith.constant 0 : index
          %get3A_1027 = tpu.vector_load %arg9[%get3A_1025, %get3A_1026] {strides = array<i32>} : memref<3200x16xf32, #tpu.memory_space<vmem>>, vector<1x16xf32>,
          %get3A_1028 = vector.shape_cast %get3A_1027 : vector<1x16xf32> to vector<16xf32>
          %add3A_1029 = arith.addf %scan3A_994, %get3A_1028 : vector<16xf32>
          %add3A_1030 = arith.constant 4 : i32
          %add3A_1031 = arith.addi %add3A_1001, %add3A_1030 : i32
          %get3A_1032 = arith.index_cast %add3A_1031 : i32 to index
          %get3A_1033 = arith.constant 0 : index
          %get3A_1034 = tpu.vector_load %arg9[%get3A_1032, %get3A_1033] {strides = array<i32>} : memref<3200x16xf32, #tpu.memory_space<vmem>>, vector<1x16xf32>,
          %get3A_1035 = vector.shape_cast %get3A_1034 : vector<1x16xf32> to vector<16xf32>
          %add3A_1036 = arith.addf %scan3A_995, %get3A_1035 : vector<16xf32>
          %add3A_1037 = arith.constant 5 : i32
          %add3A_1038 = arith.addi %add3A_1001, %add3A_1037 : i32
          %get3A_1039 = arith.index_cast %add3A_1038 : i32 to index
          %get3A_1040 = arith.constant 0 : index
          %get3A_1041 = tpu.vector_load %arg9[%get3A_1039, %get3A_1040] {strides = array<i32>} : memref<3200x16xf32, #tpu.memory_space<vmem>>, vector<1x16xf32>,
          %get3A_1042 = vector.shape_cast %get3A_1041 : vector<1x16xf32> to vector<16xf32>
          %add3A_1043 = arith.addf %scan3A_996, %get3A_1042 : vector<16xf32>
          %add3A_1044 = arith.constant 6 : i32
          %add3A_1045 = arith.addi %add3A_1001, %add3A_1044 : i32
          %get3A_1046 = arith.index_cast %add3A_1045 : i32 to index
          %get3A_1047 = arith.constant 0 : index
          %get3A_1048 = tpu.vector_load %arg9[%get3A_1046, %get3A_1047] {strides = array<i32>} : memref<3200x16xf32, #tpu.memory_space<vmem>>, vector<1x16xf32>,
          %get3A_1049 = vector.shape_cast %get3A_1048 : vector<1x16xf32> to vector<16xf32>
          %add3A_1050 = arith.addf %scan3A_997, %get3A_1049 : vector<16xf32>
          %add3A_1051 = arith.constant 7 : i32
          %add3A_1052 = arith.addi %add3A_1001, %add3A_1051 : i32
          %get3A_1053 = arith.index_cast %add3A_1052 : i32 to index
          %get3A_1054 = arith.constant 0 : index
          %get3A_1055 = tpu.vector_load %arg9[%get3A_1053, %get3A_1054] {strides = array<i32>} : memref<3200x16xf32, #tpu.memory_space<vmem>>, vector<1x16xf32>,
          %get3A_1056 = vector.shape_cast %get3A_1055 : vector<1x16xf32> to vector<16xf32>
          %add3A_1057 = arith.addf %scan3A_998, %get3A_1056 : vector<16xf32>
          scf.yield %add3A_1008, %add3A_1015, %add3A_1022, %add3A_1029, %add3A_1036, %add3A_1043, %add3A_1050, %add3A_1057 : vector<16xf32>, vector<16xf32>, vector<16xf32>, vector<16xf32>, vector<16xf32>, vector<16xf32>, vector<16xf32>, vector<16xf32>
        }
        %scan3A_977 = arith.constant 25 : i32
        %add3A_978 = arith.addf %scan3A_976#0, %scan3A_976#1 : vector<16xf32>
        %add3A_979 = arith.addf %scan3A_976#2, %scan3A_976#3 : vector<16xf32>
        %add3A_980 = arith.addf %scan3A_976#4, %scan3A_976#5 : vector<16xf32>
        %add3A_981 = arith.addf %scan3A_976#6, %scan3A_976#7 : vector<16xf32>
        %add3A_982 = arith.addf %add3A_978, %add3A_979 : vector<16xf32>
        %add3A_983 = arith.addf %add3A_980, %add3A_981 : vector<16xf32>
        %add3A_984 = arith.addf %add3A_982, %add3A_983 : vector<16xf32>
        %mul3A_985 = arith.constant 16 : i32
        %mul3A_986 = arith.muli %scan3A_953, %mul3A_985 : i32
        %swap3A = arith.index_cast %mul3A_986 : i32 to index
        %swap3A_987 = tpu.vector_load %arg15[%swap3A] {strides = array<i32>} : memref<256xf32, #tpu.memory_space<vmem>>, vector<16xf32>,
        %swap3A_988 = vector.shape_cast %swap3A_987 : vector<16xf32> to vector<16xf32>
        %swap3A_989 = vector.shape_cast %add3A_984 : vector<16xf32> to vector<16xf32>
        tpu.vector_store %arg15[%swap3A], %swap3A_989 {strides = array<i32>} : memref<256xf32, #tpu.memory_space<vmem>>, vector<16xf32>,
      }
      %scan3A_497 = arith.constant 16 : i32
      %mul3A_498 = arith.constant 16 : i32
      %mul3A_499 = arith.muli %add3A_491, %mul3A_498 : i32
      "tpu.region"() ({
        %run_scoped3A = tpu.sem_alloc : memref<!tpu.dma_semaphore, #tpu.memory_space<semaphore_mem>>
        %dma_start3A_953 = tpu.memref_slice %arg6[%mul3A_499] : memref<262144xf32, #tpu.memory_space<hbm>> -> memref<256xf32, #tpu.memory_space<hbm>>
        %dma_start3A_954 = tpu.memref_slice %arg6[%mul3A_499] : memref<262144xf32, #tpu.memory_space<hbm>> -> memref<256xf32, #tpu.memory_space<hbm>>
        tpu.enqueue_dma source(%arg15 : memref<256xf32, #tpu.memory_space<vmem>>) target(%dma_start3A_954 : memref<256xf32, #tpu.memory_space<hbm>>) target_semaphore(%run_scoped3A : memref<!tpu.dma_semaphore, #tpu.memory_space<semaphore_mem>>)
        %dma_wait3A_955 = tpu.memref_slice %arg6[%mul3A_499] : memref<262144xf32, #tpu.memory_space<hbm>> -> memref<256xf32, #tpu.memory_space<hbm>>
        %dma_wait3A_956 = tpu.memref_slice %arg6[%mul3A_499] : memref<262144xf32, #tpu.memory_space<hbm>> -> memref<256xf32, #tpu.memory_space<hbm>>
        tpu.wait_dma2 semaphore(%run_scoped3A : memref<!tpu.dma_semaphore, #tpu.memory_space<semaphore_mem>>) src(%arg15 : memref<256xf32, #tpu.memory_space<vmem>>) dst(%dma_wait3A_956 : memref<256xf32, #tpu.memory_space<hbm>>)
        tpu.yield
      }) : () -> ()
      %add3A_500 = arith.constant 2 : i32
      %add3A_501 = arith.addi %add3A_474, %add3A_500 : i32
      %mul3A_502 = arith.constant 512 : i32
      %mul3A_503 = arith.muli %add3A, %mul3A_502 : i32
      %mul3A_504 = arith.constant 16 : i32
      %mul3A_505 = arith.muli %add3A_501, %mul3A_504 : i32
      %add3A_506 = arith.addi %mul3A_503, %mul3A_505 : i32
      %mul3A_507 = arith.constant 200 : i32
      %mul3A_508 = arith.muli %add3A_506, %mul3A_507 : i32
      "tpu.region"() ({
        %run_scoped3A = tpu.sem_alloc : memref<!tpu.dma_semaphore, #tpu.memory_space<semaphore_mem>>
        %dma_start3A_953 = tpu.memref_slice %arg4[%mul3A_508] : memref<3276800xi32, #tpu.memory_space<hbm>> -> memref<3200xi32, #tpu.memory_space<hbm>>
        %dma_start3A_954 = tpu.memref_slice %arg4[%mul3A_508] : memref<3276800xi32, #tpu.memory_space<hbm>> -> memref<3200xi32, #tpu.memory_space<hbm>>
        tpu.enqueue_dma source(%dma_start3A_954 : memref<3200xi32, #tpu.memory_space<hbm>>) target(%arg7 : memref<3200xi32, #tpu.memory_space<vmem>>) target_semaphore(%run_scoped3A : memref<!tpu.dma_semaphore, #tpu.memory_space<semaphore_mem>>)
        %dma_wait3A_955 = tpu.memref_slice %arg4[%mul3A_508] : memref<3276800xi32, #tpu.memory_space<hbm>> -> memref<3200xi32, #tpu.memory_space<hbm>>
        %dma_wait3A_956 = tpu.memref_slice %arg4[%mul3A_508] : memref<3276800xi32, #tpu.memory_space<hbm>> -> memref<3200xi32, #tpu.memory_space<hbm>>
        tpu.wait_dma2 semaphore(%run_scoped3A : memref<!tpu.dma_semaphore, #tpu.memory_space<semaphore_mem>>) src(%dma_wait3A_956 : memref<3200xi32, #tpu.memory_space<hbm>>) dst(%arg7 : memref<3200xi32, #tpu.memory_space<vmem>>)
        tpu.yield
      }) : () -> ()
      "tpu.region"() ({
        %run_scoped3A = tpu.sem_alloc : memref<!tpu.dma_semaphore, #tpu.memory_space<semaphore_mem>>
        %dma_start3A_953 = tpu.memref_slice %arg5[%add3A_506] : memref<16384xi32, #tpu.memory_space<hbm>> -> memref<16xi32, #tpu.memory_space<hbm>>
        %dma_start3A_954 = tpu.memref_slice %arg5[%add3A_506] : memref<16384xi32, #tpu.memory_space<hbm>> -> memref<16xi32, #tpu.memory_space<hbm>>
        tpu.enqueue_dma source(%dma_start3A_954 : memref<16xi32, #tpu.memory_space<hbm>>) target(%arg8 : memref<16xi32, #tpu.memory_space<vmem>>) target_semaphore(%run_scoped3A : memref<!tpu.dma_semaphore, #tpu.memory_space<semaphore_mem>>)
        %dma_wait3A_955 = tpu.memref_slice %arg5[%add3A_506] : memref<16384xi32, #tpu.memory_space<hbm>> -> memref<16xi32, #tpu.memory_space<hbm>>
        %dma_wait3A_956 = tpu.memref_slice %arg5[%add3A_506] : memref<16384xi32, #tpu.memory_space<hbm>> -> memref<16xi32, #tpu.memory_space<hbm>>
        tpu.wait_dma2 semaphore(%run_scoped3A : memref<!tpu.dma_semaphore, #tpu.memory_space<semaphore_mem>>) src(%dma_wait3A_956 : memref<16xi32, #tpu.memory_space<hbm>>) dst(%arg8 : memref<16xi32, #tpu.memory_space<vmem>>)
        tpu.yield
      }) : () -> ()
      %dma_start3A_509 = arith.constant 0 : i32
      %dma_start3A_510 = arith.constant 0 : i32
      %dma_start3A_511 = tpu.memref_slice %arg9[%dma_start3A_509, %dma_start3A_510] : memref<3200x16xf32, #tpu.memory_space<vmem>> -> memref<128x16xf32, #tpu.memory_space<vmem>>
      %dma_start3A_512 = arith.constant 0 : i32
      %dma_start3A_513 = tpu.memref_slice %arg7[%dma_start3A_512] : memref<3200xi32, #tpu.memory_space<vmem>> -> memref<128xi32, #tpu.memory_space<vmem>>
      %dma_start3A_514 = arith.constant 0 : i32
      %dma_start3A_515 = arith.constant 0 : i32
      %dma_start3A_516 = tpu.memref_slice %arg2[%dma_start3A_514, %dma_start3A_515] : memref<1000000x16xf32, #tpu.memory_space<hbm>> -> memref<1000000x16xf32, #tpu.memory_space<hbm>>
      tpu.enqueue_indirect_dma source(%dma_start3A_516 : memref<1000000x16xf32, #tpu.memory_space<hbm>>) target(%dma_start3A_511 : memref<128x16xf32, #tpu.memory_space<vmem>>) offsets(%dma_start3A_513 : memref<128xi32, #tpu.memory_space<vmem>>) semaphore(%arg16 : memref<!tpu.dma_semaphore, #tpu.memory_space<semaphore_mem>>)
      %dma_start3A_517 = arith.constant 128 : i32
      %dma_start3A_518 = arith.constant 0 : i32
      %dma_start3A_519 = tpu.memref_slice %arg9[%dma_start3A_517, %dma_start3A_518] : memref<3200x16xf32, #tpu.memory_space<vmem>> -> memref<128x16xf32, #tpu.memory_space<vmem>>
      %dma_start3A_520 = arith.constant 128 : i32
      %dma_start3A_521 = tpu.memref_slice %arg7[%dma_start3A_520] : memref<3200xi32, #tpu.memory_space<vmem>> -> memref<128xi32, #tpu.memory_space<vmem>>
      %dma_start3A_522 = arith.constant 0 : i32
      %dma_start3A_523 = arith.constant 0 : i32
      %dma_start3A_524 = tpu.memref_slice %arg2[%dma_start3A_522, %dma_start3A_523] : memref<1000000x16xf32, #tpu.memory_space<hbm>> -> memref<1000000x16xf32, #tpu.memory_space<hbm>>
      tpu.enqueue_indirect_dma source(%dma_start3A_524 : memref<1000000x16xf32, #tpu.memory_space<hbm>>) target(%dma_start3A_519 : memref<128x16xf32, #tpu.memory_space<vmem>>) offsets(%dma_start3A_521 : memref<128xi32, #tpu.memory_space<vmem>>) semaphore(%arg16 : memref<!tpu.dma_semaphore, #tpu.memory_space<semaphore_mem>>)
      %dma_start3A_525 = arith.constant 256 : i32
      %dma_start3A_526 = arith.constant 0 : i32
      %dma_start3A_527 = tpu.memref_slice %arg9[%dma_start3A_525, %dma_start3A_526] : memref<3200x16xf32, #tpu.memory_space<vmem>> -> memref<128x16xf32, #tpu.memory_space<vmem>>
      %dma_start3A_528 = arith.constant 256 : i32
      %dma_start3A_529 = tpu.memref_slice %arg7[%dma_start3A_528] : memref<3200xi32, #tpu.memory_space<vmem>> -> memref<128xi32, #tpu.memory_space<vmem>>
      %dma_start3A_530 = arith.constant 0 : i32
      %dma_start3A_531 = arith.constant 0 : i32
      %dma_start3A_532 = tpu.memref_slice %arg2[%dma_start3A_530, %dma_start3A_531] : memref<1000000x16xf32, #tpu.memory_space<hbm>> -> memref<1000000x16xf32, #tpu.memory_space<hbm>>
      tpu.enqueue_indirect_dma source(%dma_start3A_532 : memref<1000000x16xf32, #tpu.memory_space<hbm>>) target(%dma_start3A_527 : memref<128x16xf32, #tpu.memory_space<vmem>>) offsets(%dma_start3A_529 : memref<128xi32, #tpu.memory_space<vmem>>) semaphore(%arg16 : memref<!tpu.dma_semaphore, #tpu.memory_space<semaphore_mem>>)
      %dma_start3A_533 = arith.constant 384 : i32
      %dma_start3A_534 = arith.constant 0 : i32
      %dma_start3A_535 = tpu.memref_slice %arg9[%dma_start3A_533, %dma_start3A_534] : memref<3200x16xf32, #tpu.memory_space<vmem>> -> memref<128x16xf32, #tpu.memory_space<vmem>>
      %dma_start3A_536 = arith.constant 384 : i32
      %dma_start3A_537 = tpu.memref_slice %arg7[%dma_start3A_536] : memref<3200xi32, #tpu.memory_space<vmem>> -> memref<128xi32, #tpu.memory_space<vmem>>
      %dma_start3A_538 = arith.constant 0 : i32
      %dma_start3A_539 = arith.constant 0 : i32
      %dma_start3A_540 = tpu.memref_slice %arg2[%dma_start3A_538, %dma_start3A_539] : memref<1000000x16xf32, #tpu.memory_space<hbm>> -> memref<1000000x16xf32, #tpu.memory_space<hbm>>
      tpu.enqueue_indirect_dma source(%dma_start3A_540 : memref<1000000x16xf32, #tpu.memory_space<hbm>>) target(%dma_start3A_535 : memref<128x16xf32, #tpu.memory_space<vmem>>) offsets(%dma_start3A_537 : memref<128xi32, #tpu.memory_space<vmem>>) semaphore(%arg16 : memref<!tpu.dma_semaphore, #tpu.memory_space<semaphore_mem>>)
      %dma_start3A_541 = arith.constant 512 : i32
      %dma_start3A_542 = arith.constant 0 : i32
      %dma_start3A_543 = tpu.memref_slice %arg9[%dma_start3A_541, %dma_start3A_542] : memref<3200x16xf32, #tpu.memory_space<vmem>> -> memref<128x16xf32, #tpu.memory_space<vmem>>
      %dma_start3A_544 = arith.constant 512 : i32
      %dma_start3A_545 = tpu.memref_slice %arg7[%dma_start3A_544] : memref<3200xi32, #tpu.memory_space<vmem>> -> memref<128xi32, #tpu.memory_space<vmem>>
      %dma_start3A_546 = arith.constant 0 : i32
      %dma_start3A_547 = arith.constant 0 : i32
      %dma_start3A_548 = tpu.memref_slice %arg2[%dma_start3A_546, %dma_start3A_547] : memref<1000000x16xf32, #tpu.memory_space<hbm>> -> memref<1000000x16xf32, #tpu.memory_space<hbm>>
      tpu.enqueue_indirect_dma source(%dma_start3A_548 : memref<1000000x16xf32, #tpu.memory_space<hbm>>) target(%dma_start3A_543 : memref<128x16xf32, #tpu.memory_space<vmem>>) offsets(%dma_start3A_545 : memref<128xi32, #tpu.memory_space<vmem>>) semaphore(%arg16 : memref<!tpu.dma_semaphore, #tpu.memory_space<semaphore_mem>>)
      %dma_start3A_549 = arith.constant 640 : i32
      %dma_start3A_550 = arith.constant 0 : i32
      %dma_start3A_551 = tpu.memref_slice %arg9[%dma_start3A_549, %dma_start3A_550] : memref<3200x16xf32, #tpu.memory_space<vmem>> -> memref<128x16xf32, #tpu.memory_space<vmem>>
      %dma_start3A_552 = arith.constant 640 : i32
      %dma_start3A_553 = tpu.memref_slice %arg7[%dma_start3A_552] : memref<3200xi32, #tpu.memory_space<vmem>> -> memref<128xi32, #tpu.memory_space<vmem>>
      %dma_start3A_554 = arith.constant 0 : i32
      %dma_start3A_555 = arith.constant 0 : i32
      %dma_start3A_556 = tpu.memref_slice %arg2[%dma_start3A_554, %dma_start3A_555] : memref<1000000x16xf32, #tpu.memory_space<hbm>> -> memref<1000000x16xf32, #tpu.memory_space<hbm>>
      tpu.enqueue_indirect_dma source(%dma_start3A_556 : memref<1000000x16xf32, #tpu.memory_space<hbm>>) target(%dma_start3A_551 : memref<128x16xf32, #tpu.memory_space<vmem>>) offsets(%dma_start3A_553 : memref<128xi32, #tpu.memory_space<vmem>>) semaphore(%arg16 : memref<!tpu.dma_semaphore, #tpu.memory_space<semaphore_mem>>)
      %dma_start3A_557 = arith.constant 768 : i32
      %dma_start3A_558 = arith.constant 0 : i32
      %dma_start3A_559 = tpu.memref_slice %arg9[%dma_start3A_557, %dma_start3A_558] : memref<3200x16xf32, #tpu.memory_space<vmem>> -> memref<128x16xf32, #tpu.memory_space<vmem>>
      %dma_start3A_560 = arith.constant 768 : i32
      %dma_start3A_561 = tpu.memref_slice %arg7[%dma_start3A_560] : memref<3200xi32, #tpu.memory_space<vmem>> -> memref<128xi32, #tpu.memory_space<vmem>>
      %dma_start3A_562 = arith.constant 0 : i32
      %dma_start3A_563 = arith.constant 0 : i32
      %dma_start3A_564 = tpu.memref_slice %arg2[%dma_start3A_562, %dma_start3A_563] : memref<1000000x16xf32, #tpu.memory_space<hbm>> -> memref<1000000x16xf32, #tpu.memory_space<hbm>>
      tpu.enqueue_indirect_dma source(%dma_start3A_564 : memref<1000000x16xf32, #tpu.memory_space<hbm>>) target(%dma_start3A_559 : memref<128x16xf32, #tpu.memory_space<vmem>>) offsets(%dma_start3A_561 : memref<128xi32, #tpu.memory_space<vmem>>) semaphore(%arg16 : memref<!tpu.dma_semaphore, #tpu.memory_space<semaphore_mem>>)
      %dma_start3A_565 = arith.constant 896 : i32
      %dma_start3A_566 = arith.constant 0 : i32
      %dma_start3A_567 = tpu.memref_slice %arg9[%dma_start3A_565, %dma_start3A_566] : memref<3200x16xf32, #tpu.memory_space<vmem>> -> memref<128x16xf32, #tpu.memory_space<vmem>>
      %dma_start3A_568 = arith.constant 896 : i32
      %dma_start3A_569 = tpu.memref_slice %arg7[%dma_start3A_568] : memref<3200xi32, #tpu.memory_space<vmem>> -> memref<128xi32, #tpu.memory_space<vmem>>
      %dma_start3A_570 = arith.constant 0 : i32
      %dma_start3A_571 = arith.constant 0 : i32
      %dma_start3A_572 = tpu.memref_slice %arg2[%dma_start3A_570, %dma_start3A_571] : memref<1000000x16xf32, #tpu.memory_space<hbm>> -> memref<1000000x16xf32, #tpu.memory_space<hbm>>
      tpu.enqueue_indirect_dma source(%dma_start3A_572 : memref<1000000x16xf32, #tpu.memory_space<hbm>>) target(%dma_start3A_567 : memref<128x16xf32, #tpu.memory_space<vmem>>) offsets(%dma_start3A_569 : memref<128xi32, #tpu.memory_space<vmem>>) semaphore(%arg16 : memref<!tpu.dma_semaphore, #tpu.memory_space<semaphore_mem>>)
      %dma_start3A_573 = arith.constant 1024 : i32
      %dma_start3A_574 = arith.constant 0 : i32
      %dma_start3A_575 = tpu.memref_slice %arg9[%dma_start3A_573, %dma_start3A_574] : memref<3200x16xf32, #tpu.memory_space<vmem>> -> memref<128x16xf32, #tpu.memory_space<vmem>>
      %dma_start3A_576 = arith.constant 1024 : i32
      %dma_start3A_577 = tpu.memref_slice %arg7[%dma_start3A_576] : memref<3200xi32, #tpu.memory_space<vmem>> -> memref<128xi32, #tpu.memory_space<vmem>>
      %dma_start3A_578 = arith.constant 0 : i32
      %dma_start3A_579 = arith.constant 0 : i32
      %dma_start3A_580 = tpu.memref_slice %arg2[%dma_start3A_578, %dma_start3A_579] : memref<1000000x16xf32, #tpu.memory_space<hbm>> -> memref<1000000x16xf32, #tpu.memory_space<hbm>>
      tpu.enqueue_indirect_dma source(%dma_start3A_580 : memref<1000000x16xf32, #tpu.memory_space<hbm>>) target(%dma_start3A_575 : memref<128x16xf32, #tpu.memory_space<vmem>>) offsets(%dma_start3A_577 : memref<128xi32, #tpu.memory_space<vmem>>) semaphore(%arg16 : memref<!tpu.dma_semaphore, #tpu.memory_space<semaphore_mem>>)
      %dma_start3A_581 = arith.constant 1152 : i32
      %dma_start3A_582 = arith.constant 0 : i32
      %dma_start3A_583 = tpu.memref_slice %arg9[%dma_start3A_581, %dma_start3A_582] : memref<3200x16xf32, #tpu.memory_space<vmem>> -> memref<128x16xf32, #tpu.memory_space<vmem>>
      %dma_start3A_584 = arith.constant 1152 : i32
      %dma_start3A_585 = tpu.memref_slice %arg7[%dma_start3A_584] : memref<3200xi32, #tpu.memory_space<vmem>> -> memref<128xi32, #tpu.memory_space<vmem>>
      %dma_start3A_586 = arith.constant 0 : i32
      %dma_start3A_587 = arith.constant 0 : i32
      %dma_start3A_588 = tpu.memref_slice %arg2[%dma_start3A_586, %dma_start3A_587] : memref<1000000x16xf32, #tpu.memory_space<hbm>> -> memref<1000000x16xf32, #tpu.memory_space<hbm>>
      tpu.enqueue_indirect_dma source(%dma_start3A_588 : memref<1000000x16xf32, #tpu.memory_space<hbm>>) target(%dma_start3A_583 : memref<128x16xf32, #tpu.memory_space<vmem>>) offsets(%dma_start3A_585 : memref<128xi32, #tpu.memory_space<vmem>>) semaphore(%arg16 : memref<!tpu.dma_semaphore, #tpu.memory_space<semaphore_mem>>)
      %dma_start3A_589 = arith.constant 1280 : i32
      %dma_start3A_590 = arith.constant 0 : i32
      %dma_start3A_591 = tpu.memref_slice %arg9[%dma_start3A_589, %dma_start3A_590] : memref<3200x16xf32, #tpu.memory_space<vmem>> -> memref<128x16xf32, #tpu.memory_space<vmem>>
      %dma_start3A_592 = arith.constant 1280 : i32
      %dma_start3A_593 = tpu.memref_slice %arg7[%dma_start3A_592] : memref<3200xi32, #tpu.memory_space<vmem>> -> memref<128xi32, #tpu.memory_space<vmem>>
      %dma_start3A_594 = arith.constant 0 : i32
      %dma_start3A_595 = arith.constant 0 : i32
      %dma_start3A_596 = tpu.memref_slice %arg2[%dma_start3A_594, %dma_start3A_595] : memref<1000000x16xf32, #tpu.memory_space<hbm>> -> memref<1000000x16xf32, #tpu.memory_space<hbm>>
      tpu.enqueue_indirect_dma source(%dma_start3A_596 : memref<1000000x16xf32, #tpu.memory_space<hbm>>) target(%dma_start3A_591 : memref<128x16xf32, #tpu.memory_space<vmem>>) offsets(%dma_start3A_593 : memref<128xi32, #tpu.memory_space<vmem>>) semaphore(%arg16 : memref<!tpu.dma_semaphore, #tpu.memory_space<semaphore_mem>>)
      %dma_start3A_597 = arith.constant 1408 : i32
      %dma_start3A_598 = arith.constant 0 : i32
      %dma_start3A_599 = tpu.memref_slice %arg9[%dma_start3A_597, %dma_start3A_598] : memref<3200x16xf32, #tpu.memory_space<vmem>> -> memref<128x16xf32, #tpu.memory_space<vmem>>
      %dma_start3A_600 = arith.constant 1408 : i32
      %dma_start3A_601 = tpu.memref_slice %arg7[%dma_start3A_600] : memref<3200xi32, #tpu.memory_space<vmem>> -> memref<128xi32, #tpu.memory_space<vmem>>
      %dma_start3A_602 = arith.constant 0 : i32
      %dma_start3A_603 = arith.constant 0 : i32
      %dma_start3A_604 = tpu.memref_slice %arg2[%dma_start3A_602, %dma_start3A_603] : memref<1000000x16xf32, #tpu.memory_space<hbm>> -> memref<1000000x16xf32, #tpu.memory_space<hbm>>
      tpu.enqueue_indirect_dma source(%dma_start3A_604 : memref<1000000x16xf32, #tpu.memory_space<hbm>>) target(%dma_start3A_599 : memref<128x16xf32, #tpu.memory_space<vmem>>) offsets(%dma_start3A_601 : memref<128xi32, #tpu.memory_space<vmem>>) semaphore(%arg16 : memref<!tpu.dma_semaphore, #tpu.memory_space<semaphore_mem>>)
      %dma_start3A_605 = arith.constant 1536 : i32
      %dma_start3A_606 = arith.constant 0 : i32
      %dma_start3A_607 = tpu.memref_slice %arg9[%dma_start3A_605, %dma_start3A_606] : memref<3200x16xf32, #tpu.memory_space<vmem>> -> memref<128x16xf32, #tpu.memory_space<vmem>>
      %dma_start3A_608 = arith.constant 1536 : i32
      %dma_start3A_609 = tpu.memref_slice %arg7[%dma_start3A_608] : memref<3200xi32, #tpu.memory_space<vmem>> -> memref<128xi32, #tpu.memory_space<vmem>>
      %dma_start3A_610 = arith.constant 0 : i32
      %dma_start3A_611 = arith.constant 0 : i32
      %dma_start3A_612 = tpu.memref_slice %arg2[%dma_start3A_610, %dma_start3A_611] : memref<1000000x16xf32, #tpu.memory_space<hbm>> -> memref<1000000x16xf32, #tpu.memory_space<hbm>>
      tpu.enqueue_indirect_dma source(%dma_start3A_612 : memref<1000000x16xf32, #tpu.memory_space<hbm>>) target(%dma_start3A_607 : memref<128x16xf32, #tpu.memory_space<vmem>>) offsets(%dma_start3A_609 : memref<128xi32, #tpu.memory_space<vmem>>) semaphore(%arg16 : memref<!tpu.dma_semaphore, #tpu.memory_space<semaphore_mem>>)
      %dma_start3A_613 = arith.constant 1664 : i32
      %dma_start3A_614 = arith.constant 0 : i32
      %dma_start3A_615 = tpu.memref_slice %arg9[%dma_start3A_613, %dma_start3A_614] : memref<3200x16xf32, #tpu.memory_space<vmem>> -> memref<128x16xf32, #tpu.memory_space<vmem>>
      %dma_start3A_616 = arith.constant 1664 : i32
      %dma_start3A_617 = tpu.memref_slice %arg7[%dma_start3A_616] : memref<3200xi32, #tpu.memory_space<vmem>> -> memref<128xi32, #tpu.memory_space<vmem>>
      %dma_start3A_618 = arith.constant 0 : i32
      %dma_start3A_619 = arith.constant 0 : i32
      %dma_start3A_620 = tpu.memref_slice %arg2[%dma_start3A_618, %dma_start3A_619] : memref<1000000x16xf32, #tpu.memory_space<hbm>> -> memref<1000000x16xf32, #tpu.memory_space<hbm>>
      tpu.enqueue_indirect_dma source(%dma_start3A_620 : memref<1000000x16xf32, #tpu.memory_space<hbm>>) target(%dma_start3A_615 : memref<128x16xf32, #tpu.memory_space<vmem>>) offsets(%dma_start3A_617 : memref<128xi32, #tpu.memory_space<vmem>>) semaphore(%arg16 : memref<!tpu.dma_semaphore, #tpu.memory_space<semaphore_mem>>)
      %dma_start3A_621 = arith.constant 1792 : i32
      %dma_start3A_622 = arith.constant 0 : i32
      %dma_start3A_623 = tpu.memref_slice %arg9[%dma_start3A_621, %dma_start3A_622] : memref<3200x16xf32, #tpu.memory_space<vmem>> -> memref<128x16xf32, #tpu.memory_space<vmem>>
      %dma_start3A_624 = arith.constant 1792 : i32
      %dma_start3A_625 = tpu.memref_slice %arg7[%dma_start3A_624] : memref<3200xi32, #tpu.memory_space<vmem>> -> memref<128xi32, #tpu.memory_space<vmem>>
      %dma_start3A_626 = arith.constant 0 : i32
      %dma_start3A_627 = arith.constant 0 : i32
      %dma_start3A_628 = tpu.memref_slice %arg2[%dma_start3A_626, %dma_start3A_627] : memref<1000000x16xf32, #tpu.memory_space<hbm>> -> memref<1000000x16xf32, #tpu.memory_space<hbm>>
      tpu.enqueue_indirect_dma source(%dma_start3A_628 : memref<1000000x16xf32, #tpu.memory_space<hbm>>) target(%dma_start3A_623 : memref<128x16xf32, #tpu.memory_space<vmem>>) offsets(%dma_start3A_625 : memref<128xi32, #tpu.memory_space<vmem>>) semaphore(%arg16 : memref<!tpu.dma_semaphore, #tpu.memory_space<semaphore_mem>>)
      %dma_start3A_629 = arith.constant 1920 : i32
      %dma_start3A_630 = arith.constant 0 : i32
      %dma_start3A_631 = tpu.memref_slice %arg9[%dma_start3A_629, %dma_start3A_630] : memref<3200x16xf32, #tpu.memory_space<vmem>> -> memref<128x16xf32, #tpu.memory_space<vmem>>
      %dma_start3A_632 = arith.constant 1920 : i32
      %dma_start3A_633 = tpu.memref_slice %arg7[%dma_start3A_632] : memref<3200xi32, #tpu.memory_space<vmem>> -> memref<128xi32, #tpu.memory_space<vmem>>
      %dma_start3A_634 = arith.constant 0 : i32
      %dma_start3A_635 = arith.constant 0 : i32
      %dma_start3A_636 = tpu.memref_slice %arg2[%dma_start3A_634, %dma_start3A_635] : memref<1000000x16xf32, #tpu.memory_space<hbm>> -> memref<1000000x16xf32, #tpu.memory_space<hbm>>
      tpu.enqueue_indirect_dma source(%dma_start3A_636 : memref<1000000x16xf32, #tpu.memory_space<hbm>>) target(%dma_start3A_631 : memref<128x16xf32, #tpu.memory_space<vmem>>) offsets(%dma_start3A_633 : memref<128xi32, #tpu.memory_space<vmem>>) semaphore(%arg16 : memref<!tpu.dma_semaphore, #tpu.memory_space<semaphore_mem>>)
      %dma_start3A_637 = arith.constant 2048 : i32
      %dma_start3A_638 = arith.constant 0 : i32
      %dma_start3A_639 = tpu.memref_slice %arg9[%dma_start3A_637, %dma_start3A_638] : memref<3200x16xf32, #tpu.memory_space<vmem>> -> memref<128x16xf32, #tpu.memory_space<vmem>>
      %dma_start3A_640 = arith.constant 2048 : i32
      %dma_start3A_641 = tpu.memref_slice %arg7[%dma_start3A_640] : memref<3200xi32, #tpu.memory_space<vmem>> -> memref<128xi32, #tpu.memory_space<vmem>>
      %dma_start3A_642 = arith.constant 0 : i32
      %dma_start3A_643 = arith.constant 0 : i32
      %dma_start3A_644 = tpu.memref_slice %arg2[%dma_start3A_642, %dma_start3A_643] : memref<1000000x16xf32, #tpu.memory_space<hbm>> -> memref<1000000x16xf32, #tpu.memory_space<hbm>>
      tpu.enqueue_indirect_dma source(%dma_start3A_644 : memref<1000000x16xf32, #tpu.memory_space<hbm>>) target(%dma_start3A_639 : memref<128x16xf32, #tpu.memory_space<vmem>>) offsets(%dma_start3A_641 : memref<128xi32, #tpu.memory_space<vmem>>) semaphore(%arg16 : memref<!tpu.dma_semaphore, #tpu.memory_space<semaphore_mem>>)
      %dma_start3A_645 = arith.constant 2176 : i32
      %dma_start3A_646 = arith.constant 0 : i32
      %dma_start3A_647 = tpu.memref_slice %arg9[%dma_start3A_645, %dma_start3A_646] : memref<3200x16xf32, #tpu.memory_space<vmem>> -> memref<128x16xf32, #tpu.memory_space<vmem>>
      %dma_start3A_648 = arith.constant 2176 : i32
      %dma_start3A_649 = tpu.memref_slice %arg7[%dma_start3A_648] : memref<3200xi32, #tpu.memory_space<vmem>> -> memref<128xi32, #tpu.memory_space<vmem>>
      %dma_start3A_650 = arith.constant 0 : i32
      %dma_start3A_651 = arith.constant 0 : i32
      %dma_start3A_652 = tpu.memref_slice %arg2[%dma_start3A_650, %dma_start3A_651] : memref<1000000x16xf32, #tpu.memory_space<hbm>> -> memref<1000000x16xf32, #tpu.memory_space<hbm>>
      tpu.enqueue_indirect_dma source(%dma_start3A_652 : memref<1000000x16xf32, #tpu.memory_space<hbm>>) target(%dma_start3A_647 : memref<128x16xf32, #tpu.memory_space<vmem>>) offsets(%dma_start3A_649 : memref<128xi32, #tpu.memory_space<vmem>>) semaphore(%arg16 : memref<!tpu.dma_semaphore, #tpu.memory_space<semaphore_mem>>)
      %dma_start3A_653 = arith.constant 2304 : i32
      %dma_start3A_654 = arith.constant 0 : i32
      %dma_start3A_655 = tpu.memref_slice %arg9[%dma_start3A_653, %dma_start3A_654] : memref<3200x16xf32, #tpu.memory_space<vmem>> -> memref<128x16xf32, #tpu.memory_space<vmem>>
      %dma_start3A_656 = arith.constant 2304 : i32
      %dma_start3A_657 = tpu.memref_slice %arg7[%dma_start3A_656] : memref<3200xi32, #tpu.memory_space<vmem>> -> memref<128xi32, #tpu.memory_space<vmem>>
      %dma_start3A_658 = arith.constant 0 : i32
      %dma_start3A_659 = arith.constant 0 : i32
      %dma_start3A_660 = tpu.memref_slice %arg2[%dma_start3A_658, %dma_start3A_659] : memref<1000000x16xf32, #tpu.memory_space<hbm>> -> memref<1000000x16xf32, #tpu.memory_space<hbm>>
      tpu.enqueue_indirect_dma source(%dma_start3A_660 : memref<1000000x16xf32, #tpu.memory_space<hbm>>) target(%dma_start3A_655 : memref<128x16xf32, #tpu.memory_space<vmem>>) offsets(%dma_start3A_657 : memref<128xi32, #tpu.memory_space<vmem>>) semaphore(%arg16 : memref<!tpu.dma_semaphore, #tpu.memory_space<semaphore_mem>>)
      %dma_start3A_661 = arith.constant 2432 : i32
      %dma_start3A_662 = arith.constant 0 : i32
      %dma_start3A_663 = tpu.memref_slice %arg9[%dma_start3A_661, %dma_start3A_662] : memref<3200x16xf32, #tpu.memory_space<vmem>> -> memref<128x16xf32, #tpu.memory_space<vmem>>
      %dma_start3A_664 = arith.constant 2432 : i32
      %dma_start3A_665 = tpu.memref_slice %arg7[%dma_start3A_664] : memref<3200xi32, #tpu.memory_space<vmem>> -> memref<128xi32, #tpu.memory_space<vmem>>
      %dma_start3A_666 = arith.constant 0 : i32
      %dma_start3A_667 = arith.constant 0 : i32
      %dma_start3A_668 = tpu.memref_slice %arg2[%dma_start3A_666, %dma_start3A_667] : memref<1000000x16xf32, #tpu.memory_space<hbm>> -> memref<1000000x16xf32, #tpu.memory_space<hbm>>
      tpu.enqueue_indirect_dma source(%dma_start3A_668 : memref<1000000x16xf32, #tpu.memory_space<hbm>>) target(%dma_start3A_663 : memref<128x16xf32, #tpu.memory_space<vmem>>) offsets(%dma_start3A_665 : memref<128xi32, #tpu.memory_space<vmem>>) semaphore(%arg16 : memref<!tpu.dma_semaphore, #tpu.memory_space<semaphore_mem>>)
      %dma_start3A_669 = arith.constant 2560 : i32
      %dma_start3A_670 = arith.constant 0 : i32
      %dma_start3A_671 = tpu.memref_slice %arg9[%dma_start3A_669, %dma_start3A_670] : memref<3200x16xf32, #tpu.memory_space<vmem>> -> memref<128x16xf32, #tpu.memory_space<vmem>>
      %dma_start3A_672 = arith.constant 2560 : i32
      %dma_start3A_673 = tpu.memref_slice %arg7[%dma_start3A_672] : memref<3200xi32, #tpu.memory_space<vmem>> -> memref<128xi32, #tpu.memory_space<vmem>>
      %dma_start3A_674 = arith.constant 0 : i32
      %dma_start3A_675 = arith.constant 0 : i32
      %dma_start3A_676 = tpu.memref_slice %arg2[%dma_start3A_674, %dma_start3A_675] : memref<1000000x16xf32, #tpu.memory_space<hbm>> -> memref<1000000x16xf32, #tpu.memory_space<hbm>>
      tpu.enqueue_indirect_dma source(%dma_start3A_676 : memref<1000000x16xf32, #tpu.memory_space<hbm>>) target(%dma_start3A_671 : memref<128x16xf32, #tpu.memory_space<vmem>>) offsets(%dma_start3A_673 : memref<128xi32, #tpu.memory_space<vmem>>) semaphore(%arg16 : memref<!tpu.dma_semaphore, #tpu.memory_space<semaphore_mem>>)
      %dma_start3A_677 = arith.constant 2688 : i32
      %dma_start3A_678 = arith.constant 0 : i32
      %dma_start3A_679 = tpu.memref_slice %arg9[%dma_start3A_677, %dma_start3A_678] : memref<3200x16xf32, #tpu.memory_space<vmem>> -> memref<128x16xf32, #tpu.memory_space<vmem>>
      %dma_start3A_680 = arith.constant 2688 : i32
      %dma_start3A_681 = tpu.memref_slice %arg7[%dma_start3A_680] : memref<3200xi32, #tpu.memory_space<vmem>> -> memref<128xi32, #tpu.memory_space<vmem>>
      %dma_start3A_682 = arith.constant 0 : i32
      %dma_start3A_683 = arith.constant 0 : i32
      %dma_start3A_684 = tpu.memref_slice %arg2[%dma_start3A_682, %dma_start3A_683] : memref<1000000x16xf32, #tpu.memory_space<hbm>> -> memref<1000000x16xf32, #tpu.memory_space<hbm>>
      tpu.enqueue_indirect_dma source(%dma_start3A_684 : memref<1000000x16xf32, #tpu.memory_space<hbm>>) target(%dma_start3A_679 : memref<128x16xf32, #tpu.memory_space<vmem>>) offsets(%dma_start3A_681 : memref<128xi32, #tpu.memory_space<vmem>>) semaphore(%arg16 : memref<!tpu.dma_semaphore, #tpu.memory_space<semaphore_mem>>)
      %dma_start3A_685 = arith.constant 2816 : i32
      %dma_start3A_686 = arith.constant 0 : i32
      %dma_start3A_687 = tpu.memref_slice %arg9[%dma_start3A_685, %dma_start3A_686] : memref<3200x16xf32, #tpu.memory_space<vmem>> -> memref<128x16xf32, #tpu.memory_space<vmem>>
      %dma_start3A_688 = arith.constant 2816 : i32
      %dma_start3A_689 = tpu.memref_slice %arg7[%dma_start3A_688] : memref<3200xi32, #tpu.memory_space<vmem>> -> memref<128xi32, #tpu.memory_space<vmem>>
      %dma_start3A_690 = arith.constant 0 : i32
      %dma_start3A_691 = arith.constant 0 : i32
      %dma_start3A_692 = tpu.memref_slice %arg2[%dma_start3A_690, %dma_start3A_691] : memref<1000000x16xf32, #tpu.memory_space<hbm>> -> memref<1000000x16xf32, #tpu.memory_space<hbm>>
      tpu.enqueue_indirect_dma source(%dma_start3A_692 : memref<1000000x16xf32, #tpu.memory_space<hbm>>) target(%dma_start3A_687 : memref<128x16xf32, #tpu.memory_space<vmem>>) offsets(%dma_start3A_689 : memref<128xi32, #tpu.memory_space<vmem>>) semaphore(%arg16 : memref<!tpu.dma_semaphore, #tpu.memory_space<semaphore_mem>>)
      %dma_start3A_693 = arith.constant 2944 : i32
      %dma_start3A_694 = arith.constant 0 : i32
      %dma_start3A_695 = tpu.memref_slice %arg9[%dma_start3A_693, %dma_start3A_694] : memref<3200x16xf32, #tpu.memory_space<vmem>> -> memref<128x16xf32, #tpu.memory_space<vmem>>
      %dma_start3A_696 = arith.constant 2944 : i32
      %dma_start3A_697 = tpu.memref_slice %arg7[%dma_start3A_696] : memref<3200xi32, #tpu.memory_space<vmem>> -> memref<128xi32, #tpu.memory_space<vmem>>
      %dma_start3A_698 = arith.constant 0 : i32
      %dma_start3A_699 = arith.constant 0 : i32
      %dma_start3A_700 = tpu.memref_slice %arg2[%dma_start3A_698, %dma_start3A_699] : memref<1000000x16xf32, #tpu.memory_space<hbm>> -> memref<1000000x16xf32, #tpu.memory_space<hbm>>
      tpu.enqueue_indirect_dma source(%dma_start3A_700 : memref<1000000x16xf32, #tpu.memory_space<hbm>>) target(%dma_start3A_695 : memref<128x16xf32, #tpu.memory_space<vmem>>) offsets(%dma_start3A_697 : memref<128xi32, #tpu.memory_space<vmem>>) semaphore(%arg16 : memref<!tpu.dma_semaphore, #tpu.memory_space<semaphore_mem>>)
      %dma_start3A_701 = arith.constant 3072 : i32
      %dma_start3A_702 = arith.constant 0 : i32
      %dma_start3A_703 = tpu.memref_slice %arg9[%dma_start3A_701, %dma_start3A_702] : memref<3200x16xf32, #tpu.memory_space<vmem>> -> memref<128x16xf32, #tpu.memory_space<vmem>>
      %dma_start3A_704 = arith.constant 3072 : i32
      %dma_start3A_705 = tpu.memref_slice %arg7[%dma_start3A_704] : memref<3200xi32, #tpu.memory_space<vmem>> -> memref<128xi32, #tpu.memory_space<vmem>>
      %dma_start3A_706 = arith.constant 0 : i32
      %dma_start3A_707 = arith.constant 0 : i32
      %dma_start3A_708 = tpu.memref_slice %arg2[%dma_start3A_706, %dma_start3A_707] : memref<1000000x16xf32, #tpu.memory_space<hbm>> -> memref<1000000x16xf32, #tpu.memory_space<hbm>>
      tpu.enqueue_indirect_dma source(%dma_start3A_708 : memref<1000000x16xf32, #tpu.memory_space<hbm>>) target(%dma_start3A_703 : memref<128x16xf32, #tpu.memory_space<vmem>>) offsets(%dma_start3A_705 : memref<128xi32, #tpu.memory_space<vmem>>) semaphore(%arg16 : memref<!tpu.dma_semaphore, #tpu.memory_space<semaphore_mem>>)
      %dma_start3A_709 = arith.constant 0 : i32
      %dma_start3A_710 = arith.constant 0 : i32
      %dma_start3A_711 = tpu.memref_slice %arg3[%dma_start3A_709, %dma_start3A_710] : memref<100000x16xf32, #tpu.memory_space<hbm>> -> memref<100000x16xf32, #tpu.memory_space<hbm>>
      tpu.enqueue_indirect_dma source(%dma_start3A_711 : memref<100000x16xf32, #tpu.memory_space<hbm>>) target(%arg10 : memref<16x16xf32, #tpu.memory_space<vmem>>) offsets(%arg8 : memref<16xi32, #tpu.memory_space<vmem>>) semaphore(%arg16 : memref<!tpu.dma_semaphore, #tpu.memory_space<semaphore_mem>>)
      %mul3A_712 = arith.constant 2 : i32
      %mul3A_713 = arith.muli %mul3A_712, %scan3A_470 : i32
      %add3A_714 = arith.constant 1 : i32
      %add3A_715 = arith.addi %mul3A_713, %add3A_714 : i32
      %dma_wait3A_716 = arith.constant 0 : i32
      %dma_wait3A_717 = arith.constant 0 : i32
      %dma_wait3A_718 = tpu.memref_slice %arg2[%dma_wait3A_716, %dma_wait3A_717] : memref<1000000x16xf32, #tpu.memory_space<hbm>> -> memref<3200x16xf32, #tpu.memory_space<hbm>>
      %dma_wait3A_719 = arith.constant 0 : i32
      %dma_wait3A_720 = arith.constant 0 : i32
      %dma_wait3A_721 = tpu.memref_slice %arg2[%dma_wait3A_719, %dma_wait3A_720] : memref<1000000x16xf32, #tpu.memory_space<hbm>> -> memref<3200x16xf32, #tpu.memory_space<hbm>>
      tpu.wait_dma2 semaphore(%arg17 : memref<!tpu.dma_semaphore, #tpu.memory_space<semaphore_mem>>) src(%dma_wait3A_721 : memref<3200x16xf32, #tpu.memory_space<hbm>>) dst(%arg13 : memref<3200x16xf32, #tpu.memory_space<vmem>>)
      %dma_wait3A_722 = arith.constant 0 : i32
      %dma_wait3A_723 = arith.constant 0 : i32
      %dma_wait3A_724 = tpu.memref_slice %arg3[%dma_wait3A_722, %dma_wait3A_723] : memref<100000x16xf32, #tpu.memory_space<hbm>> -> memref<16x16xf32, #tpu.memory_space<hbm>>
      %dma_wait3A_725 = arith.constant 0 : i32
      %dma_wait3A_726 = arith.constant 0 : i32
      %dma_wait3A_727 = tpu.memref_slice %arg3[%dma_wait3A_725, %dma_wait3A_726] : memref<100000x16xf32, #tpu.memory_space<hbm>> -> memref<16x16xf32, #tpu.memory_space<hbm>>
      tpu.wait_dma2 semaphore(%arg17 : memref<!tpu.dma_semaphore, #tpu.memory_space<semaphore_mem>>) src(%dma_wait3A_727 : memref<16x16xf32, #tpu.memory_space<hbm>>) dst(%arg14 : memref<16x16xf32, #tpu.memory_space<vmem>>)
      %mul3A_728 = arith.constant 512 : i32
      %mul3A_729 = arith.muli %add3A, %mul3A_728 : i32
      %mul3A_730 = arith.constant 16 : i32
      %mul3A_731 = arith.muli %add3A_715, %mul3A_730 : i32
      %add3A_732 = arith.addi %mul3A_729, %mul3A_731 : i32
      %scan3A_733 = arith.constant 0 : i32
      %scan3A_734 = arith.constant 0 : i32
      %scan3A_735 = arith.constant 16 : i32
      %scan3A_736 = arith.addi %scan3A_734, %scan3A_735 : i32
      %scan3A_737 = arith.constant 1 : i32
      scf.for %scan3A_953 = %scan3A_734 to %scan3A_736 step %scan3A_737  : i32 {
        %mul3A_954 = arith.constant 200 : i32
        %mul3A_955 = arith.muli %scan3A_953, %mul3A_954 : i32
        %get3A = arith.index_cast %scan3A_953 : i32 to index
        %get3A_956 = arith.constant 0 : index
        %get3A_957 = tpu.vector_load %arg14[%get3A, %get3A_956] {strides = array<i32>} : memref<16x16xf32, #tpu.memory_space<vmem>>, vector<1x16xf32>,
        %get3A_958 = vector.shape_cast %get3A_957 : vector<1x16xf32> to vector<16xf32>
        %broadcast_in_dim3A = arith.constant 0.000000e+00 : f32
        %broadcast_in_dim3A_959 = vector.broadcast %broadcast_in_dim3A : f32 to vector<16xf32>
        %broadcast_in_dim3A_960 = arith.constant 0.000000e+00 : f32
        %broadcast_in_dim3A_961 = vector.broadcast %broadcast_in_dim3A_960 : f32 to vector<16xf32>
        %broadcast_in_dim3A_962 = arith.constant 0.000000e+00 : f32
        %broadcast_in_dim3A_963 = vector.broadcast %broadcast_in_dim3A_962 : f32 to vector<16xf32>
        %broadcast_in_dim3A_964 = arith.constant 0.000000e+00 : f32
        %broadcast_in_dim3A_965 = vector.broadcast %broadcast_in_dim3A_964 : f32 to vector<16xf32>
        %broadcast_in_dim3A_966 = arith.constant 0.000000e+00 : f32
        %broadcast_in_dim3A_967 = vector.broadcast %broadcast_in_dim3A_966 : f32 to vector<16xf32>
        %broadcast_in_dim3A_968 = arith.constant 0.000000e+00 : f32
        %broadcast_in_dim3A_969 = vector.broadcast %broadcast_in_dim3A_968 : f32 to vector<16xf32>
        %broadcast_in_dim3A_970 = arith.constant 0.000000e+00 : f32
        %broadcast_in_dim3A_971 = vector.broadcast %broadcast_in_dim3A_970 : f32 to vector<16xf32>
        %scan3A_972 = arith.constant 0 : i32
        %scan3A_973 = arith.constant 25 : i32
        %scan3A_974 = arith.addi %scan3A_972, %scan3A_973 : i32
        %scan3A_975 = arith.constant 1 : i32
        %scan3A_976:8 = scf.for %scan3A_990 = %scan3A_972 to %scan3A_974 step %scan3A_975 iter_args(%scan3A_991 = %get3A_958, %scan3A_992 = %broadcast_in_dim3A_959, %scan3A_993 = %broadcast_in_dim3A_961, %scan3A_994 = %broadcast_in_dim3A_963, %scan3A_995 = %broadcast_in_dim3A_965, %scan3A_996 = %broadcast_in_dim3A_967, %scan3A_997 = %broadcast_in_dim3A_969, %scan3A_998 = %broadcast_in_dim3A_971) -> (vector<16xf32>, vector<16xf32>, vector<16xf32>, vector<16xf32>, vector<16xf32>, vector<16xf32>, vector<16xf32>, vector<16xf32>)  : i32 {
          %mul3A_999 = arith.constant 8 : i32
          %mul3A_1000 = arith.muli %scan3A_990, %mul3A_999 : i32
          %add3A_1001 = arith.addi %mul3A_955, %mul3A_1000 : i32
          %add3A_1002 = arith.constant 0 : i32
          %add3A_1003 = arith.addi %add3A_1001, %add3A_1002 : i32
          %get3A_1004 = arith.index_cast %add3A_1003 : i32 to index
          %get3A_1005 = arith.constant 0 : index
          %get3A_1006 = tpu.vector_load %arg13[%get3A_1004, %get3A_1005] {strides = array<i32>} : memref<3200x16xf32, #tpu.memory_space<vmem>>, vector<1x16xf32>,
          %get3A_1007 = vector.shape_cast %get3A_1006 : vector<1x16xf32> to vector<16xf32>
          %add3A_1008 = arith.addf %scan3A_991, %get3A_1007 : vector<16xf32>
          %add3A_1009 = arith.constant 1 : i32
          %add3A_1010 = arith.addi %add3A_1001, %add3A_1009 : i32
          %get3A_1011 = arith.index_cast %add3A_1010 : i32 to index
          %get3A_1012 = arith.constant 0 : index
          %get3A_1013 = tpu.vector_load %arg13[%get3A_1011, %get3A_1012] {strides = array<i32>} : memref<3200x16xf32, #tpu.memory_space<vmem>>, vector<1x16xf32>,
          %get3A_1014 = vector.shape_cast %get3A_1013 : vector<1x16xf32> to vector<16xf32>
          %add3A_1015 = arith.addf %scan3A_992, %get3A_1014 : vector<16xf32>
          %add3A_1016 = arith.constant 2 : i32
          %add3A_1017 = arith.addi %add3A_1001, %add3A_1016 : i32
          %get3A_1018 = arith.index_cast %add3A_1017 : i32 to index
          %get3A_1019 = arith.constant 0 : index
          %get3A_1020 = tpu.vector_load %arg13[%get3A_1018, %get3A_1019] {strides = array<i32>} : memref<3200x16xf32, #tpu.memory_space<vmem>>, vector<1x16xf32>,
          %get3A_1021 = vector.shape_cast %get3A_1020 : vector<1x16xf32> to vector<16xf32>
          %add3A_1022 = arith.addf %scan3A_993, %get3A_1021 : vector<16xf32>
          %add3A_1023 = arith.constant 3 : i32
          %add3A_1024 = arith.addi %add3A_1001, %add3A_1023 : i32
          %get3A_1025 = arith.index_cast %add3A_1024 : i32 to index
          %get3A_1026 = arith.constant 0 : index
          %get3A_1027 = tpu.vector_load %arg13[%get3A_1025, %get3A_1026] {strides = array<i32>} : memref<3200x16xf32, #tpu.memory_space<vmem>>, vector<1x16xf32>,
          %get3A_1028 = vector.shape_cast %get3A_1027 : vector<1x16xf32> to vector<16xf32>
          %add3A_1029 = arith.addf %scan3A_994, %get3A_1028 : vector<16xf32>
          %add3A_1030 = arith.constant 4 : i32
          %add3A_1031 = arith.addi %add3A_1001, %add3A_1030 : i32
          %get3A_1032 = arith.index_cast %add3A_1031 : i32 to index
          %get3A_1033 = arith.constant 0 : index
          %get3A_1034 = tpu.vector_load %arg13[%get3A_1032, %get3A_1033] {strides = array<i32>} : memref<3200x16xf32, #tpu.memory_space<vmem>>, vector<1x16xf32>,
          %get3A_1035 = vector.shape_cast %get3A_1034 : vector<1x16xf32> to vector<16xf32>
          %add3A_1036 = arith.addf %scan3A_995, %get3A_1035 : vector<16xf32>
          %add3A_1037 = arith.constant 5 : i32
          %add3A_1038 = arith.addi %add3A_1001, %add3A_1037 : i32
          %get3A_1039 = arith.index_cast %add3A_1038 : i32 to index
          %get3A_1040 = arith.constant 0 : index
          %get3A_1041 = tpu.vector_load %arg13[%get3A_1039, %get3A_1040] {strides = array<i32>} : memref<3200x16xf32, #tpu.memory_space<vmem>>, vector<1x16xf32>,
          %get3A_1042 = vector.shape_cast %get3A_1041 : vector<1x16xf32> to vector<16xf32>
          %add3A_1043 = arith.addf %scan3A_996, %get3A_1042 : vector<16xf32>
          %add3A_1044 = arith.constant 6 : i32
          %add3A_1045 = arith.addi %add3A_1001, %add3A_1044 : i32
          %get3A_1046 = arith.index_cast %add3A_1045 : i32 to index
          %get3A_1047 = arith.constant 0 : index
          %get3A_1048 = tpu.vector_load %arg13[%get3A_1046, %get3A_1047] {strides = array<i32>} : memref<3200x16xf32, #tpu.memory_space<vmem>>, vector<1x16xf32>,
          %get3A_1049 = vector.shape_cast %get3A_1048 : vector<1x16xf32> to vector<16xf32>
          %add3A_1050 = arith.addf %scan3A_997, %get3A_1049 : vector<16xf32>
          %add3A_1051 = arith.constant 7 : i32
          %add3A_1052 = arith.addi %add3A_1001, %add3A_1051 : i32
          %get3A_1053 = arith.index_cast %add3A_1052 : i32 to index
          %get3A_1054 = arith.constant 0 : index
          %get3A_1055 = tpu.vector_load %arg13[%get3A_1053, %get3A_1054] {strides = array<i32>} : memref<3200x16xf32, #tpu.memory_space<vmem>>, vector<1x16xf32>,
          %get3A_1056 = vector.shape_cast %get3A_1055 : vector<1x16xf32> to vector<16xf32>
          %add3A_1057 = arith.addf %scan3A_998, %get3A_1056 : vector<16xf32>
          scf.yield %add3A_1008, %add3A_1015, %add3A_1022, %add3A_1029, %add3A_1036, %add3A_1043, %add3A_1050, %add3A_1057 : vector<16xf32>, vector<16xf32>, vector<16xf32>, vector<16xf32>, vector<16xf32>, vector<16xf32>, vector<16xf32>, vector<16xf32>
        }
        %scan3A_977 = arith.constant 25 : i32
        %add3A_978 = arith.addf %scan3A_976#0, %scan3A_976#1 : vector<16xf32>
        %add3A_979 = arith.addf %scan3A_976#2, %scan3A_976#3 : vector<16xf32>
        %add3A_980 = arith.addf %scan3A_976#4, %scan3A_976#5 : vector<16xf32>
        %add3A_981 = arith.addf %scan3A_976#6, %scan3A_976#7 : vector<16xf32>
        %add3A_982 = arith.addf %add3A_978, %add3A_979 : vector<16xf32>
        %add3A_983 = arith.addf %add3A_980, %add3A_981 : vector<16xf32>
        %add3A_984 = arith.addf %add3A_982, %add3A_983 : vector<16xf32>
        %mul3A_985 = arith.constant 16 : i32
        %mul3A_986 = arith.muli %scan3A_953, %mul3A_985 : i32
        %swap3A = arith.index_cast %mul3A_986 : i32 to index
        %swap3A_987 = tpu.vector_load %arg15[%swap3A] {strides = array<i32>} : memref<256xf32, #tpu.memory_space<vmem>>, vector<16xf32>,
        %swap3A_988 = vector.shape_cast %swap3A_987 : vector<16xf32> to vector<16xf32>
        %swap3A_989 = vector.shape_cast %add3A_984 : vector<16xf32> to vector<16xf32>
        tpu.vector_store %arg15[%swap3A], %swap3A_989 {strides = array<i32>} : memref<256xf32, #tpu.memory_space<vmem>>, vector<16xf32>,
      }
      %scan3A_738 = arith.constant 16 : i32
      %mul3A_739 = arith.constant 16 : i32
      %mul3A_740 = arith.muli %add3A_732, %mul3A_739 : i32
      "tpu.region"() ({
        %run_scoped3A = tpu.sem_alloc : memref<!tpu.dma_semaphore, #tpu.memory_space<semaphore_mem>>
        %dma_start3A_953 = tpu.memref_slice %arg6[%mul3A_740] : memref<262144xf32, #tpu.memory_space<hbm>> -> memref<256xf32, #tpu.memory_space<hbm>>
        %dma_start3A_954 = tpu.memref_slice %arg6[%mul3A_740] : memref<262144xf32, #tpu.memory_space<hbm>> -> memref<256xf32, #tpu.memory_space<hbm>>
        tpu.enqueue_dma source(%arg15 : memref<256xf32, #tpu.memory_space<vmem>>) target(%dma_start3A_954 : memref<256xf32, #tpu.memory_space<hbm>>) target_semaphore(%run_scoped3A : memref<!tpu.dma_semaphore, #tpu.memory_space<semaphore_mem>>)
        %dma_wait3A_955 = tpu.memref_slice %arg6[%mul3A_740] : memref<262144xf32, #tpu.memory_space<hbm>> -> memref<256xf32, #tpu.memory_space<hbm>>
        %dma_wait3A_956 = tpu.memref_slice %arg6[%mul3A_740] : memref<262144xf32, #tpu.memory_space<hbm>> -> memref<256xf32, #tpu.memory_space<hbm>>
        tpu.wait_dma2 semaphore(%run_scoped3A : memref<!tpu.dma_semaphore, #tpu.memory_space<semaphore_mem>>) src(%arg15 : memref<256xf32, #tpu.memory_space<vmem>>) dst(%dma_wait3A_956 : memref<256xf32, #tpu.memory_space<hbm>>)
        tpu.yield
      }) : () -> ()
      %add3A_741 = arith.constant 2 : i32
      %add3A_742 = arith.addi %add3A_715, %add3A_741 : i32
      %mul3A_743 = arith.constant 512 : i32
      %mul3A_744 = arith.muli %add3A, %mul3A_743 : i32
      %mul3A_745 = arith.constant 16 : i32
      %mul3A_746 = arith.muli %add3A_742, %mul3A_745 : i32
      %add3A_747 = arith.addi %mul3A_744, %mul3A_746 : i32
      %mul3A_748 = arith.constant 200 : i32
      %mul3A_749 = arith.muli %add3A_747, %mul3A_748 : i32
      "tpu.region"() ({
        %run_scoped3A = tpu.sem_alloc : memref<!tpu.dma_semaphore, #tpu.memory_space<semaphore_mem>>
        %dma_start3A_953 = tpu.memref_slice %arg4[%mul3A_749] : memref<3276800xi32, #tpu.memory_space<hbm>> -> memref<3200xi32, #tpu.memory_space<hbm>>
        %dma_start3A_954 = tpu.memref_slice %arg4[%mul3A_749] : memref<3276800xi32, #tpu.memory_space<hbm>> -> memref<3200xi32, #tpu.memory_space<hbm>>
        tpu.enqueue_dma source(%dma_start3A_954 : memref<3200xi32, #tpu.memory_space<hbm>>) target(%arg11 : memref<3200xi32, #tpu.memory_space<vmem>>) target_semaphore(%run_scoped3A : memref<!tpu.dma_semaphore, #tpu.memory_space<semaphore_mem>>)
        %dma_wait3A_955 = tpu.memref_slice %arg4[%mul3A_749] : memref<3276800xi32, #tpu.memory_space<hbm>> -> memref<3200xi32, #tpu.memory_space<hbm>>
        %dma_wait3A_956 = tpu.memref_slice %arg4[%mul3A_749] : memref<3276800xi32, #tpu.memory_space<hbm>> -> memref<3200xi32, #tpu.memory_space<hbm>>
        tpu.wait_dma2 semaphore(%run_scoped3A : memref<!tpu.dma_semaphore, #tpu.memory_space<semaphore_mem>>) src(%dma_wait3A_956 : memref<3200xi32, #tpu.memory_space<hbm>>) dst(%arg11 : memref<3200xi32, #tpu.memory_space<vmem>>)
        tpu.yield
      }) : () -> ()
      "tpu.region"() ({
        %run_scoped3A = tpu.sem_alloc : memref<!tpu.dma_semaphore, #tpu.memory_space<semaphore_mem>>
        %dma_start3A_953 = tpu.memref_slice %arg5[%add3A_747] : memref<16384xi32, #tpu.memory_space<hbm>> -> memref<16xi32, #tpu.memory_space<hbm>>
        %dma_start3A_954 = tpu.memref_slice %arg5[%add3A_747] : memref<16384xi32, #tpu.memory_space<hbm>> -> memref<16xi32, #tpu.memory_space<hbm>>
        tpu.enqueue_dma source(%dma_start3A_954 : memref<16xi32, #tpu.memory_space<hbm>>) target(%arg12 : memref<16xi32, #tpu.memory_space<vmem>>) target_semaphore(%run_scoped3A : memref<!tpu.dma_semaphore, #tpu.memory_space<semaphore_mem>>)
        %dma_wait3A_955 = tpu.memref_slice %arg5[%add3A_747] : memref<16384xi32, #tpu.memory_space<hbm>> -> memref<16xi32, #tpu.memory_space<hbm>>
        %dma_wait3A_956 = tpu.memref_slice %arg5[%add3A_747] : memref<16384xi32, #tpu.memory_space<hbm>> -> memref<16xi32, #tpu.memory_space<hbm>>
        tpu.wait_dma2 semaphore(%run_scoped3A : memref<!tpu.dma_semaphore, #tpu.memory_space<semaphore_mem>>) src(%dma_wait3A_956 : memref<16xi32, #tpu.memory_space<hbm>>) dst(%arg12 : memref<16xi32, #tpu.memory_space<vmem>>)
        tpu.yield
      }) : () -> ()
      %dma_start3A_750 = arith.constant 0 : i32
      %dma_start3A_751 = arith.constant 0 : i32
      %dma_start3A_752 = tpu.memref_slice %arg13[%dma_start3A_750, %dma_start3A_751] : memref<3200x16xf32, #tpu.memory_space<vmem>> -> memref<128x16xf32, #tpu.memory_space<vmem>>
      %dma_start3A_753 = arith.constant 0 : i32
      %dma_start3A_754 = tpu.memref_slice %arg11[%dma_start3A_753] : memref<3200xi32, #tpu.memory_space<vmem>> -> memref<128xi32, #tpu.memory_space<vmem>>
      %dma_start3A_755 = arith.constant 0 : i32
      %dma_start3A_756 = arith.constant 0 : i32
      %dma_start3A_757 = tpu.memref_slice %arg2[%dma_start3A_755, %dma_start3A_756] : memref<1000000x16xf32, #tpu.memory_space<hbm>> -> memref<1000000x16xf32, #tpu.memory_space<hbm>>
      tpu.enqueue_indirect_dma source(%dma_start3A_757 : memref<1000000x16xf32, #tpu.memory_space<hbm>>) target(%dma_start3A_752 : memref<128x16xf32, #tpu.memory_space<vmem>>) offsets(%dma_start3A_754 : memref<128xi32, #tpu.memory_space<vmem>>) semaphore(%arg17 : memref<!tpu.dma_semaphore, #tpu.memory_space<semaphore_mem>>)
      %dma_start3A_758 = arith.constant 128 : i32
      %dma_start3A_759 = arith.constant 0 : i32
      %dma_start3A_760 = tpu.memref_slice %arg13[%dma_start3A_758, %dma_start3A_759] : memref<3200x16xf32, #tpu.memory_space<vmem>> -> memref<128x16xf32, #tpu.memory_space<vmem>>
      %dma_start3A_761 = arith.constant 128 : i32
      %dma_start3A_762 = tpu.memref_slice %arg11[%dma_start3A_761] : memref<3200xi32, #tpu.memory_space<vmem>> -> memref<128xi32, #tpu.memory_space<vmem>>
      %dma_start3A_763 = arith.constant 0 : i32
      %dma_start3A_764 = arith.constant 0 : i32
      %dma_start3A_765 = tpu.memref_slice %arg2[%dma_start3A_763, %dma_start3A_764] : memref<1000000x16xf32, #tpu.memory_space<hbm>> -> memref<1000000x16xf32, #tpu.memory_space<hbm>>
      tpu.enqueue_indirect_dma source(%dma_start3A_765 : memref<1000000x16xf32, #tpu.memory_space<hbm>>) target(%dma_start3A_760 : memref<128x16xf32, #tpu.memory_space<vmem>>) offsets(%dma_start3A_762 : memref<128xi32, #tpu.memory_space<vmem>>) semaphore(%arg17 : memref<!tpu.dma_semaphore, #tpu.memory_space<semaphore_mem>>)
      %dma_start3A_766 = arith.constant 256 : i32
      %dma_start3A_767 = arith.constant 0 : i32
      %dma_start3A_768 = tpu.memref_slice %arg13[%dma_start3A_766, %dma_start3A_767] : memref<3200x16xf32, #tpu.memory_space<vmem>> -> memref<128x16xf32, #tpu.memory_space<vmem>>
      %dma_start3A_769 = arith.constant 256 : i32
      %dma_start3A_770 = tpu.memref_slice %arg11[%dma_start3A_769] : memref<3200xi32, #tpu.memory_space<vmem>> -> memref<128xi32, #tpu.memory_space<vmem>>
      %dma_start3A_771 = arith.constant 0 : i32
      %dma_start3A_772 = arith.constant 0 : i32
      %dma_start3A_773 = tpu.memref_slice %arg2[%dma_start3A_771, %dma_start3A_772] : memref<1000000x16xf32, #tpu.memory_space<hbm>> -> memref<1000000x16xf32, #tpu.memory_space<hbm>>
      tpu.enqueue_indirect_dma source(%dma_start3A_773 : memref<1000000x16xf32, #tpu.memory_space<hbm>>) target(%dma_start3A_768 : memref<128x16xf32, #tpu.memory_space<vmem>>) offsets(%dma_start3A_770 : memref<128xi32, #tpu.memory_space<vmem>>) semaphore(%arg17 : memref<!tpu.dma_semaphore, #tpu.memory_space<semaphore_mem>>)
      %dma_start3A_774 = arith.constant 384 : i32
      %dma_start3A_775 = arith.constant 0 : i32
      %dma_start3A_776 = tpu.memref_slice %arg13[%dma_start3A_774, %dma_start3A_775] : memref<3200x16xf32, #tpu.memory_space<vmem>> -> memref<128x16xf32, #tpu.memory_space<vmem>>
      %dma_start3A_777 = arith.constant 384 : i32
      %dma_start3A_778 = tpu.memref_slice %arg11[%dma_start3A_777] : memref<3200xi32, #tpu.memory_space<vmem>> -> memref<128xi32, #tpu.memory_space<vmem>>
      %dma_start3A_779 = arith.constant 0 : i32
      %dma_start3A_780 = arith.constant 0 : i32
      %dma_start3A_781 = tpu.memref_slice %arg2[%dma_start3A_779, %dma_start3A_780] : memref<1000000x16xf32, #tpu.memory_space<hbm>> -> memref<1000000x16xf32, #tpu.memory_space<hbm>>
      tpu.enqueue_indirect_dma source(%dma_start3A_781 : memref<1000000x16xf32, #tpu.memory_space<hbm>>) target(%dma_start3A_776 : memref<128x16xf32, #tpu.memory_space<vmem>>) offsets(%dma_start3A_778 : memref<128xi32, #tpu.memory_space<vmem>>) semaphore(%arg17 : memref<!tpu.dma_semaphore, #tpu.memory_space<semaphore_mem>>)
      %dma_start3A_782 = arith.constant 512 : i32
      %dma_start3A_783 = arith.constant 0 : i32
      %dma_start3A_784 = tpu.memref_slice %arg13[%dma_start3A_782, %dma_start3A_783] : memref<3200x16xf32, #tpu.memory_space<vmem>> -> memref<128x16xf32, #tpu.memory_space<vmem>>
      %dma_start3A_785 = arith.constant 512 : i32
      %dma_start3A_786 = tpu.memref_slice %arg11[%dma_start3A_785] : memref<3200xi32, #tpu.memory_space<vmem>> -> memref<128xi32, #tpu.memory_space<vmem>>
      %dma_start3A_787 = arith.constant 0 : i32
      %dma_start3A_788 = arith.constant 0 : i32
      %dma_start3A_789 = tpu.memref_slice %arg2[%dma_start3A_787, %dma_start3A_788] : memref<1000000x16xf32, #tpu.memory_space<hbm>> -> memref<1000000x16xf32, #tpu.memory_space<hbm>>
      tpu.enqueue_indirect_dma source(%dma_start3A_789 : memref<1000000x16xf32, #tpu.memory_space<hbm>>) target(%dma_start3A_784 : memref<128x16xf32, #tpu.memory_space<vmem>>) offsets(%dma_start3A_786 : memref<128xi32, #tpu.memory_space<vmem>>) semaphore(%arg17 : memref<!tpu.dma_semaphore, #tpu.memory_space<semaphore_mem>>)
      %dma_start3A_790 = arith.constant 640 : i32
      %dma_start3A_791 = arith.constant 0 : i32
      %dma_start3A_792 = tpu.memref_slice %arg13[%dma_start3A_790, %dma_start3A_791] : memref<3200x16xf32, #tpu.memory_space<vmem>> -> memref<128x16xf32, #tpu.memory_space<vmem>>
      %dma_start3A_793 = arith.constant 640 : i32
      %dma_start3A_794 = tpu.memref_slice %arg11[%dma_start3A_793] : memref<3200xi32, #tpu.memory_space<vmem>> -> memref<128xi32, #tpu.memory_space<vmem>>
      %dma_start3A_795 = arith.constant 0 : i32
      %dma_start3A_796 = arith.constant 0 : i32
      %dma_start3A_797 = tpu.memref_slice %arg2[%dma_start3A_795, %dma_start3A_796] : memref<1000000x16xf32, #tpu.memory_space<hbm>> -> memref<1000000x16xf32, #tpu.memory_space<hbm>>
      tpu.enqueue_indirect_dma source(%dma_start3A_797 : memref<1000000x16xf32, #tpu.memory_space<hbm>>) target(%dma_start3A_792 : memref<128x16xf32, #tpu.memory_space<vmem>>) offsets(%dma_start3A_794 : memref<128xi32, #tpu.memory_space<vmem>>) semaphore(%arg17 : memref<!tpu.dma_semaphore, #tpu.memory_space<semaphore_mem>>)
      %dma_start3A_798 = arith.constant 768 : i32
      %dma_start3A_799 = arith.constant 0 : i32
      %dma_start3A_800 = tpu.memref_slice %arg13[%dma_start3A_798, %dma_start3A_799] : memref<3200x16xf32, #tpu.memory_space<vmem>> -> memref<128x16xf32, #tpu.memory_space<vmem>>
      %dma_start3A_801 = arith.constant 768 : i32
      %dma_start3A_802 = tpu.memref_slice %arg11[%dma_start3A_801] : memref<3200xi32, #tpu.memory_space<vmem>> -> memref<128xi32, #tpu.memory_space<vmem>>
      %dma_start3A_803 = arith.constant 0 : i32
      %dma_start3A_804 = arith.constant 0 : i32
      %dma_start3A_805 = tpu.memref_slice %arg2[%dma_start3A_803, %dma_start3A_804] : memref<1000000x16xf32, #tpu.memory_space<hbm>> -> memref<1000000x16xf32, #tpu.memory_space<hbm>>
      tpu.enqueue_indirect_dma source(%dma_start3A_805 : memref<1000000x16xf32, #tpu.memory_space<hbm>>) target(%dma_start3A_800 : memref<128x16xf32, #tpu.memory_space<vmem>>) offsets(%dma_start3A_802 : memref<128xi32, #tpu.memory_space<vmem>>) semaphore(%arg17 : memref<!tpu.dma_semaphore, #tpu.memory_space<semaphore_mem>>)
      %dma_start3A_806 = arith.constant 896 : i32
      %dma_start3A_807 = arith.constant 0 : i32
      %dma_start3A_808 = tpu.memref_slice %arg13[%dma_start3A_806, %dma_start3A_807] : memref<3200x16xf32, #tpu.memory_space<vmem>> -> memref<128x16xf32, #tpu.memory_space<vmem>>
      %dma_start3A_809 = arith.constant 896 : i32
      %dma_start3A_810 = tpu.memref_slice %arg11[%dma_start3A_809] : memref<3200xi32, #tpu.memory_space<vmem>> -> memref<128xi32, #tpu.memory_space<vmem>>
      %dma_start3A_811 = arith.constant 0 : i32
      %dma_start3A_812 = arith.constant 0 : i32
      %dma_start3A_813 = tpu.memref_slice %arg2[%dma_start3A_811, %dma_start3A_812] : memref<1000000x16xf32, #tpu.memory_space<hbm>> -> memref<1000000x16xf32, #tpu.memory_space<hbm>>
      tpu.enqueue_indirect_dma source(%dma_start3A_813 : memref<1000000x16xf32, #tpu.memory_space<hbm>>) target(%dma_start3A_808 : memref<128x16xf32, #tpu.memory_space<vmem>>) offsets(%dma_start3A_810 : memref<128xi32, #tpu.memory_space<vmem>>) semaphore(%arg17 : memref<!tpu.dma_semaphore, #tpu.memory_space<semaphore_mem>>)
      %dma_start3A_814 = arith.constant 1024 : i32
      %dma_start3A_815 = arith.constant 0 : i32
      %dma_start3A_816 = tpu.memref_slice %arg13[%dma_start3A_814, %dma_start3A_815] : memref<3200x16xf32, #tpu.memory_space<vmem>> -> memref<128x16xf32, #tpu.memory_space<vmem>>
      %dma_start3A_817 = arith.constant 1024 : i32
      %dma_start3A_818 = tpu.memref_slice %arg11[%dma_start3A_817] : memref<3200xi32, #tpu.memory_space<vmem>> -> memref<128xi32, #tpu.memory_space<vmem>>
      %dma_start3A_819 = arith.constant 0 : i32
      %dma_start3A_820 = arith.constant 0 : i32
      %dma_start3A_821 = tpu.memref_slice %arg2[%dma_start3A_819, %dma_start3A_820] : memref<1000000x16xf32, #tpu.memory_space<hbm>> -> memref<1000000x16xf32, #tpu.memory_space<hbm>>
      tpu.enqueue_indirect_dma source(%dma_start3A_821 : memref<1000000x16xf32, #tpu.memory_space<hbm>>) target(%dma_start3A_816 : memref<128x16xf32, #tpu.memory_space<vmem>>) offsets(%dma_start3A_818 : memref<128xi32, #tpu.memory_space<vmem>>) semaphore(%arg17 : memref<!tpu.dma_semaphore, #tpu.memory_space<semaphore_mem>>)
      %dma_start3A_822 = arith.constant 1152 : i32
      %dma_start3A_823 = arith.constant 0 : i32
      %dma_start3A_824 = tpu.memref_slice %arg13[%dma_start3A_822, %dma_start3A_823] : memref<3200x16xf32, #tpu.memory_space<vmem>> -> memref<128x16xf32, #tpu.memory_space<vmem>>
      %dma_start3A_825 = arith.constant 1152 : i32
      %dma_start3A_826 = tpu.memref_slice %arg11[%dma_start3A_825] : memref<3200xi32, #tpu.memory_space<vmem>> -> memref<128xi32, #tpu.memory_space<vmem>>
      %dma_start3A_827 = arith.constant 0 : i32
      %dma_start3A_828 = arith.constant 0 : i32
      %dma_start3A_829 = tpu.memref_slice %arg2[%dma_start3A_827, %dma_start3A_828] : memref<1000000x16xf32, #tpu.memory_space<hbm>> -> memref<1000000x16xf32, #tpu.memory_space<hbm>>
      tpu.enqueue_indirect_dma source(%dma_start3A_829 : memref<1000000x16xf32, #tpu.memory_space<hbm>>) target(%dma_start3A_824 : memref<128x16xf32, #tpu.memory_space<vmem>>) offsets(%dma_start3A_826 : memref<128xi32, #tpu.memory_space<vmem>>) semaphore(%arg17 : memref<!tpu.dma_semaphore, #tpu.memory_space<semaphore_mem>>)
      %dma_start3A_830 = arith.constant 1280 : i32
      %dma_start3A_831 = arith.constant 0 : i32
      %dma_start3A_832 = tpu.memref_slice %arg13[%dma_start3A_830, %dma_start3A_831] : memref<3200x16xf32, #tpu.memory_space<vmem>> -> memref<128x16xf32, #tpu.memory_space<vmem>>
      %dma_start3A_833 = arith.constant 1280 : i32
      %dma_start3A_834 = tpu.memref_slice %arg11[%dma_start3A_833] : memref<3200xi32, #tpu.memory_space<vmem>> -> memref<128xi32, #tpu.memory_space<vmem>>
      %dma_start3A_835 = arith.constant 0 : i32
      %dma_start3A_836 = arith.constant 0 : i32
      %dma_start3A_837 = tpu.memref_slice %arg2[%dma_start3A_835, %dma_start3A_836] : memref<1000000x16xf32, #tpu.memory_space<hbm>> -> memref<1000000x16xf32, #tpu.memory_space<hbm>>
      tpu.enqueue_indirect_dma source(%dma_start3A_837 : memref<1000000x16xf32, #tpu.memory_space<hbm>>) target(%dma_start3A_832 : memref<128x16xf32, #tpu.memory_space<vmem>>) offsets(%dma_start3A_834 : memref<128xi32, #tpu.memory_space<vmem>>) semaphore(%arg17 : memref<!tpu.dma_semaphore, #tpu.memory_space<semaphore_mem>>)
      %dma_start3A_838 = arith.constant 1408 : i32
      %dma_start3A_839 = arith.constant 0 : i32
      %dma_start3A_840 = tpu.memref_slice %arg13[%dma_start3A_838, %dma_start3A_839] : memref<3200x16xf32, #tpu.memory_space<vmem>> -> memref<128x16xf32, #tpu.memory_space<vmem>>
      %dma_start3A_841 = arith.constant 1408 : i32
      %dma_start3A_842 = tpu.memref_slice %arg11[%dma_start3A_841] : memref<3200xi32, #tpu.memory_space<vmem>> -> memref<128xi32, #tpu.memory_space<vmem>>
      %dma_start3A_843 = arith.constant 0 : i32
      %dma_start3A_844 = arith.constant 0 : i32
      %dma_start3A_845 = tpu.memref_slice %arg2[%dma_start3A_843, %dma_start3A_844] : memref<1000000x16xf32, #tpu.memory_space<hbm>> -> memref<1000000x16xf32, #tpu.memory_space<hbm>>
      tpu.enqueue_indirect_dma source(%dma_start3A_845 : memref<1000000x16xf32, #tpu.memory_space<hbm>>) target(%dma_start3A_840 : memref<128x16xf32, #tpu.memory_space<vmem>>) offsets(%dma_start3A_842 : memref<128xi32, #tpu.memory_space<vmem>>) semaphore(%arg17 : memref<!tpu.dma_semaphore, #tpu.memory_space<semaphore_mem>>)
      %dma_start3A_846 = arith.constant 1536 : i32
      %dma_start3A_847 = arith.constant 0 : i32
      %dma_start3A_848 = tpu.memref_slice %arg13[%dma_start3A_846, %dma_start3A_847] : memref<3200x16xf32, #tpu.memory_space<vmem>> -> memref<128x16xf32, #tpu.memory_space<vmem>>
      %dma_start3A_849 = arith.constant 1536 : i32
      %dma_start3A_850 = tpu.memref_slice %arg11[%dma_start3A_849] : memref<3200xi32, #tpu.memory_space<vmem>> -> memref<128xi32, #tpu.memory_space<vmem>>
      %dma_start3A_851 = arith.constant 0 : i32
      %dma_start3A_852 = arith.constant 0 : i32
      %dma_start3A_853 = tpu.memref_slice %arg2[%dma_start3A_851, %dma_start3A_852] : memref<1000000x16xf32, #tpu.memory_space<hbm>> -> memref<1000000x16xf32, #tpu.memory_space<hbm>>
      tpu.enqueue_indirect_dma source(%dma_start3A_853 : memref<1000000x16xf32, #tpu.memory_space<hbm>>) target(%dma_start3A_848 : memref<128x16xf32, #tpu.memory_space<vmem>>) offsets(%dma_start3A_850 : memref<128xi32, #tpu.memory_space<vmem>>) semaphore(%arg17 : memref<!tpu.dma_semaphore, #tpu.memory_space<semaphore_mem>>)
      %dma_start3A_854 = arith.constant 1664 : i32
      %dma_start3A_855 = arith.constant 0 : i32
      %dma_start3A_856 = tpu.memref_slice %arg13[%dma_start3A_854, %dma_start3A_855] : memref<3200x16xf32, #tpu.memory_space<vmem>> -> memref<128x16xf32, #tpu.memory_space<vmem>>
      %dma_start3A_857 = arith.constant 1664 : i32
      %dma_start3A_858 = tpu.memref_slice %arg11[%dma_start3A_857] : memref<3200xi32, #tpu.memory_space<vmem>> -> memref<128xi32, #tpu.memory_space<vmem>>
      %dma_start3A_859 = arith.constant 0 : i32
      %dma_start3A_860 = arith.constant 0 : i32
      %dma_start3A_861 = tpu.memref_slice %arg2[%dma_start3A_859, %dma_start3A_860] : memref<1000000x16xf32, #tpu.memory_space<hbm>> -> memref<1000000x16xf32, #tpu.memory_space<hbm>>
      tpu.enqueue_indirect_dma source(%dma_start3A_861 : memref<1000000x16xf32, #tpu.memory_space<hbm>>) target(%dma_start3A_856 : memref<128x16xf32, #tpu.memory_space<vmem>>) offsets(%dma_start3A_858 : memref<128xi32, #tpu.memory_space<vmem>>) semaphore(%arg17 : memref<!tpu.dma_semaphore, #tpu.memory_space<semaphore_mem>>)
      %dma_start3A_862 = arith.constant 1792 : i32
      %dma_start3A_863 = arith.constant 0 : i32
      %dma_start3A_864 = tpu.memref_slice %arg13[%dma_start3A_862, %dma_start3A_863] : memref<3200x16xf32, #tpu.memory_space<vmem>> -> memref<128x16xf32, #tpu.memory_space<vmem>>
      %dma_start3A_865 = arith.constant 1792 : i32
      %dma_start3A_866 = tpu.memref_slice %arg11[%dma_start3A_865] : memref<3200xi32, #tpu.memory_space<vmem>> -> memref<128xi32, #tpu.memory_space<vmem>>
      %dma_start3A_867 = arith.constant 0 : i32
      %dma_start3A_868 = arith.constant 0 : i32
      %dma_start3A_869 = tpu.memref_slice %arg2[%dma_start3A_867, %dma_start3A_868] : memref<1000000x16xf32, #tpu.memory_space<hbm>> -> memref<1000000x16xf32, #tpu.memory_space<hbm>>
      tpu.enqueue_indirect_dma source(%dma_start3A_869 : memref<1000000x16xf32, #tpu.memory_space<hbm>>) target(%dma_start3A_864 : memref<128x16xf32, #tpu.memory_space<vmem>>) offsets(%dma_start3A_866 : memref<128xi32, #tpu.memory_space<vmem>>) semaphore(%arg17 : memref<!tpu.dma_semaphore, #tpu.memory_space<semaphore_mem>>)
      %dma_start3A_870 = arith.constant 1920 : i32
      %dma_start3A_871 = arith.constant 0 : i32
      %dma_start3A_872 = tpu.memref_slice %arg13[%dma_start3A_870, %dma_start3A_871] : memref<3200x16xf32, #tpu.memory_space<vmem>> -> memref<128x16xf32, #tpu.memory_space<vmem>>
      %dma_start3A_873 = arith.constant 1920 : i32
      %dma_start3A_874 = tpu.memref_slice %arg11[%dma_start3A_873] : memref<3200xi32, #tpu.memory_space<vmem>> -> memref<128xi32, #tpu.memory_space<vmem>>
      %dma_start3A_875 = arith.constant 0 : i32
      %dma_start3A_876 = arith.constant 0 : i32
      %dma_start3A_877 = tpu.memref_slice %arg2[%dma_start3A_875, %dma_start3A_876] : memref<1000000x16xf32, #tpu.memory_space<hbm>> -> memref<1000000x16xf32, #tpu.memory_space<hbm>>
      tpu.enqueue_indirect_dma source(%dma_start3A_877 : memref<1000000x16xf32, #tpu.memory_space<hbm>>) target(%dma_start3A_872 : memref<128x16xf32, #tpu.memory_space<vmem>>) offsets(%dma_start3A_874 : memref<128xi32, #tpu.memory_space<vmem>>) semaphore(%arg17 : memref<!tpu.dma_semaphore, #tpu.memory_space<semaphore_mem>>)
      %dma_start3A_878 = arith.constant 2048 : i32
      %dma_start3A_879 = arith.constant 0 : i32
      %dma_start3A_880 = tpu.memref_slice %arg13[%dma_start3A_878, %dma_start3A_879] : memref<3200x16xf32, #tpu.memory_space<vmem>> -> memref<128x16xf32, #tpu.memory_space<vmem>>
      %dma_start3A_881 = arith.constant 2048 : i32
      %dma_start3A_882 = tpu.memref_slice %arg11[%dma_start3A_881] : memref<3200xi32, #tpu.memory_space<vmem>> -> memref<128xi32, #tpu.memory_space<vmem>>
      %dma_start3A_883 = arith.constant 0 : i32
      %dma_start3A_884 = arith.constant 0 : i32
      %dma_start3A_885 = tpu.memref_slice %arg2[%dma_start3A_883, %dma_start3A_884] : memref<1000000x16xf32, #tpu.memory_space<hbm>> -> memref<1000000x16xf32, #tpu.memory_space<hbm>>
      tpu.enqueue_indirect_dma source(%dma_start3A_885 : memref<1000000x16xf32, #tpu.memory_space<hbm>>) target(%dma_start3A_880 : memref<128x16xf32, #tpu.memory_space<vmem>>) offsets(%dma_start3A_882 : memref<128xi32, #tpu.memory_space<vmem>>) semaphore(%arg17 : memref<!tpu.dma_semaphore, #tpu.memory_space<semaphore_mem>>)
      %dma_start3A_886 = arith.constant 2176 : i32
      %dma_start3A_887 = arith.constant 0 : i32
      %dma_start3A_888 = tpu.memref_slice %arg13[%dma_start3A_886, %dma_start3A_887] : memref<3200x16xf32, #tpu.memory_space<vmem>> -> memref<128x16xf32, #tpu.memory_space<vmem>>
      %dma_start3A_889 = arith.constant 2176 : i32
      %dma_start3A_890 = tpu.memref_slice %arg11[%dma_start3A_889] : memref<3200xi32, #tpu.memory_space<vmem>> -> memref<128xi32, #tpu.memory_space<vmem>>
      %dma_start3A_891 = arith.constant 0 : i32
      %dma_start3A_892 = arith.constant 0 : i32
      %dma_start3A_893 = tpu.memref_slice %arg2[%dma_start3A_891, %dma_start3A_892] : memref<1000000x16xf32, #tpu.memory_space<hbm>> -> memref<1000000x16xf32, #tpu.memory_space<hbm>>
      tpu.enqueue_indirect_dma source(%dma_start3A_893 : memref<1000000x16xf32, #tpu.memory_space<hbm>>) target(%dma_start3A_888 : memref<128x16xf32, #tpu.memory_space<vmem>>) offsets(%dma_start3A_890 : memref<128xi32, #tpu.memory_space<vmem>>) semaphore(%arg17 : memref<!tpu.dma_semaphore, #tpu.memory_space<semaphore_mem>>)
      %dma_start3A_894 = arith.constant 2304 : i32
      %dma_start3A_895 = arith.constant 0 : i32
      %dma_start3A_896 = tpu.memref_slice %arg13[%dma_start3A_894, %dma_start3A_895] : memref<3200x16xf32, #tpu.memory_space<vmem>> -> memref<128x16xf32, #tpu.memory_space<vmem>>
      %dma_start3A_897 = arith.constant 2304 : i32
      %dma_start3A_898 = tpu.memref_slice %arg11[%dma_start3A_897] : memref<3200xi32, #tpu.memory_space<vmem>> -> memref<128xi32, #tpu.memory_space<vmem>>
      %dma_start3A_899 = arith.constant 0 : i32
      %dma_start3A_900 = arith.constant 0 : i32
      %dma_start3A_901 = tpu.memref_slice %arg2[%dma_start3A_899, %dma_start3A_900] : memref<1000000x16xf32, #tpu.memory_space<hbm>> -> memref<1000000x16xf32, #tpu.memory_space<hbm>>
      tpu.enqueue_indirect_dma source(%dma_start3A_901 : memref<1000000x16xf32, #tpu.memory_space<hbm>>) target(%dma_start3A_896 : memref<128x16xf32, #tpu.memory_space<vmem>>) offsets(%dma_start3A_898 : memref<128xi32, #tpu.memory_space<vmem>>) semaphore(%arg17 : memref<!tpu.dma_semaphore, #tpu.memory_space<semaphore_mem>>)
      %dma_start3A_902 = arith.constant 2432 : i32
      %dma_start3A_903 = arith.constant 0 : i32
      %dma_start3A_904 = tpu.memref_slice %arg13[%dma_start3A_902, %dma_start3A_903] : memref<3200x16xf32, #tpu.memory_space<vmem>> -> memref<128x16xf32, #tpu.memory_space<vmem>>
      %dma_start3A_905 = arith.constant 2432 : i32
      %dma_start3A_906 = tpu.memref_slice %arg11[%dma_start3A_905] : memref<3200xi32, #tpu.memory_space<vmem>> -> memref<128xi32, #tpu.memory_space<vmem>>
      %dma_start3A_907 = arith.constant 0 : i32
      %dma_start3A_908 = arith.constant 0 : i32
      %dma_start3A_909 = tpu.memref_slice %arg2[%dma_start3A_907, %dma_start3A_908] : memref<1000000x16xf32, #tpu.memory_space<hbm>> -> memref<1000000x16xf32, #tpu.memory_space<hbm>>
      tpu.enqueue_indirect_dma source(%dma_start3A_909 : memref<1000000x16xf32, #tpu.memory_space<hbm>>) target(%dma_start3A_904 : memref<128x16xf32, #tpu.memory_space<vmem>>) offsets(%dma_start3A_906 : memref<128xi32, #tpu.memory_space<vmem>>) semaphore(%arg17 : memref<!tpu.dma_semaphore, #tpu.memory_space<semaphore_mem>>)
      %dma_start3A_910 = arith.constant 2560 : i32
      %dma_start3A_911 = arith.constant 0 : i32
      %dma_start3A_912 = tpu.memref_slice %arg13[%dma_start3A_910, %dma_start3A_911] : memref<3200x16xf32, #tpu.memory_space<vmem>> -> memref<128x16xf32, #tpu.memory_space<vmem>>
      %dma_start3A_913 = arith.constant 2560 : i32
      %dma_start3A_914 = tpu.memref_slice %arg11[%dma_start3A_913] : memref<3200xi32, #tpu.memory_space<vmem>> -> memref<128xi32, #tpu.memory_space<vmem>>
      %dma_start3A_915 = arith.constant 0 : i32
      %dma_start3A_916 = arith.constant 0 : i32
      %dma_start3A_917 = tpu.memref_slice %arg2[%dma_start3A_915, %dma_start3A_916] : memref<1000000x16xf32, #tpu.memory_space<hbm>> -> memref<1000000x16xf32, #tpu.memory_space<hbm>>
      tpu.enqueue_indirect_dma source(%dma_start3A_917 : memref<1000000x16xf32, #tpu.memory_space<hbm>>) target(%dma_start3A_912 : memref<128x16xf32, #tpu.memory_space<vmem>>) offsets(%dma_start3A_914 : memref<128xi32, #tpu.memory_space<vmem>>) semaphore(%arg17 : memref<!tpu.dma_semaphore, #tpu.memory_space<semaphore_mem>>)
      %dma_start3A_918 = arith.constant 2688 : i32
      %dma_start3A_919 = arith.constant 0 : i32
      %dma_start3A_920 = tpu.memref_slice %arg13[%dma_start3A_918, %dma_start3A_919] : memref<3200x16xf32, #tpu.memory_space<vmem>> -> memref<128x16xf32, #tpu.memory_space<vmem>>
      %dma_start3A_921 = arith.constant 2688 : i32
      %dma_start3A_922 = tpu.memref_slice %arg11[%dma_start3A_921] : memref<3200xi32, #tpu.memory_space<vmem>> -> memref<128xi32, #tpu.memory_space<vmem>>
      %dma_start3A_923 = arith.constant 0 : i32
      %dma_start3A_924 = arith.constant 0 : i32
      %dma_start3A_925 = tpu.memref_slice %arg2[%dma_start3A_923, %dma_start3A_924] : memref<1000000x16xf32, #tpu.memory_space<hbm>> -> memref<1000000x16xf32, #tpu.memory_space<hbm>>
      tpu.enqueue_indirect_dma source(%dma_start3A_925 : memref<1000000x16xf32, #tpu.memory_space<hbm>>) target(%dma_start3A_920 : memref<128x16xf32, #tpu.memory_space<vmem>>) offsets(%dma_start3A_922 : memref<128xi32, #tpu.memory_space<vmem>>) semaphore(%arg17 : memref<!tpu.dma_semaphore, #tpu.memory_space<semaphore_mem>>)
      %dma_start3A_926 = arith.constant 2816 : i32
      %dma_start3A_927 = arith.constant 0 : i32
      %dma_start3A_928 = tpu.memref_slice %arg13[%dma_start3A_926, %dma_start3A_927] : memref<3200x16xf32, #tpu.memory_space<vmem>> -> memref<128x16xf32, #tpu.memory_space<vmem>>
      %dma_start3A_929 = arith.constant 2816 : i32
      %dma_start3A_930 = tpu.memref_slice %arg11[%dma_start3A_929] : memref<3200xi32, #tpu.memory_space<vmem>> -> memref<128xi32, #tpu.memory_space<vmem>>
      %dma_start3A_931 = arith.constant 0 : i32
      %dma_start3A_932 = arith.constant 0 : i32
      %dma_start3A_933 = tpu.memref_slice %arg2[%dma_start3A_931, %dma_start3A_932] : memref<1000000x16xf32, #tpu.memory_space<hbm>> -> memref<1000000x16xf32, #tpu.memory_space<hbm>>
      tpu.enqueue_indirect_dma source(%dma_start3A_933 : memref<1000000x16xf32, #tpu.memory_space<hbm>>) target(%dma_start3A_928 : memref<128x16xf32, #tpu.memory_space<vmem>>) offsets(%dma_start3A_930 : memref<128xi32, #tpu.memory_space<vmem>>) semaphore(%arg17 : memref<!tpu.dma_semaphore, #tpu.memory_space<semaphore_mem>>)
      %dma_start3A_934 = arith.constant 2944 : i32
      %dma_start3A_935 = arith.constant 0 : i32
      %dma_start3A_936 = tpu.memref_slice %arg13[%dma_start3A_934, %dma_start3A_935] : memref<3200x16xf32, #tpu.memory_space<vmem>> -> memref<128x16xf32, #tpu.memory_space<vmem>>
      %dma_start3A_937 = arith.constant 2944 : i32
      %dma_start3A_938 = tpu.memref_slice %arg11[%dma_start3A_937] : memref<3200xi32, #tpu.memory_space<vmem>> -> memref<128xi32, #tpu.memory_space<vmem>>
      %dma_start3A_939 = arith.constant 0 : i32
      %dma_start3A_940 = arith.constant 0 : i32
      %dma_start3A_941 = tpu.memref_slice %arg2[%dma_start3A_939, %dma_start3A_940] : memref<1000000x16xf32, #tpu.memory_space<hbm>> -> memref<1000000x16xf32, #tpu.memory_space<hbm>>
      tpu.enqueue_indirect_dma source(%dma_start3A_941 : memref<1000000x16xf32, #tpu.memory_space<hbm>>) target(%dma_start3A_936 : memref<128x16xf32, #tpu.memory_space<vmem>>) offsets(%dma_start3A_938 : memref<128xi32, #tpu.memory_space<vmem>>) semaphore(%arg17 : memref<!tpu.dma_semaphore, #tpu.memory_space<semaphore_mem>>)
      %dma_start3A_942 = arith.constant 3072 : i32
      %dma_start3A_943 = arith.constant 0 : i32
      %dma_start3A_944 = tpu.memref_slice %arg13[%dma_start3A_942, %dma_start3A_943] : memref<3200x16xf32, #tpu.memory_space<vmem>> -> memref<128x16xf32, #tpu.memory_space<vmem>>
      %dma_start3A_945 = arith.constant 3072 : i32
      %dma_start3A_946 = tpu.memref_slice %arg11[%dma_start3A_945] : memref<3200xi32, #tpu.memory_space<vmem>> -> memref<128xi32, #tpu.memory_space<vmem>>
      %dma_start3A_947 = arith.constant 0 : i32
      %dma_start3A_948 = arith.constant 0 : i32
      %dma_start3A_949 = tpu.memref_slice %arg2[%dma_start3A_947, %dma_start3A_948] : memref<1000000x16xf32, #tpu.memory_space<hbm>> -> memref<1000000x16xf32, #tpu.memory_space<hbm>>
      tpu.enqueue_indirect_dma source(%dma_start3A_949 : memref<1000000x16xf32, #tpu.memory_space<hbm>>) target(%dma_start3A_944 : memref<128x16xf32, #tpu.memory_space<vmem>>) offsets(%dma_start3A_946 : memref<128xi32, #tpu.memory_space<vmem>>) semaphore(%arg17 : memref<!tpu.dma_semaphore, #tpu.memory_space<semaphore_mem>>)
      %dma_start3A_950 = arith.constant 0 : i32
      %dma_start3A_951 = arith.constant 0 : i32
      %dma_start3A_952 = tpu.memref_slice %arg3[%dma_start3A_950, %dma_start3A_951] : memref<100000x16xf32, #tpu.memory_space<hbm>> -> memref<100000x16xf32, #tpu.memory_space<hbm>>
      tpu.enqueue_indirect_dma source(%dma_start3A_952 : memref<100000x16xf32, #tpu.memory_space<hbm>>) target(%arg14 : memref<16x16xf32, #tpu.memory_space<vmem>>) offsets(%arg12 : memref<16xi32, #tpu.memory_space<vmem>>) semaphore(%arg17 : memref<!tpu.dma_semaphore, #tpu.memory_space<semaphore_mem>>)
    }
    %scan3A_422 = arith.constant 15 : i32
    %dma_wait3A = arith.constant 0 : i32
    %dma_wait3A_423 = arith.constant 0 : i32
    %dma_wait3A_424 = tpu.memref_slice %arg2[%dma_wait3A, %dma_wait3A_423] : memref<1000000x16xf32, #tpu.memory_space<hbm>> -> memref<3200x16xf32, #tpu.memory_space<hbm>>
    %dma_wait3A_425 = arith.constant 0 : i32
    %dma_wait3A_426 = arith.constant 0 : i32
    %dma_wait3A_427 = tpu.memref_slice %arg2[%dma_wait3A_425, %dma_wait3A_426] : memref<1000000x16xf32, #tpu.memory_space<hbm>> -> memref<3200x16xf32, #tpu.memory_space<hbm>>
    tpu.wait_dma2 semaphore(%arg16 : memref<!tpu.dma_semaphore, #tpu.memory_space<semaphore_mem>>) src(%dma_wait3A_427 : memref<3200x16xf32, #tpu.memory_space<hbm>>) dst(%arg9 : memref<3200x16xf32, #tpu.memory_space<vmem>>)
    %dma_wait3A_428 = arith.constant 0 : i32
    %dma_wait3A_429 = arith.constant 0 : i32
    %dma_wait3A_430 = tpu.memref_slice %arg3[%dma_wait3A_428, %dma_wait3A_429] : memref<100000x16xf32, #tpu.memory_space<hbm>> -> memref<16x16xf32, #tpu.memory_space<hbm>>
    %dma_wait3A_431 = arith.constant 0 : i32
    %dma_wait3A_432 = arith.constant 0 : i32
    %dma_wait3A_433 = tpu.memref_slice %arg3[%dma_wait3A_431, %dma_wait3A_432] : memref<100000x16xf32, #tpu.memory_space<hbm>> -> memref<16x16xf32, #tpu.memory_space<hbm>>
    tpu.wait_dma2 semaphore(%arg16 : memref<!tpu.dma_semaphore, #tpu.memory_space<semaphore_mem>>) src(%dma_wait3A_433 : memref<16x16xf32, #tpu.memory_space<hbm>>) dst(%arg10 : memref<16x16xf32, #tpu.memory_space<vmem>>)
    %mul3A_434 = arith.constant 512 : i32
    %mul3A_435 = arith.muli %add3A, %mul3A_434 : i32
    %add3A_436 = arith.constant 480 : i32
    %add3A_437 = arith.addi %mul3A_435, %add3A_436 : i32
    %scan3A_438 = arith.constant 0 : i32
    %scan3A_439 = arith.constant 0 : i32
    %scan3A_440 = arith.constant 16 : i32
    %scan3A_441 = arith.addi %scan3A_439, %scan3A_440 : i32
    %scan3A_442 = arith.constant 1 : i32
    scf.for %scan3A_470 = %scan3A_439 to %scan3A_441 step %scan3A_442  : i32 {
      %mul3A_471 = arith.constant 200 : i32
      %mul3A_472 = arith.muli %scan3A_470, %mul3A_471 : i32
      %get3A = arith.index_cast %scan3A_470 : i32 to index
      %get3A_473 = arith.constant 0 : index
      %get3A_474 = tpu.vector_load %arg10[%get3A, %get3A_473] {strides = array<i32>} : memref<16x16xf32, #tpu.memory_space<vmem>>, vector<1x16xf32>,
      %get3A_475 = vector.shape_cast %get3A_474 : vector<1x16xf32> to vector<16xf32>
      %broadcast_in_dim3A = arith.constant 0.000000e+00 : f32
      %broadcast_in_dim3A_476 = vector.broadcast %broadcast_in_dim3A : f32 to vector<16xf32>
      %broadcast_in_dim3A_477 = arith.constant 0.000000e+00 : f32
      %broadcast_in_dim3A_478 = vector.broadcast %broadcast_in_dim3A_477 : f32 to vector<16xf32>
      %broadcast_in_dim3A_479 = arith.constant 0.000000e+00 : f32
      %broadcast_in_dim3A_480 = vector.broadcast %broadcast_in_dim3A_479 : f32 to vector<16xf32>
      %broadcast_in_dim3A_481 = arith.constant 0.000000e+00 : f32
      %broadcast_in_dim3A_482 = vector.broadcast %broadcast_in_dim3A_481 : f32 to vector<16xf32>
      %broadcast_in_dim3A_483 = arith.constant 0.000000e+00 : f32
      %broadcast_in_dim3A_484 = vector.broadcast %broadcast_in_dim3A_483 : f32 to vector<16xf32>
      %broadcast_in_dim3A_485 = arith.constant 0.000000e+00 : f32
      %broadcast_in_dim3A_486 = vector.broadcast %broadcast_in_dim3A_485 : f32 to vector<16xf32>
      %broadcast_in_dim3A_487 = arith.constant 0.000000e+00 : f32
      %broadcast_in_dim3A_488 = vector.broadcast %broadcast_in_dim3A_487 : f32 to vector<16xf32>
      %scan3A_489 = arith.constant 0 : i32
      %scan3A_490 = arith.constant 25 : i32
      %scan3A_491 = arith.addi %scan3A_489, %scan3A_490 : i32
      %scan3A_492 = arith.constant 1 : i32
      %scan3A_493:8 = scf.for %scan3A_507 = %scan3A_489 to %scan3A_491 step %scan3A_492 iter_args(%scan3A_508 = %get3A_475, %scan3A_509 = %broadcast_in_dim3A_476, %scan3A_510 = %broadcast_in_dim3A_478, %scan3A_511 = %broadcast_in_dim3A_480, %scan3A_512 = %broadcast_in_dim3A_482, %scan3A_513 = %broadcast_in_dim3A_484, %scan3A_514 = %broadcast_in_dim3A_486, %scan3A_515 = %broadcast_in_dim3A_488) -> (vector<16xf32>, vector<16xf32>, vector<16xf32>, vector<16xf32>, vector<16xf32>, vector<16xf32>, vector<16xf32>, vector<16xf32>)  : i32 {
        %mul3A_516 = arith.constant 8 : i32
        %mul3A_517 = arith.muli %scan3A_507, %mul3A_516 : i32
        %add3A_518 = arith.addi %mul3A_472, %mul3A_517 : i32
        %add3A_519 = arith.constant 0 : i32
        %add3A_520 = arith.addi %add3A_518, %add3A_519 : i32
        %get3A_521 = arith.index_cast %add3A_520 : i32 to index
        %get3A_522 = arith.constant 0 : index
        %get3A_523 = tpu.vector_load %arg9[%get3A_521, %get3A_522] {strides = array<i32>} : memref<3200x16xf32, #tpu.memory_space<vmem>>, vector<1x16xf32>,
        %get3A_524 = vector.shape_cast %get3A_523 : vector<1x16xf32> to vector<16xf32>
        %add3A_525 = arith.addf %scan3A_508, %get3A_524 : vector<16xf32>
        %add3A_526 = arith.constant 1 : i32
        %add3A_527 = arith.addi %add3A_518, %add3A_526 : i32
        %get3A_528 = arith.index_cast %add3A_527 : i32 to index
        %get3A_529 = arith.constant 0 : index
        %get3A_530 = tpu.vector_load %arg9[%get3A_528, %get3A_529] {strides = array<i32>} : memref<3200x16xf32, #tpu.memory_space<vmem>>, vector<1x16xf32>,
        %get3A_531 = vector.shape_cast %get3A_530 : vector<1x16xf32> to vector<16xf32>
        %add3A_532 = arith.addf %scan3A_509, %get3A_531 : vector<16xf32>
        %add3A_533 = arith.constant 2 : i32
        %add3A_534 = arith.addi %add3A_518, %add3A_533 : i32
        %get3A_535 = arith.index_cast %add3A_534 : i32 to index
        %get3A_536 = arith.constant 0 : index
        %get3A_537 = tpu.vector_load %arg9[%get3A_535, %get3A_536] {strides = array<i32>} : memref<3200x16xf32, #tpu.memory_space<vmem>>, vector<1x16xf32>,
        %get3A_538 = vector.shape_cast %get3A_537 : vector<1x16xf32> to vector<16xf32>
        %add3A_539 = arith.addf %scan3A_510, %get3A_538 : vector<16xf32>
        %add3A_540 = arith.constant 3 : i32
        %add3A_541 = arith.addi %add3A_518, %add3A_540 : i32
        %get3A_542 = arith.index_cast %add3A_541 : i32 to index
        %get3A_543 = arith.constant 0 : index
        %get3A_544 = tpu.vector_load %arg9[%get3A_542, %get3A_543] {strides = array<i32>} : memref<3200x16xf32, #tpu.memory_space<vmem>>, vector<1x16xf32>,
        %get3A_545 = vector.shape_cast %get3A_544 : vector<1x16xf32> to vector<16xf32>
        %add3A_546 = arith.addf %scan3A_511, %get3A_545 : vector<16xf32>
        %add3A_547 = arith.constant 4 : i32
        %add3A_548 = arith.addi %add3A_518, %add3A_547 : i32
        %get3A_549 = arith.index_cast %add3A_548 : i32 to index
        %get3A_550 = arith.constant 0 : index
        %get3A_551 = tpu.vector_load %arg9[%get3A_549, %get3A_550] {strides = array<i32>} : memref<3200x16xf32, #tpu.memory_space<vmem>>, vector<1x16xf32>,
        %get3A_552 = vector.shape_cast %get3A_551 : vector<1x16xf32> to vector<16xf32>
        %add3A_553 = arith.addf %scan3A_512, %get3A_552 : vector<16xf32>
        %add3A_554 = arith.constant 5 : i32
        %add3A_555 = arith.addi %add3A_518, %add3A_554 : i32
        %get3A_556 = arith.index_cast %add3A_555 : i32 to index
        %get3A_557 = arith.constant 0 : index
        %get3A_558 = tpu.vector_load %arg9[%get3A_556, %get3A_557] {strides = array<i32>} : memref<3200x16xf32, #tpu.memory_space<vmem>>, vector<1x16xf32>,
        %get3A_559 = vector.shape_cast %get3A_558 : vector<1x16xf32> to vector<16xf32>
        %add3A_560 = arith.addf %scan3A_513, %get3A_559 : vector<16xf32>
        %add3A_561 = arith.constant 6 : i32
        %add3A_562 = arith.addi %add3A_518, %add3A_561 : i32
        %get3A_563 = arith.index_cast %add3A_562 : i32 to index
        %get3A_564 = arith.constant 0 : index
        %get3A_565 = tpu.vector_load %arg9[%get3A_563, %get3A_564] {strides = array<i32>} : memref<3200x16xf32, #tpu.memory_space<vmem>>, vector<1x16xf32>,
        %get3A_566 = vector.shape_cast %get3A_565 : vector<1x16xf32> to vector<16xf32>
        %add3A_567 = arith.addf %scan3A_514, %get3A_566 : vector<16xf32>
        %add3A_568 = arith.constant 7 : i32
        %add3A_569 = arith.addi %add3A_518, %add3A_568 : i32
        %get3A_570 = arith.index_cast %add3A_569 : i32 to index
        %get3A_571 = arith.constant 0 : index
        %get3A_572 = tpu.vector_load %arg9[%get3A_570, %get3A_571] {strides = array<i32>} : memref<3200x16xf32, #tpu.memory_space<vmem>>, vector<1x16xf32>,
        %get3A_573 = vector.shape_cast %get3A_572 : vector<1x16xf32> to vector<16xf32>
        %add3A_574 = arith.addf %scan3A_515, %get3A_573 : vector<16xf32>
        scf.yield %add3A_525, %add3A_532, %add3A_539, %add3A_546, %add3A_553, %add3A_560, %add3A_567, %add3A_574 : vector<16xf32>, vector<16xf32>, vector<16xf32>, vector<16xf32>, vector<16xf32>, vector<16xf32>, vector<16xf32>, vector<16xf32>
      }
      %scan3A_494 = arith.constant 25 : i32
      %add3A_495 = arith.addf %scan3A_493#0, %scan3A_493#1 : vector<16xf32>
      %add3A_496 = arith.addf %scan3A_493#2, %scan3A_493#3 : vector<16xf32>
      %add3A_497 = arith.addf %scan3A_493#4, %scan3A_493#5 : vector<16xf32>
      %add3A_498 = arith.addf %scan3A_493#6, %scan3A_493#7 : vector<16xf32>
      %add3A_499 = arith.addf %add3A_495, %add3A_496 : vector<16xf32>
      %add3A_500 = arith.addf %add3A_497, %add3A_498 : vector<16xf32>
      %add3A_501 = arith.addf %add3A_499, %add3A_500 : vector<16xf32>
      %mul3A_502 = arith.constant 16 : i32
      %mul3A_503 = arith.muli %scan3A_470, %mul3A_502 : i32
      %swap3A = arith.index_cast %mul3A_503 : i32 to index
      %swap3A_504 = tpu.vector_load %arg15[%swap3A] {strides = array<i32>} : memref<256xf32, #tpu.memory_space<vmem>>, vector<16xf32>,
      %swap3A_505 = vector.shape_cast %swap3A_504 : vector<16xf32> to vector<16xf32>
      %swap3A_506 = vector.shape_cast %add3A_501 : vector<16xf32> to vector<16xf32>
      tpu.vector_store %arg15[%swap3A], %swap3A_506 {strides = array<i32>} : memref<256xf32, #tpu.memory_space<vmem>>, vector<16xf32>,
    }
    %scan3A_443 = arith.constant 16 : i32
    %mul3A_444 = arith.constant 16 : i32
    %mul3A_445 = arith.muli %add3A_437, %mul3A_444 : i32
    "tpu.region"() ({
      %run_scoped3A = tpu.sem_alloc : memref<!tpu.dma_semaphore, #tpu.memory_space<semaphore_mem>>
      %dma_start3A_470 = tpu.memref_slice %arg6[%mul3A_445] : memref<262144xf32, #tpu.memory_space<hbm>> -> memref<256xf32, #tpu.memory_space<hbm>>
      %dma_start3A_471 = tpu.memref_slice %arg6[%mul3A_445] : memref<262144xf32, #tpu.memory_space<hbm>> -> memref<256xf32, #tpu.memory_space<hbm>>
      tpu.enqueue_dma source(%arg15 : memref<256xf32, #tpu.memory_space<vmem>>) target(%dma_start3A_471 : memref<256xf32, #tpu.memory_space<hbm>>) target_semaphore(%run_scoped3A : memref<!tpu.dma_semaphore, #tpu.memory_space<semaphore_mem>>)
      %dma_wait3A_472 = tpu.memref_slice %arg6[%mul3A_445] : memref<262144xf32, #tpu.memory_space<hbm>> -> memref<256xf32, #tpu.memory_space<hbm>>
      %dma_wait3A_473 = tpu.memref_slice %arg6[%mul3A_445] : memref<262144xf32, #tpu.memory_space<hbm>> -> memref<256xf32, #tpu.memory_space<hbm>>
      tpu.wait_dma2 semaphore(%run_scoped3A : memref<!tpu.dma_semaphore, #tpu.memory_space<semaphore_mem>>) src(%arg15 : memref<256xf32, #tpu.memory_space<vmem>>) dst(%dma_wait3A_473 : memref<256xf32, #tpu.memory_space<hbm>>)
      tpu.yield
    }) : () -> ()
    %dma_wait3A_446 = arith.constant 0 : i32
    %dma_wait3A_447 = arith.constant 0 : i32
    %dma_wait3A_448 = tpu.memref_slice %arg2[%dma_wait3A_446, %dma_wait3A_447] : memref<1000000x16xf32, #tpu.memory_space<hbm>> -> memref<3200x16xf32, #tpu.memory_space<hbm>>
    %dma_wait3A_449 = arith.constant 0 : i32
    %dma_wait3A_450 = arith.constant 0 : i32
    %dma_wait3A_451 = tpu.memref_slice %arg2[%dma_wait3A_449, %dma_wait3A_450] : memref<1000000x16xf32, #tpu.memory_space<hbm>> -> memref<3200x16xf32, #tpu.memory_space<hbm>>
    tpu.wait_dma2 semaphore(%arg17 : memref<!tpu.dma_semaphore, #tpu.memory_space<semaphore_mem>>) src(%dma_wait3A_451 : memref<3200x16xf32, #tpu.memory_space<hbm>>) dst(%arg13 : memref<3200x16xf32, #tpu.memory_space<vmem>>)
    %dma_wait3A_452 = arith.constant 0 : i32
    %dma_wait3A_453 = arith.constant 0 : i32
    %dma_wait3A_454 = tpu.memref_slice %arg3[%dma_wait3A_452, %dma_wait3A_453] : memref<100000x16xf32, #tpu.memory_space<hbm>> -> memref<16x16xf32, #tpu.memory_space<hbm>>
    %dma_wait3A_455 = arith.constant 0 : i32
    %dma_wait3A_456 = arith.constant 0 : i32
    %dma_wait3A_457 = tpu.memref_slice %arg3[%dma_wait3A_455, %dma_wait3A_456] : memref<100000x16xf32, #tpu.memory_space<hbm>> -> memref<16x16xf32, #tpu.memory_space<hbm>>
    tpu.wait_dma2 semaphore(%arg17 : memref<!tpu.dma_semaphore, #tpu.memory_space<semaphore_mem>>) src(%dma_wait3A_457 : memref<16x16xf32, #tpu.memory_space<hbm>>) dst(%arg14 : memref<16x16xf32, #tpu.memory_space<vmem>>)
    %mul3A_458 = arith.constant 512 : i32
    %mul3A_459 = arith.muli %add3A, %mul3A_458 : i32
    %add3A_460 = arith.constant 496 : i32
    %add3A_461 = arith.addi %mul3A_459, %add3A_460 : i32
    %scan3A_462 = arith.constant 0 : i32
    %scan3A_463 = arith.constant 0 : i32
    %scan3A_464 = arith.constant 16 : i32
    %scan3A_465 = arith.addi %scan3A_463, %scan3A_464 : i32
    %scan3A_466 = arith.constant 1 : i32
    scf.for %scan3A_470 = %scan3A_463 to %scan3A_465 step %scan3A_466  : i32 {
      %mul3A_471 = arith.constant 200 : i32
      %mul3A_472 = arith.muli %scan3A_470, %mul3A_471 : i32
      %get3A = arith.index_cast %scan3A_470 : i32 to index
      %get3A_473 = arith.constant 0 : index
      %get3A_474 = tpu.vector_load %arg14[%get3A, %get3A_473] {strides = array<i32>} : memref<16x16xf32, #tpu.memory_space<vmem>>, vector<1x16xf32>,
      %get3A_475 = vector.shape_cast %get3A_474 : vector<1x16xf32> to vector<16xf32>
      %broadcast_in_dim3A = arith.constant 0.000000e+00 : f32
      %broadcast_in_dim3A_476 = vector.broadcast %broadcast_in_dim3A : f32 to vector<16xf32>
      %broadcast_in_dim3A_477 = arith.constant 0.000000e+00 : f32
      %broadcast_in_dim3A_478 = vector.broadcast %broadcast_in_dim3A_477 : f32 to vector<16xf32>
      %broadcast_in_dim3A_479 = arith.constant 0.000000e+00 : f32
      %broadcast_in_dim3A_480 = vector.broadcast %broadcast_in_dim3A_479 : f32 to vector<16xf32>
      %broadcast_in_dim3A_481 = arith.constant 0.000000e+00 : f32
      %broadcast_in_dim3A_482 = vector.broadcast %broadcast_in_dim3A_481 : f32 to vector<16xf32>
      %broadcast_in_dim3A_483 = arith.constant 0.000000e+00 : f32
      %broadcast_in_dim3A_484 = vector.broadcast %broadcast_in_dim3A_483 : f32 to vector<16xf32>
      %broadcast_in_dim3A_485 = arith.constant 0.000000e+00 : f32
      %broadcast_in_dim3A_486 = vector.broadcast %broadcast_in_dim3A_485 : f32 to vector<16xf32>
      %broadcast_in_dim3A_487 = arith.constant 0.000000e+00 : f32
      %broadcast_in_dim3A_488 = vector.broadcast %broadcast_in_dim3A_487 : f32 to vector<16xf32>
      %scan3A_489 = arith.constant 0 : i32
      %scan3A_490 = arith.constant 25 : i32
      %scan3A_491 = arith.addi %scan3A_489, %scan3A_490 : i32
      %scan3A_492 = arith.constant 1 : i32
      %scan3A_493:8 = scf.for %scan3A_507 = %scan3A_489 to %scan3A_491 step %scan3A_492 iter_args(%scan3A_508 = %get3A_475, %scan3A_509 = %broadcast_in_dim3A_476, %scan3A_510 = %broadcast_in_dim3A_478, %scan3A_511 = %broadcast_in_dim3A_480, %scan3A_512 = %broadcast_in_dim3A_482, %scan3A_513 = %broadcast_in_dim3A_484, %scan3A_514 = %broadcast_in_dim3A_486, %scan3A_515 = %broadcast_in_dim3A_488) -> (vector<16xf32>, vector<16xf32>, vector<16xf32>, vector<16xf32>, vector<16xf32>, vector<16xf32>, vector<16xf32>, vector<16xf32>)  : i32 {
        %mul3A_516 = arith.constant 8 : i32
        %mul3A_517 = arith.muli %scan3A_507, %mul3A_516 : i32
        %add3A_518 = arith.addi %mul3A_472, %mul3A_517 : i32
        %add3A_519 = arith.constant 0 : i32
        %add3A_520 = arith.addi %add3A_518, %add3A_519 : i32
        %get3A_521 = arith.index_cast %add3A_520 : i32 to index
        %get3A_522 = arith.constant 0 : index
        %get3A_523 = tpu.vector_load %arg13[%get3A_521, %get3A_522] {strides = array<i32>} : memref<3200x16xf32, #tpu.memory_space<vmem>>, vector<1x16xf32>,
        %get3A_524 = vector.shape_cast %get3A_523 : vector<1x16xf32> to vector<16xf32>
        %add3A_525 = arith.addf %scan3A_508, %get3A_524 : vector<16xf32>
        %add3A_526 = arith.constant 1 : i32
        %add3A_527 = arith.addi %add3A_518, %add3A_526 : i32
        %get3A_528 = arith.index_cast %add3A_527 : i32 to index
        %get3A_529 = arith.constant 0 : index
        %get3A_530 = tpu.vector_load %arg13[%get3A_528, %get3A_529] {strides = array<i32>} : memref<3200x16xf32, #tpu.memory_space<vmem>>, vector<1x16xf32>,
        %get3A_531 = vector.shape_cast %get3A_530 : vector<1x16xf32> to vector<16xf32>
        %add3A_532 = arith.addf %scan3A_509, %get3A_531 : vector<16xf32>
        %add3A_533 = arith.constant 2 : i32
        %add3A_534 = arith.addi %add3A_518, %add3A_533 : i32
        %get3A_535 = arith.index_cast %add3A_534 : i32 to index
        %get3A_536 = arith.constant 0 : index
        %get3A_537 = tpu.vector_load %arg13[%get3A_535, %get3A_536] {strides = array<i32>} : memref<3200x16xf32, #tpu.memory_space<vmem>>, vector<1x16xf32>,
        %get3A_538 = vector.shape_cast %get3A_537 : vector<1x16xf32> to vector<16xf32>
        %add3A_539 = arith.addf %scan3A_510, %get3A_538 : vector<16xf32>
        %add3A_540 = arith.constant 3 : i32
        %add3A_541 = arith.addi %add3A_518, %add3A_540 : i32
        %get3A_542 = arith.index_cast %add3A_541 : i32 to index
        %get3A_543 = arith.constant 0 : index
        %get3A_544 = tpu.vector_load %arg13[%get3A_542, %get3A_543] {strides = array<i32>} : memref<3200x16xf32, #tpu.memory_space<vmem>>, vector<1x16xf32>,
        %get3A_545 = vector.shape_cast %get3A_544 : vector<1x16xf32> to vector<16xf32>
        %add3A_546 = arith.addf %scan3A_511, %get3A_545 : vector<16xf32>
        %add3A_547 = arith.constant 4 : i32
        %add3A_548 = arith.addi %add3A_518, %add3A_547 : i32
        %get3A_549 = arith.index_cast %add3A_548 : i32 to index
        %get3A_550 = arith.constant 0 : index
        %get3A_551 = tpu.vector_load %arg13[%get3A_549, %get3A_550] {strides = array<i32>} : memref<3200x16xf32, #tpu.memory_space<vmem>>, vector<1x16xf32>,
        %get3A_552 = vector.shape_cast %get3A_551 : vector<1x16xf32> to vector<16xf32>
        %add3A_553 = arith.addf %scan3A_512, %get3A_552 : vector<16xf32>
        %add3A_554 = arith.constant 5 : i32
        %add3A_555 = arith.addi %add3A_518, %add3A_554 : i32
        %get3A_556 = arith.index_cast %add3A_555 : i32 to index
        %get3A_557 = arith.constant 0 : index
        %get3A_558 = tpu.vector_load %arg13[%get3A_556, %get3A_557] {strides = array<i32>} : memref<3200x16xf32, #tpu.memory_space<vmem>>, vector<1x16xf32>,
        %get3A_559 = vector.shape_cast %get3A_558 : vector<1x16xf32> to vector<16xf32>
        %add3A_560 = arith.addf %scan3A_513, %get3A_559 : vector<16xf32>
        %add3A_561 = arith.constant 6 : i32
        %add3A_562 = arith.addi %add3A_518, %add3A_561 : i32
        %get3A_563 = arith.index_cast %add3A_562 : i32 to index
        %get3A_564 = arith.constant 0 : index
        %get3A_565 = tpu.vector_load %arg13[%get3A_563, %get3A_564] {strides = array<i32>} : memref<3200x16xf32, #tpu.memory_space<vmem>>, vector<1x16xf32>,
        %get3A_566 = vector.shape_cast %get3A_565 : vector<1x16xf32> to vector<16xf32>
        %add3A_567 = arith.addf %scan3A_514, %get3A_566 : vector<16xf32>
        %add3A_568 = arith.constant 7 : i32
        %add3A_569 = arith.addi %add3A_518, %add3A_568 : i32
        %get3A_570 = arith.index_cast %add3A_569 : i32 to index
        %get3A_571 = arith.constant 0 : index
        %get3A_572 = tpu.vector_load %arg13[%get3A_570, %get3A_571] {strides = array<i32>} : memref<3200x16xf32, #tpu.memory_space<vmem>>, vector<1x16xf32>,
        %get3A_573 = vector.shape_cast %get3A_572 : vector<1x16xf32> to vector<16xf32>
        %add3A_574 = arith.addf %scan3A_515, %get3A_573 : vector<16xf32>
        scf.yield %add3A_525, %add3A_532, %add3A_539, %add3A_546, %add3A_553, %add3A_560, %add3A_567, %add3A_574 : vector<16xf32>, vector<16xf32>, vector<16xf32>, vector<16xf32>, vector<16xf32>, vector<16xf32>, vector<16xf32>, vector<16xf32>
      }
      %scan3A_494 = arith.constant 25 : i32
      %add3A_495 = arith.addf %scan3A_493#0, %scan3A_493#1 : vector<16xf32>
      %add3A_496 = arith.addf %scan3A_493#2, %scan3A_493#3 : vector<16xf32>
      %add3A_497 = arith.addf %scan3A_493#4, %scan3A_493#5 : vector<16xf32>
      %add3A_498 = arith.addf %scan3A_493#6, %scan3A_493#7 : vector<16xf32>
      %add3A_499 = arith.addf %add3A_495, %add3A_496 : vector<16xf32>
      %add3A_500 = arith.addf %add3A_497, %add3A_498 : vector<16xf32>
      %add3A_501 = arith.addf %add3A_499, %add3A_500 : vector<16xf32>
      %mul3A_502 = arith.constant 16 : i32
      %mul3A_503 = arith.muli %scan3A_470, %mul3A_502 : i32
      %swap3A = arith.index_cast %mul3A_503 : i32 to index
      %swap3A_504 = tpu.vector_load %arg15[%swap3A] {strides = array<i32>} : memref<256xf32, #tpu.memory_space<vmem>>, vector<16xf32>,
      %swap3A_505 = vector.shape_cast %swap3A_504 : vector<16xf32> to vector<16xf32>
      %swap3A_506 = vector.shape_cast %add3A_501 : vector<16xf32> to vector<16xf32>
      tpu.vector_store %arg15[%swap3A], %swap3A_506 {strides = array<i32>} : memref<256xf32, #tpu.memory_space<vmem>>, vector<16xf32>,
    }
    %scan3A_467 = arith.constant 16 : i32
    %mul3A_468 = arith.constant 16 : i32
    %mul3A_469 = arith.muli %add3A_461, %mul3A_468 : i32
    "tpu.region"() ({
      %run_scoped3A = tpu.sem_alloc : memref<!tpu.dma_semaphore, #tpu.memory_space<semaphore_mem>>
      %dma_start3A_470 = tpu.memref_slice %arg6[%mul3A_469] : memref<262144xf32, #tpu.memory_space<hbm>> -> memref<256xf32, #tpu.memory_space<hbm>>
      %dma_start3A_471 = tpu.memref_slice %arg6[%mul3A_469] : memref<262144xf32, #tpu.memory_space<hbm>> -> memref<256xf32, #tpu.memory_space<hbm>>
      tpu.enqueue_dma source(%arg15 : memref<256xf32, #tpu.memory_space<vmem>>) target(%dma_start3A_471 : memref<256xf32, #tpu.memory_space<hbm>>) target_semaphore(%run_scoped3A : memref<!tpu.dma_semaphore, #tpu.memory_space<semaphore_mem>>)
      %dma_wait3A_472 = tpu.memref_slice %arg6[%mul3A_469] : memref<262144xf32, #tpu.memory_space<hbm>> -> memref<256xf32, #tpu.memory_space<hbm>>
      %dma_wait3A_473 = tpu.memref_slice %arg6[%mul3A_469] : memref<262144xf32, #tpu.memory_space<hbm>> -> memref<256xf32, #tpu.memory_space<hbm>>
      tpu.wait_dma2 semaphore(%run_scoped3A : memref<!tpu.dma_semaphore, #tpu.memory_space<semaphore_mem>>) src(%arg15 : memref<256xf32, #tpu.memory_space<vmem>>) dst(%dma_wait3A_473 : memref<256xf32, #tpu.memory_space<hbm>>)
      tpu.yield
    }) : () -> ()
    return
  }
}

module attributes {stable_mosaic.version = 14 : i64} {
  func.func @_mlp_body(%arg0: i32, %arg1: memref<512x768xf32, #tpu.memory_space<vmem>>, %arg2: memref<768x100xf32, #tpu.memory_space<vmem>>, %arg3: memref<1x100xf32, #tpu.memory_space<vmem>>, %arg4: memref<100x10xf32, #tpu.memory_space<vmem>>, %arg5: memref<512x10xf32, #tpu.memory_space<vmem>>) attributes {dimension_semantics = [#tpu.dimension_semantics<arbitrary>], iteration_bounds = array<i64: 32>, scalar_prefetch = 0 : i64, scratch_operands = 0 : i64, tpu.core_type = #tpu.core_type<tc>, window_params = [{transform_indices = @transform_0, window_bounds = array<i64: 512, 768>}, {pipeline_mode = #tpu.pipeline_mode<synchronous>, transform_indices = @transform_1, window_bounds = array<i64: 768, 100>}, {pipeline_mode = #tpu.pipeline_mode<synchronous>, transform_indices = @transform_2, window_bounds = array<i64: 1, 100>}, {pipeline_mode = #tpu.pipeline_mode<synchronous>, transform_indices = @transform_3, window_bounds = array<i64: 100, 10>}, {transform_indices = @transform_4, window_bounds = array<i64: 512, 10>}]} {
    %get3A = arith.constant 0 : index
    %get3A_0 = arith.constant 0 : index
    %get3A_1 = vector.load %arg1[%get3A, %get3A_0] : memref<512x768xf32, #tpu.memory_space<vmem>>, vector<512x768xf32>
    %get3A_2 = arith.constant 0 : index
    %get3A_3 = arith.constant 0 : index
    %get3A_4 = vector.load %arg2[%get3A_2, %get3A_3] : memref<768x100xf32, #tpu.memory_space<vmem>>, vector<768x100xf32>
    %dot_general3A = arith.constant dense<0.000000e+00> : vector<512x100xf32>
    %dot_general3A_5 = tpu.matmul %get3A_1, %get3A_4, %dot_general3A {dimension_numbers = #tpu.dot_dimension_numbers<[1], [0], [0], [1], [0, 0, 1, 1], [], []>, transpose_lhs_hint = false} : vector<512x768xf32>, vector<768x100xf32>, vector<512x100xf32> -> vector<512x100xf32>
    %get3A_6 = arith.constant 0 : index
    %get3A_7 = arith.constant 0 : index
    %get3A_8 = vector.load %arg3[%get3A_6, %get3A_7] : memref<1x100xf32, #tpu.memory_space<vmem>>, vector<1x100xf32>
    %add3A = vector.broadcast %get3A_8 : vector<1x100xf32> to vector<512x100xf32>
    %add3A_9 = arith.addf %dot_general3A_5, %add3A : vector<512x100xf32>
    %max3A = arith.constant 0.000000e+00 : f32
    %max3A_10 = vector.broadcast %max3A : f32 to vector<512x100xf32>
    %max3A_11 = arith.maximumf %add3A_9, %max3A_10 : vector<512x100xf32>
    %abs3A = math.absf %add3A_9 : vector<512x100xf32>
    %neg3A = arith.constant 0.000000e+00 : f32
    %neg3A_12 = vector.broadcast %neg3A : f32 to vector<512x100xf32>
    %neg3A_13 = arith.subf %neg3A_12, %abs3A : vector<512x100xf32>
    %exp3A = math.exp %neg3A_13 : vector<512x100xf32>
    %log1p3A = math.log1p %exp3A : vector<512x100xf32>
    %add3A_14 = arith.addf %max3A_11, %log1p3A : vector<512x100xf32>
    %get3A_15 = arith.constant 0 : index
    %get3A_16 = arith.constant 0 : index
    %get3A_17 = vector.load %arg4[%get3A_15, %get3A_16] : memref<100x10xf32, #tpu.memory_space<vmem>>, vector<100x10xf32>
    %dot_general3A_18 = arith.constant dense<0.000000e+00> : vector<512x10xf32>
    %dot_general3A_19 = tpu.matmul %add3A_14, %get3A_17, %dot_general3A_18 {dimension_numbers = #tpu.dot_dimension_numbers<[1], [0], [0], [1], [0, 0, 1, 1], [], []>, transpose_lhs_hint = false} : vector<512x100xf32>, vector<100x10xf32>, vector<512x10xf32> -> vector<512x10xf32>
    %swap3A = arith.constant 0 : index
    %swap3A_20 = arith.constant 0 : index
    %swap3A_21 = vector.load %arg5[%swap3A, %swap3A_20] : memref<512x10xf32, #tpu.memory_space<vmem>>, vector<512x10xf32>
    tpu.vector_store %arg5[%swap3A, %swap3A_20], %dot_general3A_19 {strides = array<i32>} : memref<512x10xf32, #tpu.memory_space<vmem>>, vector<512x10xf32>,
    return
  }
  func.func @transform_0(%arg0: i32) -> (i32, i32) {
    %c0_i32 = arith.constant 0 : i32
    %c0_i32_0 = arith.constant 0 : i32
    return %arg0, %c0_i32 : i32, i32
  }
  func.func @transform_1(%arg0: i32) -> (i32, i32) {
    %c0_i32 = arith.constant 0 : i32
    %c0_i32_0 = arith.constant 0 : i32
    %c0_i32_1 = arith.constant 0 : i32
    return %c0_i32, %c0_i32_0 : i32, i32
  }
  func.func @transform_2(%arg0: i32) -> (i32, i32) {
    %c0_i32 = arith.constant 0 : i32
    %c0_i32_0 = arith.constant 0 : i32
    %c0_i32_1 = arith.constant 0 : i32
    return %c0_i32, %c0_i32_0 : i32, i32
  }
  func.func @transform_3(%arg0: i32) -> (i32, i32) {
    %c0_i32 = arith.constant 0 : i32
    %c0_i32_0 = arith.constant 0 : i32
    %c0_i32_1 = arith.constant 0 : i32
    return %c0_i32, %c0_i32_0 : i32, i32
  }
  func.func @transform_4(%arg0: i32) -> (i32, i32) {
    %c0_i32 = arith.constant 0 : i32
    %c0_i32_0 = arith.constant 0 : i32
    return %arg0, %c0_i32 : i32, i32
  }
}

module attributes {stable_mosaic.version = 14 : i64} {
  func.func @_combine_body(%arg0: i32, %arg1: memref<512x10xf32, #tpu.memory_space<vmem>>, %arg2: memref<512x16xf32, #tpu.memory_space<vmem>>, %arg3: memref<1x10xf32, #tpu.memory_space<vmem>>, %arg4: memref<512x10xf32, #tpu.memory_space<vmem>>) attributes {dimension_semantics = [#tpu.dimension_semantics<arbitrary>], iteration_bounds = array<i64: 32>, scalar_prefetch = 0 : i64, scratch_operands = 0 : i64, tpu.core_type = #tpu.core_type<tc>, window_params = [{transform_indices = @transform_0, window_bounds = array<i64: 512, 10>}, {transform_indices = @transform_1, window_bounds = array<i64: 512, 16>}, {pipeline_mode = #tpu.pipeline_mode<synchronous>, transform_indices = @transform_2, window_bounds = array<i64: 1, 10>}, {transform_indices = @transform_3, window_bounds = array<i64: 512, 10>}]} {
    %get3A = arith.constant 0 : index
    %get3A_0 = arith.constant 0 : index
    %get3A_1 = vector.load %arg1[%get3A, %get3A_0] : memref<512x10xf32, #tpu.memory_space<vmem>>, vector<512x10xf32>
    %get3A_2 = arith.constant 0 : index
    %get3A_3 = arith.constant 0 : index
    %get3A_4 = vector.load %arg3[%get3A_2, %get3A_3] : memref<1x10xf32, #tpu.memory_space<vmem>>, vector<1x10xf32>
    %add3A = vector.broadcast %get3A_4 : vector<1x10xf32> to vector<512x10xf32>
    %add3A_5 = arith.addf %get3A_1, %add3A : vector<512x10xf32>
    %get3A_6 = arith.constant 0 : index
    %get3A_7 = arith.constant 0 : index
    %get3A_8 = vector.load %arg2[%get3A_6, %get3A_7] : memref<512x16xf32, #tpu.memory_space<vmem>>, vector<512x16xf32>
    %slice3A = vector.extract_strided_slice %get3A_8 {offsets = [0, 0], sizes = [512, 10], strides = [1, 1]} : vector<512x16xf32> to vector<512x10xf32>
    %add3A_9 = arith.addf %add3A_5, %slice3A : vector<512x10xf32>
    %swap3A = arith.constant 0 : index
    %swap3A_10 = arith.constant 0 : index
    %swap3A_11 = vector.load %arg4[%swap3A, %swap3A_10] : memref<512x10xf32, #tpu.memory_space<vmem>>, vector<512x10xf32>
    tpu.vector_store %arg4[%swap3A, %swap3A_10], %add3A_9 {strides = array<i32>} : memref<512x10xf32, #tpu.memory_space<vmem>>, vector<512x10xf32>,
    return
  }
  func.func @transform_0(%arg0: i32) -> (i32, i32) {
    %c0_i32 = arith.constant 0 : i32
    %c0_i32_0 = arith.constant 0 : i32
    return %arg0, %c0_i32 : i32, i32
  }
  func.func @transform_1(%arg0: i32) -> (i32, i32) {
    %c0_i32 = arith.constant 0 : i32
    %c0_i32_0 = arith.constant 0 : i32
    return %arg0, %c0_i32 : i32, i32
  }
  func.func @transform_2(%arg0: i32) -> (i32, i32) {
    %c0_i32 = arith.constant 0 : i32
    %c0_i32_0 = arith.constant 0 : i32
    %c0_i32_1 = arith.constant 0 : i32
    return %c0_i32, %c0_i32_0 : i32, i32
  }
  func.func @transform_3(%arg0: i32) -> (i32, i32) {
    %c0_i32 = arith.constant 0 : i32
    %c0_i32_0 = arith.constant 0 : i32
    return %arg0, %c0_i32 : i32, i32
  }
}

</mosaic_0001>

<sc_bundles>
// kernel: kernel.5.cloned.1.call-start
scs
__scs_entry_jumppad:
0x0: {  	(pc) =	sbr.rel $0x88, $3  }
0x1: {  	(tag) =	ssettag $0x0;
	lr =	simm.s32 $0x1  }
0x2: {  	[smem:$0x3F98] =	sst lr;
	_ =	strace $0xD0000000  }
0x3: {  	_ = 	snop  }
0x4: {  	_ = 	snop  }
0x5: {  	_ = 	snop  }
0x6: {  	_ = 	snop  }
0x7: {  	_ = 	snop  }
__scs_overlays_trampoline_lowered:
0x8: {  	[smem:$0x3FA7] =	sst s0  }
0x9: {  	[smem:$0x3FA8] =	sst s1  }
0xa: {  	[smem:$0x3FA9] =	sst s2  }
0xb: {  	[smem:$0x3FAA] =	sst s3  }
0xc: {  	[smem:$0x3FAB] =	sst s4  }
0xd: {  	[smem:$0x3FAC] =	sst s5  }
0xe: {  	[smem:$0x3FAD] =	sst s6  }
0xf: {  	[smem:$0x3FAE] =	sst s7  }
0x10: {  	[smem:$0x3FAF] =	sst s8  }
0x11: {  	[smem:$0x3FB0] =	sst s9;
	s0 =	simm.s32 @!p0 $0x0  }
0x12: {  	s1 =	sld [smem:$0x3F96];
	s0 =	simm.s32 @p0 $0x1  }
0x13: {  	[smem:$0x3FB1] =	sst s0;
	s0 =	simm.s32 @!p1 $0x0  }
0x14: {  	s2 =	sld [smem:$0x3F95];
	s0 =	simm.s32 @p1 $0x1  }
0x15: {  	[smem:$0x3FB2] =	sst s0;
	s0 =	simm.s32 @!p2 $0x0  }
0x16: {  	s3 =	sld [smem:$0x3FDB];
	s0 =	simm.s32 @p2 $0x1  }
0x17: {  	s4 =	simm.s32 $0x1BF5;
	[smem:$0x3FB4] =	sst s0  }
0x18: {  	s0 =	sld [smem:$0x3F97];
	_ =	swait.ge [sflag:s4], $0x0  }
0x19: {  	s7 =	sld [smem:$0x3F98]  }
0x1a: {  	s8 =	sadd.s32 $0xFFFFE003, lr  }
0x1b: {  	s9 =	sadd.s32 $0xFFFFFEF7, lr;
	s5 =	simm.s32 $0xFFFFFFFF;
	p2 =	slt.u32 s8, $0xFFFFF086  }
0x1c: {  	p1 =	slt.u32 s9, $0xF7A;
	s5 =	simm.s32 @!p2 $0x0  }
0x1d: {  	s5 =	simm.s32 @p1 $0x1;
	p0 =	seq.s32 s7, s2  }
0x1e: {  	s7 =	smul.u32 @!p0 $0xF7A, s2;
	p2 =	seq.s32 @!p0 s5, $0x0  }
0x1f: {  	s9 =	smul.u32 $0xF7A, s1;
	s8 =	simm.s32 @!p0 $0x1BF5;
	p2 =	por !p2, p0  }
0x20: {  	[sflag:s8] =	ssyncset.s32 @!p0 $0xFFFFF086;
	s6 =	sadd.s32 @!p0 s3, s7;
	s7 =	simm.s32 @!p0 $0x108  }
0x21: {  	s3 =	sadd.s32 s3, s9;
	s6 =	sadd.s32 @!p0 $0x88, s6;
	s7 =	simm.s32 @p2 $0x1082  }
0x22: {  	[simem:s7], [sflag:s8] =	dma.local @!p0 [hbm:s6], $0xF7A  }
0x23: {  	s9 =	sor.u32 $0xD0000000, s2;
	s6 =	simm.s32 $0x108;
	_ =	swait.ge @!p0 [sflag:s8], $0x0  }
0x24: {  	s3 =	sadd.s32 $0x88, s3;
	s6 =	simm.s32 @!p1 $0x1082;
	[sflag:s4] =	ssyncset.s32 $0xFFFFF086  }
0x25: {  	[simem:s6], [sflag:s4] =	dma.local [hbm:s3], $0xF7A  }
0x26: {  	[smem:$0x3F98] =	sst s1;
	(tag) =	ssettag s2;
	_ =	strace s9  }
0x27: {  	s1 =	sld [smem:$0x3FA8]  }
0x28: {  	s2 =	sld [smem:$0x3FA9]  }
0x29: {  	s4 =	sld [smem:$0x3FAB]  }
0x2a: {  	p0 =	seq.s32 s5, $0x0;
	s5 =	sld [smem:$0x3FAC]  }
0x2b: {  	s6 =	sld [smem:$0x3FAD]  }
0x2c: {  	s7 =	sld [smem:$0x3FAE]  }
0x2d: {  	s3 =	simm.s32 $0x108;
	s8 =	sld [smem:$0x3FAF]  }
0x2e: {  	s3 =	simm.s32 @!p0 $0x1082;
	s9 =	sld [smem:$0x3FB0]  }
0x2f: {  	lr =	sadd.s32 s0, s3;
	s0 =	sld [smem:$0x3FA7]  }
0x30: {  	s3 =	sld [smem:$0x3FAA]  }
0x31: {  	[smem:$0x3FB3] =	sst s10  }
0x32: {  	s10 =	sld [smem:$0x3FB1];
	_ =	sdelay $0x3  }
0x33: {  	p0 =	seq.s32 s10, $0x1;
	s10 =	sld [smem:$0x3FB3];
	_ =	sdelay $0x3  }
0x34: {  	[smem:$0x3FB3] =	sst s10  }
0x35: {  	s10 =	sld [smem:$0x3FB2];
	_ =	sdelay $0x3  }
0x36: {  	p1 =	seq.s32 s10, $0x1;
	s10 =	sld [smem:$0x3FB3];
	_ =	sdelay $0x3  }
0x37: {  	[smem:$0x3FB3] =	sst s10  }
0x38: {  	s10 =	sld [smem:$0x3FB4]  }
0x39: {  	_ = 	snop;
	(pc) =	sbr.ind lr, $3  }
0x3a: {  	_ = 	snop  }
0x3b: {  	_ = 	snop  }
0x3c: {  	p2 =	seq.s32 s10, $0x1;
	s10 =	sld [smem:$0x3FB3]  }
0x3d: {  	_ =	shalt  }
0x3e: {  	_ =	shalt  }
0x3f: {  	_ =	shalt  }
0x40: {  	_ =	shalt  }
0x41: {  	_ =	shalt  }
0x42: {  	_ =	shalt  }
0x43: {  	_ =	shalt  }
0x44: {  	_ =	shalt  }
0x45: {  	_ =	shalt  }
0x46: {  	_ =	shalt  }
0x47: {  	_ =	shalt  }
0x48: {  	_ =	shalt  }
0x49: {  	_ =	shalt  }
0x4a: {  	_ =	shalt  }
0x4b: {  	_ =	shalt  }
0x4c: {  	_ =	shalt  }
0x4d: {  	_ =	shalt  }
0x4e: {  	_ =	shalt  }
0x4f: {  	_ =	shalt  }
0x50: {  	_ =	shalt  }
0x51: {  	_ =	shalt  }
0x52: {  	_ =	shalt  }
0x53: {  	_ =	shalt  }
0x54: {  	_ =	shalt  }
0x55: {  	_ =	shalt  }
0x56: {  	_ =	shalt  }
0x57: {  	_ =	shalt  }
0x58: {  	_ =	shalt  }
0x59: {  	_ =	shalt  }
0x5a: {  	_ =	shalt  }
0x5b: {  	_ =	shalt  }
0x5c: {  	_ =	shalt  }
0x5d: {  	_ =	shalt  }
0x5e: {  	_ =	shalt  }
0x5f: {  	_ =	shalt  }
0x60: {  	_ =	shalt  }
0x61: {  	_ =	shalt  }
0x62: {  	_ =	shalt  }
0x63: {  	_ =	shalt  }
0x64: {  	_ =	shalt  }
0x65: {  	_ =	shalt  }
0x66: {  	_ =	shalt  }
0x67: {  	_ =	shalt  }
0x68: {  	_ =	shalt  }
0x69: {  	_ =	shalt  }
0x6a: {  	_ =	shalt  }
0x6b: {  	_ =	shalt  }
0x6c: {  	_ =	shalt  }
0x6d: {  	_ =	shalt  }
0x6e: {  	_ =	shalt  }
0x6f: {  	_ =	shalt  }
0x70: {  	_ =	shalt  }
0x71: {  	_ =	shalt  }
0x72: {  	_ =	shalt  }
0x73: {  	_ =	shalt  }
0x74: {  	_ =	shalt  }
0x75: {  	_ =	shalt  }
0x76: {  	_ =	shalt  }
0x77: {  	_ =	shalt  }
0x78: {  	_ =	shalt  }
0x79: {  	_ =	shalt  }
0x7a: {  	_ =	shalt  }
0x7b: {  	_ =	shalt  }
0x7c: {  	_ =	shalt  }
0x7d: {  	_ =	shalt  }
0x7e: {  	_ =	shalt  }
0x7f: {  	_ =	shalt  }
0x80: {  	_ =	shalt  }
0x81: {  	_ =	shalt  }
0x82: {  	_ =	shalt  }
0x83: {  	_ =	shalt  }
0x84: {  	_ =	shalt  }
0x85: {  	_ =	shalt  }
0x86: {  	_ =	shalt  }
0x87: {  	_ =	shalt  }
.Lfunc_end0:
.L_simem_size_0:
called_computation_lowered:
.L_overlay_start_0:
0x88: {  	s2 =	sld [smem:$0x3FD9]  }
0x89: {  	s3 =	sld [smem:$0x3FFE];
	_ =	sdelay $0x1  }
0x8a: {  	s1 =	srdreg.scid  }
0x8b: {  	s0 =	sand.u32 $0x1, s1  }
0x8c: {  	s17 =	sshll.u32 s0, $0xA;
	s2 =	sadd.s32 s3, s2  }
0x8d: {  	s2 =	sadd.s32 s2, s17  }
0x8e: {  	[smem:$0x3FBF] =	sst s2  }
0x8f: {  	_ = 	snop  }
0x90: {  	s2 =	sld [smem:$0x3FD0];
	(tm) =	ssettm $0x1  }
0x91: {  	s18 =	sld [smem:$0x3FFB];
	_ =	sdelay $0x3  }
0x92: {  	_ =	strace s18  }
0x93: {  	s3 =	sld [smem:$0x3FFC];
	_ =	sdelay $0x3  }
0x94: {  	_ =	strace s3  }
0x95: {  	s3 =	sld [smem:$0x3FFD];
	_ =	sdelay $0x3  }
0x96: {  	_ =	strace s3  }
0x97: {  	_ =	strace $0x8FFFFFFF  }
0x98: {  	s19 =	sld [smem:$0x3FDB];
	_ =	sdelay $0x1  }
0x99: {  	s4 =	simm.s32 $_scs_section_size  }
0x9a: {  	s5 =	simm.s32 $_size__tile_overlayer_lowered;
	s6 =	simm.s32 $_tile_overlayer_lowered  }
0x9b: {  	s22 =	simm.s32 $0x1BFF;
	s21 =	sshll.u32 s6, $0x1;
	s3 =	sadd.s32 s4, s19  }
0x9c: {  	s7 =	simm.s32 $0x0;
	s20 =	sshll.u32 s5, $0x1;
	s5 =	sadd.s32 s21, s3  }
0x9d: {  	[timem:s7], [sflag:s22] =	dma.local [hbm:s5], s20  }
0x9e: {  	_ =	swait.ge [sflag:s22], s20  }
0x9f: {  	s4 =	ssub.s32 $0x0, s20;
	[sflag:s22] =	ssyncset.done $0x0  }
0xa0: {  	[sflag:s22] =	ssyncadd.s32 s4;
	_ =	sdelay $0x1  }
0xa1: {  	s23 =	simm.s32 $0x1B8B  }
0xa2: {  	_ =	swait.ge [sflag:s23], $0x1  }
0xa3: {  	[sflag:s23] =	ssyncset.done $0x0  }
0xa4: {  	s25 =	simm.s32 $0x1B8E;
	s24 =	sld [smem:$0x3FFE];
	[sflag:s23] =	ssyncadd.s32 $0xFFFFFFFF  }
0xa5: {  	s26 =	simm.s32 $execute0_lowered;
	[smem:$0x3FD2] =	sst s25  }
0xa6: {  	s5 =	sshll.u32 s26, $0x1;
	_ =	strace $0x80000046;
	[dreg:$0x1] =	wrdreg $0xFFFFFFFF  }
0xa7: {  	s28 =	simm.s32 $_size_execute0_lowered;
	s3 =	sadd.s32 s3, s5;
	[dreg:$0x0] =	wrdreg $0x0  }
0xa8: {  	s5 =	sshll.u32 s28, $0x1;
	[dreg:$0x2] =	wrdreg s3  }
0xa9: {  	[dreg:$0x3] =	wrdreg s5  }
0xaa: {  	[dreg:$0x4] =	wrdreg $0xC0  }
0xab: {  	_ =	task [dreg:s7], $0x5FFFF  }
0xac: {  	[dreg:$0x1] =	wrdreg $0xFFFFFFFF  }
0xad: {  	[dreg:$0x0] =	wrdreg $0x60  }
0xae: {  	[dreg:$0x2] =	wrdreg s24  }
0xaf: {  	[dreg:$0x3] =	wrdreg s2  }
0xb0: {  	[dreg:$0x4] =	wrdreg $0x9  }
0xb1: {  	_ =	task.clear_ibuf [dreg:s7], $0x5FFFF;
	_ =	strace $0x90000046  }
0xb2: {  	s29 =	simm.s32 $0x9;
	_ =	strace $0x80000048  }
0xb3: {  	_ =	swait.ge [sflag:s29], $0x1  }
0xb4: {  	[sflag:s29] =	ssyncadd.s32 $0xFFFFFFFF  }
0xb5: {  	_ =	strace $0x90000048  }
0xb6: {  	_ =	sfence  }
0xb7: {  	s30 =	sld [smem:$0x0];
	_ =	sdelay $0x2  }
0xb8: {  	s31 =	sshll.u32 s1, $0xD;
	s1 =	sshrl.u32 s1, $0x2  }
0xb9: {  	s3 =	sand.u32 $0x4000, s31;
	s1 =	sadd.s32 s1, s30  }
0xba: {  	s0 =	sor.u32 s3, s0;
	s1 =	sshll.u32 s1, $0x11  }
0xbb: {  	s0 =	sor.u32 s1, s0  }
0xbc: {  	s0 =	sadd.s32 $0x8F2B, s0  }
0xbd: {  	[sflag:s0] =	ssyncadd.remote.s32 $0x1  }
0xbe: {  	_ =	sfence.sel $0xFFFF  }
0xbf: {  	[dreg:$0x0] =	wrdreg $0xFFFFFFFF;
	(pc) =	sbr.abs _section_cstart, $3  }
0xc0: {  	[dreg:$0x1] =	wrdreg $0xFFFFFFFF  }
0xc1: {  	_ =	task.clear_ibuf [dreg:s7], $0x2FFFF;
	_ =	strace $0x9FFFFFFF  }
0xc2: {  	(tm) =	ssettm $0x7FFFFFFF  }
0xc3: {  	_ =	shalt  }
tec
execute0_lowered:
.L_overlay_start_1:
0x0: {  	(tag) =	ssettag $0x1  }
0x1: {  	s0 =	rddreg [dreg:$0x0]  }
0x2: {  	s11 =	rddreg [dreg:$0x1];
	s2 =	simm.s32 $0x0  }
0x3: {  	s1 =	srdreg.scid;
	s3 =	stileid.u32;
	s19 =	simm.s32 $0x3  }
0x4: {  	s20 =	simm.s32 $0xC80;
	s31 =	simm.s32 $0xE110;
	s12 =	simm.s32 $0x1A220  }
0x5: {  	s16 =	simm.s32 $0x1AA20;
	s17 =	simm.s32 $0x1;
	s18 =	simm.s32 $0x1AB20  }
0x6: {  	s30 =	simm.s32 $0x0;
	[smem:$0x7FF] =	sst s2;
	s4 =	sadd.s32 $0x2000, s0  }
0x7: {  	s5 =	sadd.s32 $0x1EA600, s0;
	s1 =	sand.u32 $0x1, s1;
	s3 =	sshll.u32 s3, $0x1  }
0x8: {  	s6 =	sadd.s32 $0x21B400, s0;
	s8 =	sadd.s32 $0x27F400, s0;
	s9 =	ssub.s32 $0x2, s1  }
0x9: {  	_ =	strace $0x80000047;
	s1 =	sor.u32 s1, s3;
	s21 =	sshrl.u32 s9, $0x1  }
0xa: {  	s7 =	sshll.u32 s1, $0x9;
	s10 =	smul.u32 $0x3200, s1;
	s25 =	sshll.u32 s1, $0x6  }
0xb: {  	s1 =	sshll.u32 s1, $0xA;
	s22 =	ssub.s32 s9, s21;
	s23 =	sor.u32 $0x10, s7  }
0xc: {  	s9 =	sadd.s32 s8, s25;
	s13 =	sadd.s32 s11, s1;
	s14 =	sor.u32 $0x20, s7  }
0xd: {  	s15 =	sor.u32 $0x30, s7;
	s21 =	simm.s32 $0x80;
	s11 =	simm.s32 $0xE210  }
0xe: {  	s24 =	sadd.s32 s6, s10;
	s26 =	smul.u32 $0x19, s23;
	[dreg:$0x4] =	wrdreg s9  }
0xf: {  	s3 =	sshrl.u32 s23, $0x3;
	s1 =	sadd.s32 $0x3C0, s13;
	[dreg:$0x3] =	wrdreg s24  }
0x10: {  	s29 =	sadd.s32 $0x3E0, s13;
	s0 =	smax.u32 s22, $0x1;
	[dreg:$0x7] =	wrdreg s1  }
0x11: {  	s10 =	simm.s32 $0xD590;
	s9 =	simm.s32 $0xE190;
	[dreg:$0x8] =	wrdreg s29  }
0x12: {  	s23 =	simm.s32 $0x0;
	s3 =	sadd.s32 s8, s3;
	[dreg:$0x9] =	wrdreg s0  }
0x13: {  	s0 =	simm.s32 $0x19A20;
	s28 =	sadd.s32 s6, s26;
	[dreg:$0x6] =	wrdreg s3  }
0x14: {  	s1 =	simm.s32 $0x2;
	s3 =	simm.s32 $0x10;
	[dreg:$0x5] =	wrdreg s28  }
.LBB2_1:
0x15: {  	[dreg:$0xa] =	wrdreg s23  }
0x16: {  	s22 =	rddreg [dreg:$0x3]  }
0x17: {  	[tilespmem:s2], [sflag:$0x3] =	stream.linear.gather [hbm4b:s22+s2], $0xC80, $0x38;
	[tilespmem:$0x1AC20] =	vst v63  }
0x18: {  	_ =	swait.ge [sflag:s19], $0xC80  }
0x19: {  	[sflag:s19] =	ssyncset.done $0x0  }
0x1a: {  	s29 =	rddreg [dreg:$0x4];
	[sflag:s19] =	ssyncadd.s32 $0xFFFFF380  }
0x1b: {  	[tilespmem:s20], [sflag:$0x3] =	stream.linear.gather [hbm4b:s29+s2], $0x10, $0x38;
	[tilespmem:$0x1AC20] =	vst v63  }
0x1c: {  	_ =	swait.ge [sflag:s19], $0x10  }
0x1d: {  	[sflag:s19] =	ssyncset.done $0x0  }
0x1e: {  	s23 =	simm.s32 $0xC90;
	[sflag:s19] =	ssyncadd.s32 $0xFFFFFFF0  }
0x1f: {  	[tilespmem:s23], [sflag:$0x1] =	stream.indirect.gather [hbm4b:s4+s21], $0x10, s2, s21, $0xb8;
	[tilespmem:$0x1AC20] =	vst v63  }
0x20: {  	s24 =	simm.s32 $0x1490  }
0x21: {  	[tilespmem:s24], [sflag:$0x1] =	stream.indirect.gather [hbm4b:s4+s21], $0x10, s21, s21, $0xb8;
	[tilespmem:$0x1AC20] =	vst v63  }
0x22: {  	s25 =	simm.s32 $0x100;
	s26 =	simm.s32 $0x1C90  }
0x23: {  	[tilespmem:s26], [sflag:$0x1] =	stream.indirect.gather [hbm4b:s4+s21], $0x10, s25, s21, $0xb8;
	[tilespmem:$0x1AC20] =	vst v63  }
0x24: {  	s28 =	simm.s32 $0x180;
	s29 =	simm.s32 $0x2490  }
0x25: {  	[tilespmem:s29], [sflag:$0x1] =	stream.indirect.gather [hbm4b:s4+s21], $0x10, s28, s21, $0xb8;
	[tilespmem:$0x1AC20] =	vst v63  }
0x26: {  	s23 =	simm.s32 $0x200;
	s24 =	simm.s32 $0x2C90  }
0x27: {  	[tilespmem:s24], [sflag:$0x1] =	stream.indirect.gather [hbm4b:s4+s21], $0x10, s23, s21, $0xb8;
	[tilespmem:$0x1AC20] =	vst v63  }
0x28: {  	s25 =	simm.s32 $0x280;
	s26 =	simm.s32 $0x3490  }
0x29: {  	[tilespmem:s26], [sflag:$0x1] =	stream.indirect.gather [hbm4b:s4+s21], $0x10, s25, s21, $0xb8;
	[tilespmem:$0x1AC20] =	vst v63  }
0x2a: {  	s28 =	simm.s32 $0x300;
	s29 =	simm.s32 $0x3C90  }
0x2b: {  	[tilespmem:s29], [sflag:$0x1] =	stream.indirect.gather [hbm4b:s4+s21], $0x10, s28, s21, $0xb8;
	[tilespmem:$0x1AC20] =	vst v63  }
0x2c: {  	s23 =	simm.s32 $0x380;
	s24 =	simm.s32 $0x4490  }
0x2d: {  	[tilespmem:s24], [sflag:$0x1] =	stream.indirect.gather [hbm4b:s4+s21], $0x10, s23, s21, $0xb8;
	[tilespmem:$0x1AC20] =	vst v63  }
0x2e: {  	s25 =	simm.s32 $0x400;
	s26 =	simm.s32 $0x4C90  }
0x2f: {  	[tilespmem:s26], [sflag:$0x1] =	stream.indirect.gather [hbm4b:s4+s21], $0x10, s25, s21, $0xb8;
	[tilespmem:$0x1AC20] =	vst v63  }
0x30: {  	s28 =	simm.s32 $0x480;
	s29 =	simm.s32 $0x5490  }
0x31: {  	[tilespmem:s29], [sflag:$0x1] =	stream.indirect.gather [hbm4b:s4+s21], $0x10, s28, s21, $0xb8;
	[tilespmem:$0x1AC20] =	vst v63  }
0x32: {  	s23 =	simm.s32 $0x500;
	s24 =	simm.s32 $0x5C90  }
0x33: {  	[tilespmem:s24], [sflag:$0x1] =	stream.indirect.gather [hbm4b:s4+s21], $0x10, s23, s21, $0xb8;
	[tilespmem:$0x1AC20] =	vst v63  }
0x34: {  	s25 =	simm.s32 $0x580;
	s26 =	simm.s32 $0x6490  }
0x35: {  	[tilespmem:s26], [sflag:$0x1] =	stream.indirect.gather [hbm4b:s4+s21], $0x10, s25, s21, $0xb8;
	[tilespmem:$0x1AC20] =	vst v63  }
0x36: {  	s28 =	simm.s32 $0x600;
	s29 =	simm.s32 $0x6C90  }
0x37: {  	[tilespmem:s29], [sflag:$0x1] =	stream.indirect.gather [hbm4b:s4+s21], $0x10, s28, s21, $0xb8;
	[tilespmem:$0x1AC20] =	vst v63  }
0x38: {  	s23 =	simm.s32 $0x680;
	s24 =	simm.s32 $0x7490  }
0x39: {  	[tilespmem:s24], [sflag:$0x1] =	stream.indirect.gather [hbm4b:s4+s21], $0x10, s23, s21, $0xb8;
	[tilespmem:$0x1AC20] =	vst v63  }
0x3a: {  	s25 =	simm.s32 $0x700;
	s26 =	simm.s32 $0x7C90  }
0x3b: {  	[tilespmem:s26], [sflag:$0x1] =	stream.indirect.gather [hbm4b:s4+s21], $0x10, s25, s21, $0xb8;
	[tilespmem:$0x1AC20] =	vst v63  }
0x3c: {  	s28 =	simm.s32 $0x780;
	s29 =	simm.s32 $0x8490  }
0x3d: {  	[tilespmem:s29], [sflag:$0x1] =	stream.indirect.gather [hbm4b:s4+s21], $0x10, s28, s21, $0xb8;
	[tilespmem:$0x1AC20] =	vst v63  }
0x3e: {  	s23 =	simm.s32 $0x800;
	s24 =	simm.s32 $0x8C90  }
0x3f: {  	[tilespmem:s24], [sflag:$0x1] =	stream.indirect.gather [hbm4b:s4+s21], $0x10, s23, s21, $0xb8;
	[tilespmem:$0x1AC20] =	vst v63  }
0x40: {  	s25 =	simm.s32 $0x880;
	s26 =	simm.s32 $0x9490  }
0x41: {  	[tilespmem:s26], [sflag:$0x1] =	stream.indirect.gather [hbm4b:s4+s21], $0x10, s25, s21, $0xb8;
	[tilespmem:$0x1AC20] =	vst v63  }
0x42: {  	s28 =	simm.s32 $0x900;
	s29 =	simm.s32 $0x9C90  }
0x43: {  	[tilespmem:s29], [sflag:$0x1] =	stream.indirect.gather [hbm4b:s4+s21], $0x10, s28, s21, $0xb8;
	[tilespmem:$0x1AC20] =	vst v63  }
0x44: {  	s23 =	simm.s32 $0x980;
	s24 =	simm.s32 $0xA490  }
0x45: {  	[tilespmem:s24], [sflag:$0x1] =	stream.indirect.gather [hbm4b:s4+s21], $0x10, s23, s21, $0xb8;
	[tilespmem:$0x1AC20] =	vst v63  }
0x46: {  	s25 =	simm.s32 $0xA00;
	s26 =	simm.s32 $0xAC90  }
0x47: {  	[tilespmem:s26], [sflag:$0x1] =	stream.indirect.gather [hbm4b:s4+s21], $0x10, s25, s21, $0xb8;
	[tilespmem:$0x1AC20] =	vst v63  }
0x48: {  	s28 =	simm.s32 $0xA80;
	s29 =	simm.s32 $0xB490  }
0x49: {  	[tilespmem:s29], [sflag:$0x1] =	stream.indirect.gather [hbm4b:s4+s21], $0x10, s28, s21, $0xb8;
	[tilespmem:$0x1AC20] =	vst v63  }
0x4a: {  	s23 =	simm.s32 $0xB00;
	s24 =	simm.s32 $0xBC90  }
0x4b: {  	[tilespmem:s24], [sflag:$0x1] =	stream.indirect.gather [hbm4b:s4+s21], $0x10, s23, s21, $0xb8;
	[tilespmem:$0x1AC20] =	vst v63  }
0x4c: {  	s25 =	simm.s32 $0xB80;
	s26 =	simm.s32 $0xC490  }
0x4d: {  	[tilespmem:s26], [sflag:$0x1] =	stream.indirect.gather [hbm4b:s4+s21], $0x10, s25, s21, $0xb8;
	[tilespmem:$0x1AC20] =	vst v63  }
0x4e: {  	s28 =	simm.s32 $0xC00;
	s29 =	simm.s32 $0xCC90  }
0x4f: {  	[tilespmem:s29], [sflag:$0x1] =	stream.indirect.gather [hbm4b:s4+s21], $0x10, s28, s21, $0xb8;
	[tilespmem:$0x1AC20] =	vst v63  }
0x50: {  	s23 =	simm.s32 $0xD490  }
0x51: {  	[tilespmem:s23], [sflag:$0x1] =	stream.indirect.gather [hbm4b:s5+s3], $0x10, s20, s3, $0xb8;
	[tilespmem:$0x1AC20] =	vst v63  }
0x52: {  	s24 =	rddreg [dreg:$0x5]  }
0x53: {  	[tilespmem:s10], [sflag:$0x3] =	stream.linear.gather [hbm4b:s24+s2], $0xC80, $0x38;
	[tilespmem:$0x1AC20] =	vst v63  }
0x54: {  	_ =	swait.ge [sflag:s19], $0xC80  }
0x55: {  	[sflag:s19] =	ssyncset.done $0x0  }
0x56: {  	s25 =	rddreg [dreg:$0x6];
	[sflag:s19] =	ssyncadd.s32 $0xFFFFF380  }
0x57: {  	[tilespmem:s11], [sflag:$0x3] =	stream.linear.gather [hbm4b:s25+s2], $0x10, $0x38;
	[tilespmem:$0x1AC20] =	vst v63  }
0x58: {  	_ =	swait.ge [sflag:s19], $0x10  }
0x59: {  	[sflag:s19] =	ssyncset.done $0x0  }
0x5a: {  	s26 =	simm.s32 $0xE220;
	[sflag:s19] =	ssyncadd.s32 $0xFFFFFFF0  }
0x5b: {  	[tilespmem:s26], [sflag:$0x2] =	stream.indirect.gather [hbm4b:s4+s21], $0x10, s10, s21, $0xb8;
	[tilespmem:$0x1AC20] =	vst v63  }
0x5c: {  	s28 =	simm.s32 $0xD610;
	s29 =	simm.s32 $0xEA20  }
0x5d: {  	[tilespmem:s29], [sflag:$0x2] =	stream.indirect.gather [hbm4b:s4+s21], $0x10, s28, s21, $0xb8;
	[tilespmem:$0x1AC20] =	vst v63  }
0x5e: {  	s23 =	simm.s32 $0xD690;
	s24 =	simm.s32 $0xF220  }
0x5f: {  	[tilespmem:s24], [sflag:$0x2] =	stream.indirect.gather [hbm4b:s4+s21], $0x10, s23, s21, $0xb8;
	[tilespmem:$0x1AC20] =	vst v63  }
0x60: {  	s25 =	simm.s32 $0xD710;
	s26 =	simm.s32 $0xFA20  }
0x61: {  	[tilespmem:s26], [sflag:$0x2] =	stream.indirect.gather [hbm4b:s4+s21], $0x10, s25, s21, $0xb8;
	[tilespmem:$0x1AC20] =	vst v63  }
0x62: {  	s28 =	simm.s32 $0xD790;
	s29 =	simm.s32 $0x10220  }
0x63: {  	[tilespmem:s29], [sflag:$0x2] =	stream.indirect.gather [hbm4b:s4+s21], $0x10, s28, s21, $0xb8;
	[tilespmem:$0x1AC20] =	vst v63  }
0x64: {  	s23 =	simm.s32 $0xD810;
	s24 =	simm.s32 $0x10A20  }
0x65: {  	[tilespmem:s24], [sflag:$0x2] =	stream.indirect.gather [hbm4b:s4+s21], $0x10, s23, s21, $0xb8;
	[tilespmem:$0x1AC20] =	vst v63  }
0x66: {  	s25 =	simm.s32 $0xD890;
	s26 =	simm.s32 $0x11220  }
0x67: {  	[tilespmem:s26], [sflag:$0x2] =	stream.indirect.gather [hbm4b:s4+s21], $0x10, s25, s21, $0xb8;
	[tilespmem:$0x1AC20] =	vst v63  }
0x68: {  	s28 =	simm.s32 $0xD910;
	s29 =	simm.s32 $0x11A20  }
0x69: {  	[tilespmem:s29], [sflag:$0x2] =	stream.indirect.gather [hbm4b:s4+s21], $0x10, s28, s21, $0xb8;
	[tilespmem:$0x1AC20] =	vst v63  }
0x6a: {  	s23 =	simm.s32 $0xD990;
	s24 =	simm.s32 $0x12220  }
0x6b: {  	[tilespmem:s24], [sflag:$0x2] =	stream.indirect.gather [hbm4b:s4+s21], $0x10, s23, s21, $0xb8;
	[tilespmem:$0x1AC20] =	vst v63  }
0x6c: {  	s25 =	simm.s32 $0xDA10;
	s26 =	simm.s32 $0x12A20  }
0x6d: {  	[tilespmem:s26], [sflag:$0x2] =	stream.indirect.gather [hbm4b:s4+s21], $0x10, s25, s21, $0xb8;
	[tilespmem:$0x1AC20] =	vst v63  }
0x6e: {  	s28 =	simm.s32 $0xDA90;
	s29 =	simm.s32 $0x13220  }
0x6f: {  	[tilespmem:s29], [sflag:$0x2] =	stream.indirect.gather [hbm4b:s4+s21], $0x10, s28, s21, $0xb8;
	[tilespmem:$0x1AC20] =	vst v63  }
0x70: {  	s23 =	simm.s32 $0xDB10;
	s24 =	simm.s32 $0x13A20  }
0x71: {  	[tilespmem:s24], [sflag:$0x2] =	stream.indirect.gather [hbm4b:s4+s21], $0x10, s23, s21, $0xb8;
	[tilespmem:$0x1AC20] =	vst v63  }
0x72: {  	s25 =	simm.s32 $0xDB90;
	s26 =	simm.s32 $0x14220  }
0x73: {  	[tilespmem:s26], [sflag:$0x2] =	stream.indirect.gather [hbm4b:s4+s21], $0x10, s25, s21, $0xb8;
	[tilespmem:$0x1AC20] =	vst v63  }
0x74: {  	s28 =	simm.s32 $0xDC10;
	s29 =	simm.s32 $0x14A20  }
0x75: {  	[tilespmem:s29], [sflag:$0x2] =	stream.indirect.gather [hbm4b:s4+s21], $0x10, s28, s21, $0xb8;
	[tilespmem:$0x1AC20] =	vst v63  }
0x76: {  	s23 =	simm.s32 $0xDC90;
	s24 =	simm.s32 $0x15220  }
0x77: {  	[tilespmem:s24], [sflag:$0x2] =	stream.indirect.gather [hbm4b:s4+s21], $0x10, s23, s21, $0xb8;
	[tilespmem:$0x1AC20] =	vst v63  }
0x78: {  	s25 =	simm.s32 $0xDD10;
	s26 =	simm.s32 $0x15A20  }
0x79: {  	[tilespmem:s26], [sflag:$0x2] =	stream.indirect.gather [hbm4b:s4+s21], $0x10, s25, s21, $0xb8;
	[tilespmem:$0x1AC20] =	vst v63  }
0x7a: {  	s28 =	simm.s32 $0xDD90;
	s29 =	simm.s32 $0x16220  }
0x7b: {  	[tilespmem:s29], [sflag:$0x2] =	stream.indirect.gather [hbm4b:s4+s21], $0x10, s28, s21, $0xb8;
	[tilespmem:$0x1AC20] =	vst v63  }
0x7c: {  	s23 =	simm.s32 $0xDE10;
	s24 =	simm.s32 $0x16A20  }
0x7d: {  	[tilespmem:s24], [sflag:$0x2] =	stream.indirect.gather [hbm4b:s4+s21], $0x10, s23, s21, $0xb8;
	[tilespmem:$0x1AC20] =	vst v63  }
0x7e: {  	s25 =	simm.s32 $0xDE90;
	s26 =	simm.s32 $0x17220  }
0x7f: {  	[tilespmem:s26], [sflag:$0x2] =	stream.indirect.gather [hbm4b:s4+s21], $0x10, s25, s21, $0xb8;
	[tilespmem:$0x1AC20] =	vst v63  }
0x80: {  	s28 =	simm.s32 $0xDF10;
	s29 =	simm.s32 $0x17A20  }
0x81: {  	[tilespmem:s29], [sflag:$0x2] =	stream.indirect.gather [hbm4b:s4+s21], $0x10, s28, s21, $0xb8;
	[tilespmem:$0x1AC20] =	vst v63  }
0x82: {  	s23 =	simm.s32 $0xDF90;
	s24 =	simm.s32 $0x18220  }
0x83: {  	[tilespmem:s24], [sflag:$0x2] =	stream.indirect.gather [hbm4b:s4+s21], $0x10, s23, s21, $0xb8;
	[tilespmem:$0x1AC20] =	vst v63  }
0x84: {  	s25 =	simm.s32 $0xE010;
	s26 =	simm.s32 $0x18A20  }
0x85: {  	[tilespmem:s26], [sflag:$0x2] =	stream.indirect.gather [hbm4b:s4+s21], $0x10, s25, s21, $0xb8;
	[tilespmem:$0x1AC20] =	vst v63  }
0x86: {  	s28 =	simm.s32 $0xE090;
	s29 =	simm.s32 $0x19220  }
0x87: {  	[tilespmem:s29], [sflag:$0x2] =	stream.indirect.gather [hbm4b:s4+s21], $0x10, s28, s21, $0xb8;
	[tilespmem:$0x1AC20] =	vst v63  }
0x88: {  	_ = 	snop  }
0x89: {  	[tilespmem:s0], [sflag:$0x2] =	stream.indirect.gather [hbm4b:s4+s21], $0x10, s31, s21, $0xb8;
	[tilespmem:$0x1AC20] =	vst v63  }
0x8a: {  	_ = 	snop  }
0x8b: {  	[tilespmem:s12], [sflag:$0x2] =	stream.indirect.gather [hbm4b:s4+s21], $0x10, s9, s21, $0xb8;
	[tilespmem:$0x1AC20] =	vst v63  }
0x8c: {  	s22 =	simm.s32 $0x0  }
0x8d: {  	[tilespmem:s16], [sflag:$0x2] =	stream.indirect.gather [hbm4b:s5+s3], $0x10, s11, s3, $0xb8;
	[tilespmem:$0x1AC20] =	vst v63  }
.LBB2_2:
0x8e: {  	_ =	swait.ge [sflag:s17], $0xC800  }
0x8f: {  	[sflag:s17] =	ssyncset.done $0x0  }
0x90: {  	[sflag:s17] =	ssyncadd.s32 $0xFFFF3800  }
0x91: {  	_ =	swait.ge [sflag:s17], $0x100  }
0x92: {  	[sflag:s17] =	ssyncset.done $0x0  }
0x93: {  	s23 =	simm.s32 $0x0;
	s24 =	simm.s32 $0xCD0;
	[sflag:s17] =	ssyncadd.s32 $0xFFFFFF00  }
.LBB2_3:
0x94: {  	v0 =	vmov s24;
	_ =	sdelay $0x2  }
0x95: {  	s25 =	sshll.u32 s23, $0x4  }
0x96: {  	s29 =	simm.s32 $0x0;
	v2 =	vld [tilespmem:s25+$0xD490]  }
0x97: {  	v1 =	vld.idx.msk [tilespmem:v0+s29+$0x30 ss:$0x1], $0xffff  }
0x98: {  	v9 =	vld.idx.msk [tilespmem:v0+s29+$0xFFFFFFC0 ss:$0x1], $0xffff  }
0x99: {  	v4 =	vld.idx.msk [tilespmem:v0+s29+$0xFFFFFFD0 ss:$0x1], $0xffff  }
0x9a: {  	v5 =	vld.idx.msk [tilespmem:v0+s29+$0xFFFFFFE0 ss:$0x1], $0xffff  }
0x9b: {  	v6 =	vld.idx.msk [tilespmem:v0+s29+$0xFFFFFFF0 ss:$0x1], $0xffff  }
0x9c: {  	v3 =	vimm.f32 $0.0e+00;
	v10 =	vimm.f32 $0.0e+00;
	v7 =	vld.idx.msk [tilespmem:v0+s29+$0x0 ss:$0x1], $0xffff  }
0x9d: {  	v13 =	vimm.f32 $0.0e+00;
	v11 =	vimm.f32 $0.0e+00;
	v12 =	vimm.f32 $0.0e+00;
	v8 =	vld.idx.msk [tilespmem:v0+s29+$0x10 ss:$0x1], $0xffff  }
0x9e: {  	s26 =	simm.s32 $0x80;
	s28 =	simm.s32 $0x400;
	v14 =	vld.idx.msk [tilespmem:v0+s29+$0x20 ss:$0x1], $0xffff;
	v1 =	vadd.f32 v1, v3;
	v2 =	vadd.f32 v9, v2;
	v9 =	vimm.f32 $0.0e+00  }
.LBB2_4:
0x9f: {  	p0 =	sne.s32 s28, $0x3000;
	v15 =	vld.idx.msk [tilespmem:v0+s26+$0x30 ss:$0x1], $0xffff;
	v3 =	vadd.f32 v4, v3  }
0xa0: {  	v10 =	vadd.f32 v5, v10;
	v16 =	vld.idx.msk [tilespmem:v0+s26+$0xFFFFFFC0 ss:$0x1], $0xffff  }
0xa1: {  	v9 =	vadd.f32 v6, v9;
	v4 =	vld.idx.msk [tilespmem:v0+s26+$0xFFFFFFD0 ss:$0x1], $0xffff  }
.Ltmp0:
0xa2: {  	v13 =	vadd.f32 v7, v13;
	v5 =	vld.idx.msk [tilespmem:v0+s26+$0xFFFFFFE0 ss:$0x1], $0xffff;
	(pc) =	sbr.rel @p0 .LBB2_4-.Ltmp0, $4  }
0xa3: {  	v11 =	vadd.f32 v8, v11;
	v6 =	vld.idx.msk [tilespmem:v0+s26+$0xFFFFFFF0 ss:$0x1], $0xffff  }
0xa4: {  	v12 =	vadd.f32 v14, v12;
	v7 =	vld.idx.msk [tilespmem:v0+s26+$0x0 ss:$0x1], $0xffff  }
0xa5: {  	v1 =	vadd.f32 v15, v1;
	v8 =	vld.idx.msk [tilespmem:v0+s26+$0x10 ss:$0x1], $0xffff  }
0xa6: {  	v2 =	vadd.f32 v16, v2;
	v14 =	vld.idx.msk [tilespmem:v0+s26+$0x20 ss:$0x1], $0xffff;
	s26 =	sshra.s32 s28, $0x2;
	s28 =	sadd.s32 $0x200, s28  }
0xa7: {  	_ =	sdelay $0x3  }
0xa8: {  	v15 =	vld.idx.msk [tilespmem:v0+s26+$0x30 ss:$0x1], $0xffff  }
0xa9: {  	v16 =	vld.idx.msk [tilespmem:v0+s26+$0xFFFFFFC0 ss:$0x1], $0xffff  }
0xaa: {  	v17 =	vld.idx.msk [tilespmem:v0+s26+$0xFFFFFFD0 ss:$0x1], $0xffff  }
0xab: {  	v18 =	vld.idx.msk [tilespmem:v0+s26+$0xFFFFFFE0 ss:$0x1], $0xffff  }
0xac: {  	v19 =	vld.idx.msk [tilespmem:v0+s26+$0xFFFFFFF0 ss:$0x1], $0xffff  }
0xad: {  	v20 =	vld.idx.msk [tilespmem:v0+s26+$0x0 ss:$0x1], $0xffff  }
0xae: {  	v3 =	vadd.f32 v4, v3;
	v57 =	vadd.f32 v5, v10;
	v58 =	vld.idx.msk [tilespmem:v0+s26+$0x10 ss:$0x1], $0xffff  }
0xaf: {  	v59 =	vld.idx.msk [tilespmem:v0+s26+$0x20 ss:$0x1], $0xffff;
	v6 =	vadd.f32 v6, v9;
	v7 =	vadd.f32 v7, v13  }
0xb0: {  	v8 =	vadd.f32 v8, v11;
	v60 =	vadd.f32 v14, v12  }
0xb1: {  	v1 =	vadd.f32 v15, v1;
	v2 =	vadd.f32 v16, v2  }
0xb2: {  	v3 =	vadd.f32 v17, v3;
	v4 =	vadd.f32 v18, v57  }
0xb3: {  	v6 =	vadd.f32 v19, v6;
	v7 =	vadd.f32 v20, v7  }
0xb4: {  	v5 =	vadd.f32 v58, v8;
	v0 =	vadd.f32 v59, v60  }
0xb5: {  	v2 =	vadd.f32 v3, v2;
	v61 =	vadd.f32 v6, v4  }
0xb6: {  	s23 =	sadd.s32 $0x1, s23;
	v62 =	vadd.f32 v5, v7;
	v0 =	vadd.f32 v1, v0  }
0xb7: {  	p0 =	sne.s32 s23, $0x10  }
.Ltmp1:
0xb8: {  	v63 =	vadd.f32 v61, v2;
	v0 =	vadd.f32 v0, v62;
	(pc) =	sbr.rel @p0 .LBB2_3-.Ltmp1, $3  }
0xb9: {  	_ = 	snop  }
0xba: {  	v0 =	vadd.f32 v0, v63;
	_ =	sdelay $0x1  }
0xbb: {  	s24 =	sadd.s32 $0xC80, s24;
	[tilespmem:s25+$0x1AB20] =	vst v0  }
0xbc: {  	s24 =	sshll.u32 s22, $0x6;
	s23 =	sshll.u32 s22, $0x5  }
0xbd: {  	s25 =	sadd.s32 s24, s13;
	s24 =	simm.s32 $0x0;
	s28 =	sadd.s32 s23, s14  }
0xbe: {  	[hbm4b:s25+s24] =	stream.linear.scatter [tilespmem:s18], [sflag:$0x3], $0x100, $0x38;
	[tilespmem:$0x1AC20] =	vst v63  }
0xbf: {  	s26 =	smul.u32 $0x19, s28;
	_ =	swait.ge [sflag:s19], $0x100  }
0xc0: {  	[sflag:s19] =	ssyncset.done $0x0  }
0xc1: {  	s26 =	sadd.s32 s6, s26;
	[sflag:s19] =	ssyncadd.s32 $0xFFFFFF00  }
0xc2: {  	[tilespmem:s24], [sflag:$0x3] =	stream.linear.gather [hbm4b:s26+s24], $0xC80, $0x38;
	[tilespmem:$0x1AC20] =	vst v63  }
0xc3: {  	_ =	swait.ge [sflag:s19], $0xC80  }
0xc4: {  	s25 =	sshrl.u32 s28, $0x3;
	[sflag:s19] =	ssyncset.done $0x0  }
0xc5: {  	s25 =	sadd.s32 s8, s25;
	[sflag:s19] =	ssyncadd.s32 $0xFFFFF380  }
0xc6: {  	[tilespmem:s20], [sflag:$0x3] =	stream.linear.gather [hbm4b:s25+s24], $0x10, $0x38;
	[tilespmem:$0x1AC20] =	vst v63  }
0xc7: {  	_ =	swait.ge [sflag:s19], $0x10  }
0xc8: {  	[sflag:s19] =	ssyncset.done $0x0  }
0xc9: {  	s29 =	simm.s32 $0xC90;
	[sflag:s19] =	ssyncadd.s32 $0xFFFFFFF0  }
0xca: {  	[tilespmem:s29], [sflag:$0x1] =	stream.indirect.gather [hbm4b:s4+s21], $0x10, s24, s21, $0xb8;
	[tilespmem:$0x1AC20] =	vst v63  }
0xcb: {  	s26 =	simm.s32 $0x1490  }
0xcc: {  	[tilespmem:s26], [sflag:$0x1] =	stream.indirect.gather [hbm4b:s4+s21], $0x10, s21, s21, $0xb8;
	[tilespmem:$0x1AC20] =	vst v63  }
0xcd: {  	s28 =	simm.s32 $0x100;
	s29 =	simm.s32 $0x1C90  }
0xce: {  	[tilespmem:s29], [sflag:$0x1] =	stream.indirect.gather [hbm4b:s4+s21], $0x10, s28, s21, $0xb8;
	[tilespmem:$0x1AC20] =	vst v63  }
0xcf: {  	s28 =	simm.s32 $0x180;
	s29 =	simm.s32 $0x2490  }
0xd0: {  	[tilespmem:s29], [sflag:$0x1] =	stream.indirect.gather [hbm4b:s4+s21], $0x10, s28, s21, $0xb8;
	[tilespmem:$0x1AC20] =	vst v63  }
0xd1: {  	s28 =	simm.s32 $0x200;
	s29 =	simm.s32 $0x2C90  }
0xd2: {  	[tilespmem:s29], [sflag:$0x1] =	stream.indirect.gather [hbm4b:s4+s21], $0x10, s28, s21, $0xb8;
	[tilespmem:$0x1AC20] =	vst v63  }
0xd3: {  	s28 =	simm.s32 $0x280;
	s29 =	simm.s32 $0x3490  }
0xd4: {  	[tilespmem:s29], [sflag:$0x1] =	stream.indirect.gather [hbm4b:s4+s21], $0x10, s28, s21, $0xb8;
	[tilespmem:$0x1AC20] =	vst v63  }
0xd5: {  	s28 =	simm.s32 $0x300;
	s29 =	simm.s32 $0x3C90  }
0xd6: {  	[tilespmem:s29], [sflag:$0x1] =	stream.indirect.gather [hbm4b:s4+s21], $0x10, s28, s21, $0xb8;
	[tilespmem:$0x1AC20] =	vst v63  }
0xd7: {  	s28 =	simm.s32 $0x380;
	s29 =	simm.s32 $0x4490  }
0xd8: {  	[tilespmem:s29], [sflag:$0x1] =	stream.indirect.gather [hbm4b:s4+s21], $0x10, s28, s21, $0xb8;
	[tilespmem:$0x1AC20] =	vst v63  }
0xd9: {  	s28 =	simm.s32 $0x400;
	s29 =	simm.s32 $0x4C90  }
0xda: {  	[tilespmem:s29], [sflag:$0x1] =	stream.indirect.gather [hbm4b:s4+s21], $0x10, s28, s21, $0xb8;
	[tilespmem:$0x1AC20] =	vst v63  }
0xdb: {  	s28 =	simm.s32 $0x480;
	s29 =	simm.s32 $0x5490  }
0xdc: {  	[tilespmem:s29], [sflag:$0x1] =	stream.indirect.gather [hbm4b:s4+s21], $0x10, s28, s21, $0xb8;
	[tilespmem:$0x1AC20] =	vst v63  }
0xdd: {  	s28 =	simm.s32 $0x500;
	s29 =	simm.s32 $0x5C90  }
0xde: {  	[tilespmem:s29], [sflag:$0x1] =	stream.indirect.gather [hbm4b:s4+s21], $0x10, s28, s21, $0xb8;
	[tilespmem:$0x1AC20] =	vst v63  }
0xdf: {  	s28 =	simm.s32 $0x580;
	s29 =	simm.s32 $0x6490  }
0xe0: {  	[tilespmem:s29], [sflag:$0x1] =	stream.indirect.gather [hbm4b:s4+s21], $0x10, s28, s21, $0xb8;
	[tilespmem:$0x1AC20] =	vst v63  }
0xe1: {  	s28 =	simm.s32 $0x600;
	s29 =	simm.s32 $0x6C90  }
0xe2: {  	[tilespmem:s29], [sflag:$0x1] =	stream.indirect.gather [hbm4b:s4+s21], $0x10, s28, s21, $0xb8;
	[tilespmem:$0x1AC20] =	vst v63  }
0xe3: {  	s28 =	simm.s32 $0x680;
	s29 =	simm.s32 $0x7490  }
0xe4: {  	[tilespmem:s29], [sflag:$0x1] =	stream.indirect.gather [hbm4b:s4+s21], $0x10, s28, s21, $0xb8;
	[tilespmem:$0x1AC20] =	vst v63  }
0xe5: {  	s28 =	simm.s32 $0x700;
	s29 =	simm.s32 $0x7C90  }
0xe6: {  	[tilespmem:s29], [sflag:$0x1] =	stream.indirect.gather [hbm4b:s4+s21], $0x10, s28, s21, $0xb8;
	[tilespmem:$0x1AC20] =	vst v63  }
0xe7: {  	s28 =	simm.s32 $0x780;
	s29 =	simm.s32 $0x8490  }
0xe8: {  	[tilespmem:s29], [sflag:$0x1] =	stream.indirect.gather [hbm4b:s4+s21], $0x10, s28, s21, $0xb8;
	[tilespmem:$0x1AC20] =	vst v63  }
0xe9: {  	s28 =	simm.s32 $0x800;
	s29 =	simm.s32 $0x8C90  }
0xea: {  	[tilespmem:s29], [sflag:$0x1] =	stream.indirect.gather [hbm4b:s4+s21], $0x10, s28, s21, $0xb8;
	[tilespmem:$0x1AC20] =	vst v63  }
0xeb: {  	s28 =	simm.s32 $0x880;
	s29 =	simm.s32 $0x9490  }
0xec: {  	[tilespmem:s29], [sflag:$0x1] =	stream.indirect.gather [hbm4b:s4+s21], $0x10, s28, s21, $0xb8;
	[tilespmem:$0x1AC20] =	vst v63  }
0xed: {  	s28 =	simm.s32 $0x900;
	s29 =	simm.s32 $0x9C90  }
0xee: {  	[tilespmem:s29], [sflag:$0x1] =	stream.indirect.gather [hbm4b:s4+s21], $0x10, s28, s21, $0xb8;
	[tilespmem:$0x1AC20] =	vst v63  }
0xef: {  	s28 =	simm.s32 $0x980;
	s29 =	simm.s32 $0xA490  }
0xf0: {  	[tilespmem:s29], [sflag:$0x1] =	stream.indirect.gather [hbm4b:s4+s21], $0x10, s28, s21, $0xb8;
	[tilespmem:$0x1AC20] =	vst v63  }
0xf1: {  	s28 =	simm.s32 $0xA00;
	s29 =	simm.s32 $0xAC90  }
0xf2: {  	[tilespmem:s29], [sflag:$0x1] =	stream.indirect.gather [hbm4b:s4+s21], $0x10, s28, s21, $0xb8;
	[tilespmem:$0x1AC20] =	vst v63  }
0xf3: {  	s28 =	simm.s32 $0xA80;
	s29 =	simm.s32 $0xB490  }
0xf4: {  	[tilespmem:s29], [sflag:$0x1] =	stream.indirect.gather [hbm4b:s4+s21], $0x10, s28, s21, $0xb8;
	[tilespmem:$0x1AC20] =	vst v63  }
0xf5: {  	s28 =	simm.s32 $0xB00;
	s29 =	simm.s32 $0xBC90  }
0xf6: {  	[tilespmem:s29], [sflag:$0x1] =	stream.indirect.gather [hbm4b:s4+s21], $0x10, s28, s21, $0xb8;
	[tilespmem:$0x1AC20] =	vst v63  }
0xf7: {  	s28 =	simm.s32 $0xB80;
	s29 =	simm.s32 $0xC490  }
0xf8: {  	[tilespmem:s29], [sflag:$0x1] =	stream.indirect.gather [hbm4b:s4+s21], $0x10, s28, s21, $0xb8;
	[tilespmem:$0x1AC20] =	vst v63  }
0xf9: {  	s26 =	simm.s32 $0xC00;
	s28 =	simm.s32 $0xCC90  }
0xfa: {  	[tilespmem:s28], [sflag:$0x1] =	stream.indirect.gather [hbm4b:s4+s21], $0x10, s26, s21, $0xb8;
	[tilespmem:$0x1AC20] =	vst v63  }
0xfb: {  	s29 =	simm.s32 $0xD490  }
0xfc: {  	[tilespmem:s29], [sflag:$0x1] =	stream.indirect.gather [hbm4b:s5+s3], $0x10, s20, s3, $0xb8;
	[tilespmem:$0x1AC20] =	vst v63  }
0xfd: {  	_ =	swait.ge [sflag:s1], $0xC800  }
0xfe: {  	[sflag:s1] =	ssyncset.done $0x0  }
0xff: {  	[sflag:s1] =	ssyncadd.s32 $0xFFFF3800  }
0x100: {  	_ =	swait.ge [sflag:s1], $0x100  }
0x101: {  	[sflag:s1] =	ssyncset.done $0x0  }
0x102: {  	s25 =	simm.s32 $0xE260;
	[sflag:s1] =	ssyncadd.s32 $0xFFFFFF00  }
.LBB2_7:
0x103: {  	v0 =	vmov s25;
	_ =	sdelay $0x2  }
0x104: {  	s26 =	sshll.u32 s24, $0x4  }
0x105: {  	v2 =	vld [tilespmem:s26+$0x1AA20]  }
0x106: {  	v1 =	vld.idx.msk [tilespmem:v0+s30+$0x30 ss:$0x1], $0xffff  }
0x107: {  	v9 =	vld.idx.msk [tilespmem:v0+s30+$0xFFFFFFC0 ss:$0x1], $0xffff  }
0x108: {  	v4 =	vld.idx.msk [tilespmem:v0+s30+$0xFFFFFFD0 ss:$0x1], $0xffff  }
0x109: {  	v5 =	vld.idx.msk [tilespmem:v0+s30+$0xFFFFFFE0 ss:$0x1], $0xffff  }
0x10a: {  	v6 =	vld.idx.msk [tilespmem:v0+s30+$0xFFFFFFF0 ss:$0x1], $0xffff  }
0x10b: {  	v3 =	vimm.f32 $0.0e+00;
	v10 =	vimm.f32 $0.0e+00;
	v7 =	vld.idx.msk [tilespmem:v0+s30+$0x0 ss:$0x1], $0xffff  }
0x10c: {  	v13 =	vimm.f32 $0.0e+00;
	v11 =	vimm.f32 $0.0e+00;
	v12 =	vimm.f32 $0.0e+00;
	v8 =	vld.idx.msk [tilespmem:v0+s30+$0x10 ss:$0x1], $0xffff  }
0x10d: {  	s28 =	simm.s32 $0x80;
	s29 =	simm.s32 $0x400;
	v14 =	vld.idx.msk [tilespmem:v0+s30+$0x20 ss:$0x1], $0xffff;
	v1 =	vadd.f32 v1, v3;
	v2 =	vadd.f32 v9, v2;
	v9 =	vimm.f32 $0.0e+00  }
.LBB2_8:
0x10e: {  	p0 =	sne.s32 s29, $0x3000;
	v15 =	vld.idx.msk [tilespmem:v0+s28+$0x30 ss:$0x1], $0xffff;
	v3 =	vadd.f32 v4, v3  }
0x10f: {  	v10 =	vadd.f32 v5, v10;
	v16 =	vld.idx.msk [tilespmem:v0+s28+$0xFFFFFFC0 ss:$0x1], $0xffff  }
0x110: {  	v9 =	vadd.f32 v6, v9;
	v4 =	vld.idx.msk [tilespmem:v0+s28+$0xFFFFFFD0 ss:$0x1], $0xffff  }
.Ltmp2:
0x111: {  	v13 =	vadd.f32 v7, v13;
	v5 =	vld.idx.msk [tilespmem:v0+s28+$0xFFFFFFE0 ss:$0x1], $0xffff;
	(pc) =	sbr.rel @p0 .LBB2_8-.Ltmp2, $4  }
0x112: {  	v11 =	vadd.f32 v8, v11;
	v6 =	vld.idx.msk [tilespmem:v0+s28+$0xFFFFFFF0 ss:$0x1], $0xffff  }
0x113: {  	v12 =	vadd.f32 v14, v12;
	v7 =	vld.idx.msk [tilespmem:v0+s28+$0x0 ss:$0x1], $0xffff  }
0x114: {  	v1 =	vadd.f32 v15, v1;
	v8 =	vld.idx.msk [tilespmem:v0+s28+$0x10 ss:$0x1], $0xffff  }
0x115: {  	v2 =	vadd.f32 v16, v2;
	v14 =	vld.idx.msk [tilespmem:v0+s28+$0x20 ss:$0x1], $0xffff;
	s28 =	sshra.s32 s29, $0x2;
	s29 =	sadd.s32 $0x200, s29  }
0x116: {  	_ =	sdelay $0x3  }
0x117: {  	v15 =	vld.idx.msk [tilespmem:v0+s28+$0x30 ss:$0x1], $0xffff  }
0x118: {  	v16 =	vld.idx.msk [tilespmem:v0+s28+$0xFFFFFFC0 ss:$0x1], $0xffff  }
0x119: {  	v17 =	vld.idx.msk [tilespmem:v0+s28+$0xFFFFFFD0 ss:$0x1], $0xffff  }
0x11a: {  	v18 =	vld.idx.msk [tilespmem:v0+s28+$0xFFFFFFE0 ss:$0x1], $0xffff  }
0x11b: {  	v19 =	vld.idx.msk [tilespmem:v0+s28+$0xFFFFFFF0 ss:$0x1], $0xffff  }
0x11c: {  	v20 =	vld.idx.msk [tilespmem:v0+s28+$0x0 ss:$0x1], $0xffff  }
0x11d: {  	v3 =	vadd.f32 v4, v3;
	v57 =	vadd.f32 v5, v10;
	v58 =	vld.idx.msk [tilespmem:v0+s28+$0x10 ss:$0x1], $0xffff  }
0x11e: {  	v59 =	vld.idx.msk [tilespmem:v0+s28+$0x20 ss:$0x1], $0xffff;
	v6 =	vadd.f32 v6, v9;
	v7 =	vadd.f32 v7, v13  }
0x11f: {  	v8 =	vadd.f32 v8, v11;
	v60 =	vadd.f32 v14, v12  }
0x120: {  	v1 =	vadd.f32 v15, v1;
	v2 =	vadd.f32 v16, v2  }
0x121: {  	v3 =	vadd.f32 v17, v3;
	v4 =	vadd.f32 v18, v57  }
0x122: {  	v6 =	vadd.f32 v19, v6;
	v7 =	vadd.f32 v20, v7  }
0x123: {  	v5 =	vadd.f32 v58, v8;
	v0 =	vadd.f32 v59, v60  }
0x124: {  	v2 =	vadd.f32 v3, v2;
	v61 =	vadd.f32 v6, v4  }
0x125: {  	s24 =	sadd.s32 $0x1, s24;
	v62 =	vadd.f32 v5, v7;
	v0 =	vadd.f32 v1, v0  }
0x126: {  	p0 =	sne.s32 s24, $0x10  }
.Ltmp3:
0x127: {  	v63 =	vadd.f32 v61, v2;
	v0 =	vadd.f32 v0, v62;
	(pc) =	sbr.rel @p0 .LBB2_7-.Ltmp3, $3  }
0x128: {  	_ = 	snop  }
0x129: {  	v0 =	vadd.f32 v0, v63;
	_ =	sdelay $0x1  }
0x12a: {  	s25 =	sadd.s32 $0xC80, s25;
	[tilespmem:s26+$0x1AB20] =	vst v0  }
0x12b: {  	s24 =	sadd.s32 s23, s7  }
0x12c: {  	s24 =	sshll.u32 s24, $0x1  }
0x12d: {  	s24 =	sadd.s32 $0x20, s24  }
0x12e: {  	s25 =	rddreg [dreg:$0x1];
	s24 =	sand.u32 $0x1FFFFFE0, s24  }
0x12f: {  	s28 =	sadd.s32 s23, s15;
	s24 =	sadd.s32 s25, s24  }
0x130: {  	[hbm4b:s24+s2] =	stream.linear.scatter [tilespmem:s18], [sflag:$0x3], $0x100, $0x38;
	[tilespmem:$0x1AC20] =	vst v63  }
0x131: {  	s29 =	smul.u32 $0x19, s28;
	_ =	swait.ge [sflag:s19], $0x100  }
0x132: {  	[sflag:s19] =	ssyncset.done $0x0  }
0x133: {  	s24 =	sadd.s32 s6, s29;
	[sflag:s19] =	ssyncadd.s32 $0xFFFFFF00  }
0x134: {  	[tilespmem:s10], [sflag:$0x3] =	stream.linear.gather [hbm4b:s24+s2], $0xC80, $0x38;
	[tilespmem:$0x1AC20] =	vst v63  }
0x135: {  	_ =	swait.ge [sflag:s19], $0xC80  }
0x136: {  	s23 =	sshrl.u32 s28, $0x3;
	[sflag:s19] =	ssyncset.done $0x0  }
0x137: {  	s23 =	sadd.s32 s8, s23;
	[sflag:s19] =	ssyncadd.s32 $0xFFFFF380  }
0x138: {  	[tilespmem:s11], [sflag:$0x3] =	stream.linear.gather [hbm4b:s23+s2], $0x10, $0x38;
	[tilespmem:$0x1AC20] =	vst v63  }
0x139: {  	_ =	swait.ge [sflag:s19], $0x10  }
0x13a: {  	[sflag:s19] =	ssyncset.done $0x0  }
0x13b: {  	s24 =	simm.s32 $0xE220;
	[sflag:s19] =	ssyncadd.s32 $0xFFFFFFF0  }
0x13c: {  	[tilespmem:s24], [sflag:$0x2] =	stream.indirect.gather [hbm4b:s4+s21], $0x10, s10, s21, $0xb8;
	[tilespmem:$0x1AC20] =	vst v63  }
0x13d: {  	s26 =	simm.s32 $0xEA20;
	s25 =	simm.s32 $0xD610  }
0x13e: {  	[tilespmem:s26], [sflag:$0x2] =	stream.indirect.gather [hbm4b:s4+s21], $0x10, s25, s21, $0xb8;
	[tilespmem:$0x1AC20] =	vst v63  }
0x13f: {  	s28 =	simm.s32 $0xD690;
	s29 =	simm.s32 $0xF220  }
0x140: {  	[tilespmem:s29], [sflag:$0x2] =	stream.indirect.gather [hbm4b:s4+s21], $0x10, s28, s21, $0xb8;
	[tilespmem:$0x1AC20] =	vst v63  }
0x141: {  	s25 =	simm.s32 $0xD710;
	s26 =	simm.s32 $0xFA20  }
0x142: {  	[tilespmem:s26], [sflag:$0x2] =	stream.indirect.gather [hbm4b:s4+s21], $0x10, s25, s21, $0xb8;
	[tilespmem:$0x1AC20] =	vst v63  }
0x143: {  	s28 =	simm.s32 $0xD790;
	s29 =	simm.s32 $0x10220  }
0x144: {  	[tilespmem:s29], [sflag:$0x2] =	stream.indirect.gather [hbm4b:s4+s21], $0x10, s28, s21, $0xb8;
	[tilespmem:$0x1AC20] =	vst v63  }
0x145: {  	s25 =	simm.s32 $0xD810;
	s26 =	simm.s32 $0x10A20  }
0x146: {  	[tilespmem:s26], [sflag:$0x2] =	stream.indirect.gather [hbm4b:s4+s21], $0x10, s25, s21, $0xb8;
	[tilespmem:$0x1AC20] =	vst v63  }
0x147: {  	s28 =	simm.s32 $0xD890;
	s29 =	simm.s32 $0x11220  }
0x148: {  	[tilespmem:s29], [sflag:$0x2] =	stream.indirect.gather [hbm4b:s4+s21], $0x10, s28, s21, $0xb8;
	[tilespmem:$0x1AC20] =	vst v63  }
0x149: {  	s25 =	simm.s32 $0xD910;
	s26 =	simm.s32 $0x11A20  }
0x14a: {  	[tilespmem:s26], [sflag:$0x2] =	stream.indirect.gather [hbm4b:s4+s21], $0x10, s25, s21, $0xb8;
	[tilespmem:$0x1AC20] =	vst v63  }
0x14b: {  	s28 =	simm.s32 $0xD990;
	s29 =	simm.s32 $0x12220  }
0x14c: {  	[tilespmem:s29], [sflag:$0x2] =	stream.indirect.gather [hbm4b:s4+s21], $0x10, s28, s21, $0xb8;
	[tilespmem:$0x1AC20] =	vst v63  }
0x14d: {  	s25 =	simm.s32 $0xDA10;
	s26 =	simm.s32 $0x12A20  }
0x14e: {  	[tilespmem:s26], [sflag:$0x2] =	stream.indirect.gather [hbm4b:s4+s21], $0x10, s25, s21, $0xb8;
	[tilespmem:$0x1AC20] =	vst v63  }
0x14f: {  	s28 =	simm.s32 $0xDA90;
	s29 =	simm.s32 $0x13220  }
0x150: {  	[tilespmem:s29], [sflag:$0x2] =	stream.indirect.gather [hbm4b:s4+s21], $0x10, s28, s21, $0xb8;
	[tilespmem:$0x1AC20] =	vst v63  }
0x151: {  	s25 =	simm.s32 $0xDB10;
	s26 =	simm.s32 $0x13A20  }
0x152: {  	[tilespmem:s26], [sflag:$0x2] =	stream.indirect.gather [hbm4b:s4+s21], $0x10, s25, s21, $0xb8;
	[tilespmem:$0x1AC20] =	vst v63  }
0x153: {  	s28 =	simm.s32 $0xDB90;
	s29 =	simm.s32 $0x14220  }
0x154: {  	[tilespmem:s29], [sflag:$0x2] =	stream.indirect.gather [hbm4b:s4+s21], $0x10, s28, s21, $0xb8;
	[tilespmem:$0x1AC20] =	vst v63  }
0x155: {  	s25 =	simm.s32 $0xDC10;
	s26 =	simm.s32 $0x14A20  }
0x156: {  	[tilespmem:s26], [sflag:$0x2] =	stream.indirect.gather [hbm4b:s4+s21], $0x10, s25, s21, $0xb8;
	[tilespmem:$0x1AC20] =	vst v63  }
0x157: {  	s28 =	simm.s32 $0xDC90;
	s29 =	simm.s32 $0x15220  }
0x158: {  	[tilespmem:s29], [sflag:$0x2] =	stream.indirect.gather [hbm4b:s4+s21], $0x10, s28, s21, $0xb8;
	[tilespmem:$0x1AC20] =	vst v63  }
0x159: {  	s25 =	simm.s32 $0xDD10;
	s26 =	simm.s32 $0x15A20  }
0x15a: {  	[tilespmem:s26], [sflag:$0x2] =	stream.indirect.gather [hbm4b:s4+s21], $0x10, s25, s21, $0xb8;
	[tilespmem:$0x1AC20] =	vst v63  }
0x15b: {  	s28 =	simm.s32 $0xDD90;
	s29 =	simm.s32 $0x16220  }
0x15c: {  	[tilespmem:s29], [sflag:$0x2] =	stream.indirect.gather [hbm4b:s4+s21], $0x10, s28, s21, $0xb8;
	[tilespmem:$0x1AC20] =	vst v63  }
0x15d: {  	s25 =	simm.s32 $0xDE10;
	s26 =	simm.s32 $0x16A20  }
0x15e: {  	[tilespmem:s26], [sflag:$0x2] =	stream.indirect.gather [hbm4b:s4+s21], $0x10, s25, s21, $0xb8;
	[tilespmem:$0x1AC20] =	vst v63  }
0x15f: {  	s28 =	simm.s32 $0xDE90;
	s29 =	simm.s32 $0x17220  }
0x160: {  	[tilespmem:s29], [sflag:$0x2] =	stream.indirect.gather [hbm4b:s4+s21], $0x10, s28, s21, $0xb8;
	[tilespmem:$0x1AC20] =	vst v63  }
0x161: {  	s25 =	simm.s32 $0xDF10;
	s26 =	simm.s32 $0x17A20  }
0x162: {  	[tilespmem:s26], [sflag:$0x2] =	stream.indirect.gather [hbm4b:s4+s21], $0x10, s25, s21, $0xb8;
	[tilespmem:$0x1AC20] =	vst v63  }
0x163: {  	s28 =	simm.s32 $0xDF90;
	s29 =	simm.s32 $0x18220  }
0x164: {  	[tilespmem:s29], [sflag:$0x2] =	stream.indirect.gather [hbm4b:s4+s21], $0x10, s28, s21, $0xb8;
	[tilespmem:$0x1AC20] =	vst v63  }
0x165: {  	s25 =	simm.s32 $0xE010;
	s26 =	simm.s32 $0x18A20  }
0x166: {  	[tilespmem:s26], [sflag:$0x2] =	stream.indirect.gather [hbm4b:s4+s21], $0x10, s25, s21, $0xb8;
	[tilespmem:$0x1AC20] =	vst v63  }
0x167: {  	s22 =	sadd.s32 $0x1, s22;
	s28 =	simm.s32 $0xE090;
	s29 =	simm.s32 $0x19220  }
0x168: {  	[tilespmem:s29], [sflag:$0x2] =	stream.indirect.gather [hbm4b:s4+s21], $0x10, s28, s21, $0xb8;
	[tilespmem:$0x1AC20] =	vst v63  }
0x169: {  	p0 =	sne.s32 s22, $0xF  }
0x16a: {  	[tilespmem:s0], [sflag:$0x2] =	stream.indirect.gather [hbm4b:s4+s21], $0x10, s31, s21, $0xb8;
	[tilespmem:$0x1AC20] =	vst v63  }
.Ltmp4:
0x16b: {  	_ = 	snop;
	(pc) =	sbr.rel @p0 .LBB2_2-.Ltmp4, $4  }
0x16c: {  	_ = 	snop  }
0x16d: {  	[tilespmem:s12], [sflag:$0x2] =	stream.indirect.gather [hbm4b:s4+s21], $0x10, s9, s21, $0xb8;
	[tilespmem:$0x1AC20] =	vst v63  }
0x16e: {  	_ = 	snop  }
0x16f: {  	[tilespmem:s16], [sflag:$0x2] =	stream.indirect.gather [hbm4b:s5+s3], $0x10, s11, s3, $0xb8;
	[tilespmem:$0x1AC20] =	vst v63  }
0x170: {  	_ =	swait.ge [sflag:s17], $0xC800  }
0x171: {  	[sflag:s17] =	ssyncset.done $0x0  }
0x172: {  	[sflag:s17] =	ssyncadd.s32 $0xFFFF3800  }
0x173: {  	_ =	swait.ge [sflag:s17], $0x100  }
0x174: {  	[sflag:s17] =	ssyncset.done $0x0  }
0x175: {  	s22 =	simm.s32 $0x0;
	s23 =	simm.s32 $0xCD0;
	[sflag:s17] =	ssyncadd.s32 $0xFFFFFF00  }
.LBB2_12:
0x176: {  	v0 =	vmov s23;
	_ =	sdelay $0x2  }
0x177: {  	s24 =	sshll.u32 s22, $0x4  }
0x178: {  	s28 =	simm.s32 $0x0;
	v2 =	vld [tilespmem:s24+$0xD490]  }
0x179: {  	v1 =	vld.idx.msk [tilespmem:v0+s28+$0x30 ss:$0x1], $0xffff  }
0x17a: {  	v9 =	vld.idx.msk [tilespmem:v0+s28+$0xFFFFFFC0 ss:$0x1], $0xffff  }
0x17b: {  	v4 =	vld.idx.msk [tilespmem:v0+s28+$0xFFFFFFD0 ss:$0x1], $0xffff  }
0x17c: {  	v5 =	vld.idx.msk [tilespmem:v0+s28+$0xFFFFFFE0 ss:$0x1], $0xffff  }
0x17d: {  	v6 =	vld.idx.msk [tilespmem:v0+s28+$0xFFFFFFF0 ss:$0x1], $0xffff  }
0x17e: {  	v3 =	vimm.f32 $0.0e+00;
	v10 =	vimm.f32 $0.0e+00;
	v7 =	vld.idx.msk [tilespmem:v0+s28+$0x0 ss:$0x1], $0xffff  }
0x17f: {  	v13 =	vimm.f32 $0.0e+00;
	v11 =	vimm.f32 $0.0e+00;
	v12 =	vimm.f32 $0.0e+00;
	v8 =	vld.idx.msk [tilespmem:v0+s28+$0x10 ss:$0x1], $0xffff  }
0x180: {  	s25 =	simm.s32 $0x80;
	s26 =	simm.s32 $0x400;
	v14 =	vld.idx.msk [tilespmem:v0+s28+$0x20 ss:$0x1], $0xffff;
	v1 =	vadd.f32 v1, v3;
	v2 =	vadd.f32 v9, v2;
	v9 =	vimm.f32 $0.0e+00  }
.LBB2_13:
0x181: {  	p0 =	sne.s32 s26, $0x3000;
	v15 =	vld.idx.msk [tilespmem:v0+s25+$0x30 ss:$0x1], $0xffff;
	v3 =	vadd.f32 v4, v3  }
0x182: {  	v10 =	vadd.f32 v5, v10;
	v16 =	vld.idx.msk [tilespmem:v0+s25+$0xFFFFFFC0 ss:$0x1], $0xffff  }
0x183: {  	v9 =	vadd.f32 v6, v9;
	v4 =	vld.idx.msk [tilespmem:v0+s25+$0xFFFFFFD0 ss:$0x1], $0xffff  }
.Ltmp5:
0x184: {  	v13 =	vadd.f32 v7, v13;
	v5 =	vld.idx.msk [tilespmem:v0+s25+$0xFFFFFFE0 ss:$0x1], $0xffff;
	(pc) =	sbr.rel @p0 .LBB2_13-.Ltmp5, $4  }
0x185: {  	v11 =	vadd.f32 v8, v11;
	v6 =	vld.idx.msk [tilespmem:v0+s25+$0xFFFFFFF0 ss:$0x1], $0xffff  }
0x186: {  	v12 =	vadd.f32 v14, v12;
	v7 =	vld.idx.msk [tilespmem:v0+s25+$0x0 ss:$0x1], $0xffff  }
0x187: {  	v1 =	vadd.f32 v15, v1;
	v8 =	vld.idx.msk [tilespmem:v0+s25+$0x10 ss:$0x1], $0xffff  }
0x188: {  	v2 =	vadd.f32 v16, v2;
	v14 =	vld.idx.msk [tilespmem:v0+s25+$0x20 ss:$0x1], $0xffff;
	s25 =	sshra.s32 s26, $0x2;
	s26 =	sadd.s32 $0x200, s26  }
0x189: {  	_ =	sdelay $0x3  }
0x18a: {  	v15 =	vld.idx.msk [tilespmem:v0+s25+$0x30 ss:$0x1], $0xffff  }
0x18b: {  	v16 =	vld.idx.msk [tilespmem:v0+s25+$0xFFFFFFC0 ss:$0x1], $0xffff  }
0x18c: {  	v17 =	vld.idx.msk [tilespmem:v0+s25+$0xFFFFFFD0 ss:$0x1], $0xffff  }
0x18d: {  	v18 =	vld.idx.msk [tilespmem:v0+s25+$0xFFFFFFE0 ss:$0x1], $0xffff  }
0x18e: {  	v19 =	vld.idx.msk [tilespmem:v0+s25+$0xFFFFFFF0 ss:$0x1], $0xffff  }
0x18f: {  	v20 =	vld.idx.msk [tilespmem:v0+s25+$0x0 ss:$0x1], $0xffff  }
0x190: {  	v3 =	vadd.f32 v4, v3;
	v57 =	vadd.f32 v5, v10;
	v58 =	vld.idx.msk [tilespmem:v0+s25+$0x10 ss:$0x1], $0xffff  }
0x191: {  	v59 =	vld.idx.msk [tilespmem:v0+s25+$0x20 ss:$0x1], $0xffff;
	v6 =	vadd.f32 v6, v9;
	v7 =	vadd.f32 v7, v13  }
0x192: {  	v8 =	vadd.f32 v8, v11;
	v60 =	vadd.f32 v14, v12  }
0x193: {  	v1 =	vadd.f32 v15, v1;
	v2 =	vadd.f32 v16, v2  }
0x194: {  	v3 =	vadd.f32 v17, v3;
	v4 =	vadd.f32 v18, v57  }
0x195: {  	v6 =	vadd.f32 v19, v6;
	v7 =	vadd.f32 v20, v7  }
0x196: {  	v5 =	vadd.f32 v58, v8;
	v0 =	vadd.f32 v59, v60  }
0x197: {  	v2 =	vadd.f32 v3, v2;
	v61 =	vadd.f32 v6, v4  }
0x198: {  	s22 =	sadd.s32 $0x1, s22;
	v62 =	vadd.f32 v5, v7;
	v0 =	vadd.f32 v1, v0  }
0x199: {  	p0 =	sne.s32 s22, $0x10  }
.Ltmp6:
0x19a: {  	v63 =	vadd.f32 v61, v2;
	v0 =	vadd.f32 v0, v62;
	(pc) =	sbr.rel @p0 .LBB2_12-.Ltmp6, $3  }
0x19b: {  	_ = 	snop  }
0x19c: {  	v0 =	vadd.f32 v0, v63;
	_ =	sdelay $0x1  }
0x19d: {  	s23 =	sadd.s32 $0xC80, s23;
	[tilespmem:s24+$0x1AB20] =	vst v0  }
0x19e: {  	s22 =	simm.s32 $0x0;
	s23 =	rddreg [dreg:$0x7]  }
0x19f: {  	[hbm4b:s23+s22] =	stream.linear.scatter [tilespmem:s18], [sflag:$0x3], $0x100, $0x38;
	[tilespmem:$0x1AC20] =	vst v63  }
0x1a0: {  	_ =	swait.ge [sflag:s19], $0x100  }
0x1a1: {  	[sflag:s19] =	ssyncset.done $0x0  }
0x1a2: {  	[sflag:s19] =	ssyncadd.s32 $0xFFFFFF00  }
0x1a3: {  	_ =	swait.ge [sflag:s1], $0xC800  }
0x1a4: {  	[sflag:s1] =	ssyncset.done $0x0  }
0x1a5: {  	[sflag:s1] =	ssyncadd.s32 $0xFFFF3800  }
0x1a6: {  	_ =	swait.ge [sflag:s1], $0x100  }
0x1a7: {  	[sflag:s1] =	ssyncset.done $0x0  }
0x1a8: {  	s23 =	simm.s32 $0xE260;
	[sflag:s1] =	ssyncadd.s32 $0xFFFFFF00  }
.LBB2_16:
0x1a9: {  	v0 =	vmov s23;
	_ =	sdelay $0x2  }
0x1aa: {  	s24 =	sshll.u32 s22, $0x4  }
0x1ab: {  	s28 =	simm.s32 $0x0;
	v2 =	vld [tilespmem:s24+$0x1AA20]  }
0x1ac: {  	v1 =	vld.idx.msk [tilespmem:v0+s28+$0x30 ss:$0x1], $0xffff  }
0x1ad: {  	v9 =	vld.idx.msk [tilespmem:v0+s28+$0xFFFFFFC0 ss:$0x1], $0xffff  }
0x1ae: {  	v4 =	vld.idx.msk [tilespmem:v0+s28+$0xFFFFFFD0 ss:$0x1], $0xffff  }
0x1af: {  	v5 =	vld.idx.msk [tilespmem:v0+s28+$0xFFFFFFE0 ss:$0x1], $0xffff  }
0x1b0: {  	v6 =	vld.idx.msk [tilespmem:v0+s28+$0xFFFFFFF0 ss:$0x1], $0xffff  }
0x1b1: {  	v3 =	vimm.f32 $0.0e+00;
	v10 =	vimm.f32 $0.0e+00;
	v7 =	vld.idx.msk [tilespmem:v0+s28+$0x0 ss:$0x1], $0xffff  }
0x1b2: {  	v13 =	vimm.f32 $0.0e+00;
	v11 =	vimm.f32 $0.0e+00;
	v12 =	vimm.f32 $0.0e+00;
	v8 =	vld.idx.msk [tilespmem:v0+s28+$0x10 ss:$0x1], $0xffff  }
0x1b3: {  	s25 =	simm.s32 $0x80;
	s26 =	simm.s32 $0x400;
	v14 =	vld.idx.msk [tilespmem:v0+s28+$0x20 ss:$0x1], $0xffff;
	v1 =	vadd.f32 v1, v3;
	v2 =	vadd.f32 v9, v2;
	v9 =	vimm.f32 $0.0e+00  }
.LBB2_17:
0x1b4: {  	p0 =	sne.s32 s26, $0x3000;
	v15 =	vld.idx.msk [tilespmem:v0+s25+$0x30 ss:$0x1], $0xffff;
	v3 =	vadd.f32 v4, v3  }
0x1b5: {  	v10 =	vadd.f32 v5, v10;
	v16 =	vld.idx.msk [tilespmem:v0+s25+$0xFFFFFFC0 ss:$0x1], $0xffff  }
0x1b6: {  	v9 =	vadd.f32 v6, v9;
	v4 =	vld.idx.msk [tilespmem:v0+s25+$0xFFFFFFD0 ss:$0x1], $0xffff  }
.Ltmp7:
0x1b7: {  	v13 =	vadd.f32 v7, v13;
	v5 =	vld.idx.msk [tilespmem:v0+s25+$0xFFFFFFE0 ss:$0x1], $0xffff;
	(pc) =	sbr.rel @p0 .LBB2_17-.Ltmp7, $4  }
0x1b8: {  	v11 =	vadd.f32 v8, v11;
	v6 =	vld.idx.msk [tilespmem:v0+s25+$0xFFFFFFF0 ss:$0x1], $0xffff  }
0x1b9: {  	v12 =	vadd.f32 v14, v12;
	v7 =	vld.idx.msk [tilespmem:v0+s25+$0x0 ss:$0x1], $0xffff  }
0x1ba: {  	v1 =	vadd.f32 v15, v1;
	v8 =	vld.idx.msk [tilespmem:v0+s25+$0x10 ss:$0x1], $0xffff  }
0x1bb: {  	v2 =	vadd.f32 v16, v2;
	v14 =	vld.idx.msk [tilespmem:v0+s25+$0x20 ss:$0x1], $0xffff;
	s25 =	sshra.s32 s26, $0x2;
	s26 =	sadd.s32 $0x200, s26  }
0x1bc: {  	_ =	sdelay $0x3  }
0x1bd: {  	v15 =	vld.idx.msk [tilespmem:v0+s25+$0x30 ss:$0x1], $0xffff  }
0x1be: {  	v16 =	vld.idx.msk [tilespmem:v0+s25+$0xFFFFFFC0 ss:$0x1], $0xffff  }
0x1bf: {  	v17 =	vld.idx.msk [tilespmem:v0+s25+$0xFFFFFFD0 ss:$0x1], $0xffff  }
0x1c0: {  	v18 =	vld.idx.msk [tilespmem:v0+s25+$0xFFFFFFE0 ss:$0x1], $0xffff  }
0x1c1: {  	v19 =	vld.idx.msk [tilespmem:v0+s25+$0xFFFFFFF0 ss:$0x1], $0xffff  }
0x1c2: {  	v20 =	vld.idx.msk [tilespmem:v0+s25+$0x0 ss:$0x1], $0xffff  }
0x1c3: {  	v3 =	vadd.f32 v4, v3;
	v57 =	vadd.f32 v5, v10;
	v58 =	vld.idx.msk [tilespmem:v0+s25+$0x10 ss:$0x1], $0xffff  }
0x1c4: {  	v59 =	vld.idx.msk [tilespmem:v0+s25+$0x20 ss:$0x1], $0xffff;
	v6 =	vadd.f32 v6, v9;
	v7 =	vadd.f32 v7, v13  }
0x1c5: {  	v8 =	vadd.f32 v8, v11;
	v60 =	vadd.f32 v14, v12  }
0x1c6: {  	v1 =	vadd.f32 v15, v1;
	v2 =	vadd.f32 v16, v2  }
0x1c7: {  	v3 =	vadd.f32 v17, v3;
	v4 =	vadd.f32 v18, v57  }
0x1c8: {  	v6 =	vadd.f32 v19, v6;
	v7 =	vadd.f32 v20, v7  }
0x1c9: {  	v5 =	vadd.f32 v58, v8;
	v0 =	vadd.f32 v59, v60  }
0x1ca: {  	v2 =	vadd.f32 v3, v2;
	v61 =	vadd.f32 v6, v4  }
0x1cb: {  	s22 =	sadd.s32 $0x1, s22;
	v62 =	vadd.f32 v5, v7;
	v0 =	vadd.f32 v1, v0  }
0x1cc: {  	p0 =	sne.s32 s22, $0x10  }
.Ltmp8:
0x1cd: {  	v63 =	vadd.f32 v61, v2;
	v0 =	vadd.f32 v0, v62;
	(pc) =	sbr.rel @p0 .LBB2_16-.Ltmp8, $3  }
0x1ce: {  	_ = 	snop  }
0x1cf: {  	v0 =	vadd.f32 v0, v63;
	_ =	sdelay $0x1  }
0x1d0: {  	s23 =	sadd.s32 $0xC80, s23;
	[tilespmem:s24+$0x1AB20] =	vst v0  }
0x1d1: {  	s22 =	rddreg [dreg:$0x8]  }
0x1d2: {  	[hbm4b:s22+s2] =	stream.linear.scatter [tilespmem:s18], [sflag:$0x3], $0x100, $0x38;
	[tilespmem:$0x1AC20] =	vst v63  }
0x1d3: {  	_ =	swait.ge [sflag:s19], $0x100  }
0x1d4: {  	s23 =	rddreg [dreg:$0xa]  }
0x1d5: {  	s29 =	rddreg [dreg:$0x9];
	s23 =	sadd.s32 $0x1, s23  }
0x1d6: {  	p0 =	sne.s32 s23, s29  }
.Ltmp9:
0x1d7: {  	_ = 	snop;
	(pc) =	sbr.rel @p0 .LBB2_1-.Ltmp9, $3  }
0x1d8: {  	_ =	sdelay $0x1  }
0x1d9: {  	[sflag:s19] =	ssyncset.done $0x0  }
0x1da: {  	[sflag:s19] =	ssyncadd.s32 $0xFFFFFF00  }
0x1db: {  	_ =	sfence.sel $0x180000  }
0x1dc: {  	[bflag:$0x0] =	sbarrier.arrive $0xFFFF  }
0x1dd: {  	_ =	strace $0x90000047  }
0x1de: {  	s0 =	stileid.u32;
	[bflag:$0x2] =	sbarrier.arrive $0xFFFF  }
0x1df: {  	p0 =	sne.s32 s0, $0x0;
	s0 =	rddreg [dreg:$0x2]  }
0x1e0: {  	s0 =	sadd.s32 @!p0 $0x100000, s0  }
0x1e1: {  	[sflag:s0] =	ssyncadd.tile.s32 @!p0 $0x1;
	_ =	shalt  }
.Lfunc_end2:
_tile_overlayer_lowered:
.L_overlay_start_2:
0x1e2: {  	(tag) =	ssettag $0x2  }
0x1e3: {  	s0 =	rddreg [dreg:$0x0];
	s2 =	stileid.u32  }
0x1e4: {  	s1 =	rddreg [dreg:$0x1];
	p0 =	sne.s32 s2, $0x0  }
0x1e5: {  	s3 =	rddreg [dreg:$0x2];
	[bflag:$0x3] =	sbarrier.arrive $0xFFFF;
	s2 =	simm.s32 @!p0 $0x1C03  }
0x1e6: {  	[timem:s3], [sflag:s2] =	dma.local @!p0 [hbm:s0], s1  }
0x1e7: {  	s0 =	simm.s32 @!p0 $0x3  }
0x1e8: {  	_ =	swait.ge @!p0 [sflag:s0], s1  }
0x1e9: {  	s1 =	ssub.s32 @!p0 $0x0, s1;
	[sflag:s0] =	ssyncset.done @!p0 $0x0  }
0x1ea: {  	[sflag:s0] =	ssyncadd.s32 @!p0 s1  }
0x1eb: {  	[bflag:$0x3] =	sbarrier.arrive $0xFFFF  }
0x1ec: {  	_ =	shalt  }

</sc_bundles>
